<compile_context>
chip_gen: v7x
topology: tpu7x:2x2x1
jax: 0.10.2.dev20260603
libtpu: 0.0.44.dev20260713+nightly
codegen_flags: <defaults>
</compile_context>

<pallas_src>
import functools

import jax
import jax.numpy as jnp
from jax import lax
from jax.experimental import pallas as pl
from jax.experimental.pallas import tpu as pltpu
from jax.experimental.pallas import tpu_sc as plsc

_REG_WEIGHT = 0.01
_D = 128
_L = 16
_B = 64
_NSLOT = 4
_PAD_ROWS = 2048


def _tc_body(y_ref, t_ref, x_ref, wt_ref, wb_ref, b_ref, u_ref, v_ref, base_ref):
    x = x_ref[...]
    n = x.shape[0]
    u_ref[pl.ds(0, n), :] = jnp.dot(
        x, wt_ref[...], preferred_element_type=jnp.float32) + b_ref[...]
    v_ref[pl.ds(0, n), :] = jnp.dot(
        x, wb_ref[...], preferred_element_type=jnp.float32)
    zpad = jnp.zeros((_PAD_ROWS, _D), jnp.float32)
    u_ref[pl.ds(n, _PAD_ROWS), :] = zpad
    v_ref[pl.ds(n, _PAD_ROWS), :] = zpad
    base_ref[...] = jnp.sum(jnp.abs(y_ref[...] - t_ref[...])).reshape(1, 1)


def _tc_stage(y2, t2, x, wt, wb, b2):
    n_nodes = x.shape[0]
    return pl.pallas_call(
        _tc_body,
        out_shape=[
            jax.ShapeDtypeStruct((n_nodes + _PAD_ROWS, _D), jnp.float32),
            jax.ShapeDtypeStruct((n_nodes + _PAD_ROWS, _D), jnp.float32),
            jax.ShapeDtypeStruct((1, 1), jnp.float32),
        ],
    )(y2, t2, x, wt, wb, b2)


def _make_sc_stage(n_edges_padded):
    info = plsc.get_sparse_core_info()
    nc, ns = info.num_cores, info.num_subcores
    nw = nc * ns
    epw = n_edges_padded // nw
    nblk = epw // _B
    assert epw * nw == n_edges_padded and nblk * _B == epw and nblk % _NSLOT == 0

    mesh = plsc.VectorSubcoreMesh(core_axis_name="c", subcore_axis_name="s")

    @functools.partial(
        pl.kernel,
        mesh=mesh,
        compiler_params=pltpu.CompilerParams(needs_layout_passes=False),
        out_type=jax.ShapeDtypeStruct((nw, _L), jnp.float32),
        scratch_types=[
            pltpu.VMEM((epw,), jnp.int32),
            pltpu.VMEM((epw,), jnp.int32),
            pltpu.VMEM((_NSLOT, _B, _D), jnp.float32),
            pltpu.VMEM((_NSLOT, _B, _D), jnp.float32),
            pltpu.VMEM((_L,), jnp.float32),
        ] + [pltpu.SemaphoreType.DMA] * (2 * _NSLOT),
    )
    def sc_edge(u_hbm, v_hbm, src_hbm, dst_hbm, out_hbm,
                idxs_v, idxd_v, bufu, bufv, accv, *allsems):
        wid = lax.axis_index("s") * nc + lax.axis_index("c")
        base = wid * epw

        pltpu.sync_copy(src_hbm.at[pl.ds(base, epw)], idxs_v)
        pltpu.sync_copy(dst_hbm.at[pl.ds(base, epw)], idxd_v)

        sems = tuple((allsems[2 * s], allsems[2 * s + 1]) for s in range(_NSLOT))

        def start(g, slot):
            su, sv = sems[slot]
            pltpu.async_copy(u_hbm.at[idxs_v.at[pl.ds(g * _B, _B)]],
                             bufu.at[slot], su)
            pltpu.async_copy(v_hbm.at[idxd_v.at[pl.ds(g * _B, _B)]],
                             bufv.at[slot], sv)

        def wait(g, slot):
            su, sv = sems[slot]
            pltpu.make_async_copy(u_hbm.at[idxs_v.at[pl.ds(g * _B, _B)]],
                                  bufu.at[slot], su).wait()
            pltpu.make_async_copy(v_hbm.at[idxd_v.at[pl.ds(g * _B, _B)]],
                                  bufv.at[slot], sv).wait()

        def consume(slot, accs):
            bu, bv = bufu.at[slot], bufv.at[slot]

            def row(j, a):
                a = list(a)
                for c in range(_D // _L):
                    cs = pl.ds(c * _L, _L)
                    a[c % 4] = a[c % 4] + jnp.abs(bu[j, cs] + bv[j, cs])
                return tuple(a)

            return lax.fori_loop(0, _B, row, accs)

        for s in range(_NSLOT):
            start(s, s)
        zero = jnp.zeros((_L,), jnp.float32)

        def ring(gq, accs):
            g0 = _NSLOT * gq
            for s in range(_NSLOT):
                wait(g0 + s, s)
                accs = consume(s, accs)
                start(g0 + s + _NSLOT, s)
            return accs

        accs = lax.fori_loop(0, nblk // _NSLOT - 1, ring,
                             (zero, zero, zero, zero))
        g0 = (nblk // _NSLOT - 1) * _NSLOT
        for s in range(_NSLOT):
            wait(g0 + s, s)
            accs = consume(s, accs)
        accv[...] = accs[0] + accs[1] + accs[2] + accs[3]
        pltpu.sync_copy(accv, out_hbm.at[wid])

    return sc_edge


def kernel(y, target, x, edge_index, W_msg, b_msg):
    n_nodes = x.shape[0]
    n_edges = edge_index.shape[1]
    nw = 32
    blk = nw * _NSLOT * _B
    epw = ((n_edges + blk - 1) // blk) * _NSLOT * _B
    n_pad = nw * epw - n_edges

    ei = edge_index.astype(jnp.int32)
    pad = n_nodes + (jnp.arange(n_pad, dtype=jnp.int32) % _PAD_ROWS)
    src = jnp.concatenate([ei[0], pad])
    dst = jnp.concatenate([ei[1], pad])

    wt, wb = W_msg[:_D], W_msg[_D:]
    y2 = y.reshape(80, n_nodes // 80)
    t2 = target.reshape(80, n_nodes // 80)
    u, v, base_sum = _tc_stage(y2, t2, x, wt, wb, b_msg.reshape(1, _D))
    parts = _make_sc_stage(nw * epw)(u, v, src, dst)
    base_loss = base_sum[0, 0] / n_nodes
    l1_reg = jnp.sum(parts) / n_edges
    total_loss = base_loss + _REG_WEIGHT * l1_reg
    return (total_loss, base_loss, l1_reg)

# --- scband reference (transcript-rebuilt; emitter-appended) ---
"""Pipeline reference for scband-maeloss-with-l1-message-reg-11123965297165 (READ-ONLY COPY).

The authoritative reference and input builder live on the scoring server;
editing this copy changes nothing except your own understanding.
"""

import jax, jax.numpy as jnp
import numpy as np

REG_WEIGHT = 0.01


def setup_inputs(seed: int = 0) -> dict:
    key = jax.random.key(seed)
    k_y, k_t, k_x, k_e, k_w, k_b = jax.random.split(key, 6)
    n_nodes = 10000
    n_edges = 320000
    d_feat = 128
    y = jax.random.normal(k_y, (n_nodes, 1), dtype=jnp.float32)
    target = jax.random.normal(k_t, (n_nodes, 1), dtype=jnp.float32)
    x = jax.random.normal(k_x, (n_nodes, d_feat), dtype=jnp.float32)
    edge_index = jax.random.randint(k_e, (2, n_edges), 0, n_nodes, dtype=jnp.int64)
    # MessagePassing model's message function parameters: linear on concat(src, dst)
    W_msg = jax.random.normal(k_w, (2 * d_feat, d_feat), dtype=jnp.float32) * (1.0 / np.sqrt(2 * d_feat))
    b_msg = jax.random.normal(k_b, (d_feat,), dtype=jnp.float32) * 0.01
    return {"y": y, "target": target, "x": x, "edge_index": edge_index, "W_msg": W_msg, "b_msg": b_msg}


def reference(y, target, x, edge_index, W_msg, b_msg):
    # base MAE loss on predictions stored in batch.y vs target
    base_loss = jnp.sum(jnp.abs(y - target)) / y.shape[0]
    total_loss = base_loss
    # L1 regularization on messages: gather src/dst node features, run model.message
    s = jnp.take(x, edge_index[0], axis=0)
    r = jnp.take(x, edge_index[1], axis=0)
    messages = jnp.concatenate([s, r], axis=-1) @ W_msg + b_msg
    l1_reg = jnp.sum(jnp.abs(messages)) / messages.shape[0]
    total_loss = total_loss + REG_WEIGHT * l1_reg
    return (total_loss, base_loss, l1_reg)

if __name__ == "__main__":
    import jax
    _d = setup_inputs()
    print(jax.jit(kernel)(*tuple(_d.values())))

</pallas_src>

<mosaic_0001>
#map = affine_map<(d0, d1) -> (0, 0)>
#map1 = affine_map<(d0, d1) -> (0)>
module attributes {stable_mosaic.version = 14 : i64} {
  func.func @sc_edge(%arg0: i32, %arg1: i32, %arg2: memref<12048x128xf32, #tpu.memory_space<hbm>>, %arg3: memref<12048x128xf32, #tpu.memory_space<hbm>>, %arg4: memref<327680xi32, #tpu.memory_space<hbm>>, %arg5: memref<327680xi32, #tpu.memory_space<hbm>>, %arg6: memref<32x16xf32, #tpu.memory_space<hbm>>, %arg7: memref<10240xi32, #tpu.memory_space<vmem>>, %arg8: memref<10240xi32, #tpu.memory_space<vmem>>, %arg9: memref<4x64x128xf32, #tpu.memory_space<vmem>>, %arg10: memref<4x64x128xf32, #tpu.memory_space<vmem>>, %arg11: memref<16xf32, #tpu.memory_space<vmem>>, %arg12: memref<!tpu.dma_semaphore, #tpu.memory_space<semaphore_mem>>, %arg13: memref<!tpu.dma_semaphore, #tpu.memory_space<semaphore_mem>>, %arg14: memref<!tpu.dma_semaphore, #tpu.memory_space<semaphore_mem>>, %arg15: memref<!tpu.dma_semaphore, #tpu.memory_space<semaphore_mem>>, %arg16: memref<!tpu.dma_semaphore, #tpu.memory_space<semaphore_mem>>, %arg17: memref<!tpu.dma_semaphore, #tpu.memory_space<semaphore_mem>>, %arg18: memref<!tpu.dma_semaphore, #tpu.memory_space<semaphore_mem>>, %arg19: memref<!tpu.dma_semaphore, #tpu.memory_space<semaphore_mem>>) attributes {dimension_semantics = [#tpu.dimension_semantics<core_parallel>, #tpu.dimension_semantics<subcore_parallel>], iteration_bounds = array<i64: 2, 16>, scalar_prefetch = 0 : i64, scratch_operands = 13 : i64, tpu.core_type = #tpu.core_type<sc_vector_subcore>, window_params = [{transform_indices = #map}, {transform_indices = #map}, {transform_indices = #map1}, {transform_indices = #map1}, {transform_indices = #map}]} {
    %mul3A = arith.constant 2 : i32
    %mul3A_0 = arith.muli %arg1, %mul3A : i32
    %add3A = arith.addi %mul3A_0, %arg0 : i32
    %mul3A_1 = arith.constant 10240 : i32
    %mul3A_2 = arith.muli %add3A, %mul3A_1 : i32
    "tpu.region"() ({
      %run_scoped3A = tpu.sem_alloc : memref<!tpu.dma_semaphore, #tpu.memory_space<semaphore_mem>>
      %dma_start3A_203 = tpu.memref_slice %arg4[%mul3A_2] : memref<327680xi32, #tpu.memory_space<hbm>> -> memref<10240xi32, #tpu.memory_space<hbm>>
      %dma_start3A_204 = tpu.memref_slice %arg4[%mul3A_2] : memref<327680xi32, #tpu.memory_space<hbm>> -> memref<10240xi32, #tpu.memory_space<hbm>>
      tpu.enqueue_dma source(%dma_start3A_204 : memref<10240xi32, #tpu.memory_space<hbm>>) target(%arg7 : memref<10240xi32, #tpu.memory_space<vmem>>) target_semaphore(%run_scoped3A : memref<!tpu.dma_semaphore, #tpu.memory_space<semaphore_mem>>)
      %dma_wait3A_205 = tpu.memref_slice %arg4[%mul3A_2] : memref<327680xi32, #tpu.memory_space<hbm>> -> memref<10240xi32, #tpu.memory_space<hbm>>
      %dma_wait3A_206 = tpu.memref_slice %arg4[%mul3A_2] : memref<327680xi32, #tpu.memory_space<hbm>> -> memref<10240xi32, #tpu.memory_space<hbm>>
      tpu.wait_dma2 semaphore(%run_scoped3A : memref<!tpu.dma_semaphore, #tpu.memory_space<semaphore_mem>>) src(%dma_wait3A_206 : memref<10240xi32, #tpu.memory_space<hbm>>) dst(%arg7 : memref<10240xi32, #tpu.memory_space<vmem>>)
      tpu.yield
    }) : () -> ()
    "tpu.region"() ({
      %run_scoped3A = tpu.sem_alloc : memref<!tpu.dma_semaphore, #tpu.memory_space<semaphore_mem>>
      %dma_start3A_203 = tpu.memref_slice %arg5[%mul3A_2] : memref<327680xi32, #tpu.memory_space<hbm>> -> memref<10240xi32, #tpu.memory_space<hbm>>
      %dma_start3A_204 = tpu.memref_slice %arg5[%mul3A_2] : memref<327680xi32, #tpu.memory_space<hbm>> -> memref<10240xi32, #tpu.memory_space<hbm>>
      tpu.enqueue_dma source(%dma_start3A_204 : memref<10240xi32, #tpu.memory_space<hbm>>) target(%arg8 : memref<10240xi32, #tpu.memory_space<vmem>>) target_semaphore(%run_scoped3A : memref<!tpu.dma_semaphore, #tpu.memory_space<semaphore_mem>>)
      %dma_wait3A_205 = tpu.memref_slice %arg5[%mul3A_2] : memref<327680xi32, #tpu.memory_space<hbm>> -> memref<10240xi32, #tpu.memory_space<hbm>>
      %dma_wait3A_206 = tpu.memref_slice %arg5[%mul3A_2] : memref<327680xi32, #tpu.memory_space<hbm>> -> memref<10240xi32, #tpu.memory_space<hbm>>
      tpu.wait_dma2 semaphore(%run_scoped3A : memref<!tpu.dma_semaphore, #tpu.memory_space<semaphore_mem>>) src(%dma_wait3A_206 : memref<10240xi32, #tpu.memory_space<hbm>>) dst(%arg8 : memref<10240xi32, #tpu.memory_space<vmem>>)
      tpu.yield
    }) : () -> ()
    %dma_start3A = arith.constant 0 : i32
    %dma_start3A_3 = arith.constant 0 : i32
    %dma_start3A_4 = arith.constant 0 : i32
    %dma_start3A_5 = tpu.memref_slice %arg9[%dma_start3A, %dma_start3A_3, %dma_start3A_4] : memref<4x64x128xf32, #tpu.memory_space<vmem>> -> memref<1x64x128xf32, #tpu.memory_space<vmem>>
    %dma_start3A_6 = tpu.memref_squeeze %dma_start3A_5 : memref<1x64x128xf32, #tpu.memory_space<vmem>> -> memref<64x128xf32, #tpu.memory_space<vmem>>
    %dma_start3A_7 = arith.constant 0 : i32
    %dma_start3A_8 = tpu.memref_slice %arg7[%dma_start3A_7] : memref<10240xi32, #tpu.memory_space<vmem>> -> memref<64xi32, #tpu.memory_space<vmem>>
    %dma_start3A_9 = arith.constant 0 : i32
    %dma_start3A_10 = arith.constant 0 : i32
    %dma_start3A_11 = tpu.memref_slice %arg2[%dma_start3A_9, %dma_start3A_10] : memref<12048x128xf32, #tpu.memory_space<hbm>> -> memref<12048x128xf32, #tpu.memory_space<hbm>>
    tpu.enqueue_indirect_dma source(%dma_start3A_11 : memref<12048x128xf32, #tpu.memory_space<hbm>>) target(%dma_start3A_6 : memref<64x128xf32, #tpu.memory_space<vmem>>) offsets(%dma_start3A_8 : memref<64xi32, #tpu.memory_space<vmem>>) semaphore(%arg12 : memref<!tpu.dma_semaphore, #tpu.memory_space<semaphore_mem>>)
    %dma_start3A_12 = arith.constant 0 : i32
    %dma_start3A_13 = arith.constant 0 : i32
    %dma_start3A_14 = arith.constant 0 : i32
    %dma_start3A_15 = tpu.memref_slice %arg10[%dma_start3A_12, %dma_start3A_13, %dma_start3A_14] : memref<4x64x128xf32, #tpu.memory_space<vmem>> -> memref<1x64x128xf32, #tpu.memory_space<vmem>>
    %dma_start3A_16 = tpu.memref_squeeze %dma_start3A_15 : memref<1x64x128xf32, #tpu.memory_space<vmem>> -> memref<64x128xf32, #tpu.memory_space<vmem>>
    %dma_start3A_17 = arith.constant 0 : i32
    %dma_start3A_18 = tpu.memref_slice %arg8[%dma_start3A_17] : memref<10240xi32, #tpu.memory_space<vmem>> -> memref<64xi32, #tpu.memory_space<vmem>>
    %dma_start3A_19 = arith.constant 0 : i32
    %dma_start3A_20 = arith.constant 0 : i32
    %dma_start3A_21 = tpu.memref_slice %arg3[%dma_start3A_19, %dma_start3A_20] : memref<12048x128xf32, #tpu.memory_space<hbm>> -> memref<12048x128xf32, #tpu.memory_space<hbm>>
    tpu.enqueue_indirect_dma source(%dma_start3A_21 : memref<12048x128xf32, #tpu.memory_space<hbm>>) target(%dma_start3A_16 : memref<64x128xf32, #tpu.memory_space<vmem>>) offsets(%dma_start3A_18 : memref<64xi32, #tpu.memory_space<vmem>>) semaphore(%arg13 : memref<!tpu.dma_semaphore, #tpu.memory_space<semaphore_mem>>)
    %dma_start3A_22 = arith.constant 1 : i32
    %dma_start3A_23 = arith.constant 0 : i32
    %dma_start3A_24 = arith.constant 0 : i32
    %dma_start3A_25 = tpu.memref_slice %arg9[%dma_start3A_22, %dma_start3A_23, %dma_start3A_24] : memref<4x64x128xf32, #tpu.memory_space<vmem>> -> memref<1x64x128xf32, #tpu.memory_space<vmem>>
    %dma_start3A_26 = tpu.memref_squeeze %dma_start3A_25 : memref<1x64x128xf32, #tpu.memory_space<vmem>> -> memref<64x128xf32, #tpu.memory_space<vmem>>
    %dma_start3A_27 = arith.constant 64 : i32
    %dma_start3A_28 = tpu.memref_slice %arg7[%dma_start3A_27] : memref<10240xi32, #tpu.memory_space<vmem>> -> memref<64xi32, #tpu.memory_space<vmem>>
    %dma_start3A_29 = arith.constant 0 : i32
    %dma_start3A_30 = arith.constant 0 : i32
    %dma_start3A_31 = tpu.memref_slice %arg2[%dma_start3A_29, %dma_start3A_30] : memref<12048x128xf32, #tpu.memory_space<hbm>> -> memref<12048x128xf32, #tpu.memory_space<hbm>>
    tpu.enqueue_indirect_dma source(%dma_start3A_31 : memref<12048x128xf32, #tpu.memory_space<hbm>>) target(%dma_start3A_26 : memref<64x128xf32, #tpu.memory_space<vmem>>) offsets(%dma_start3A_28 : memref<64xi32, #tpu.memory_space<vmem>>) semaphore(%arg14 : memref<!tpu.dma_semaphore, #tpu.memory_space<semaphore_mem>>)
    %dma_start3A_32 = arith.constant 1 : i32
    %dma_start3A_33 = arith.constant 0 : i32
    %dma_start3A_34 = arith.constant 0 : i32
    %dma_start3A_35 = tpu.memref_slice %arg10[%dma_start3A_32, %dma_start3A_33, %dma_start3A_34] : memref<4x64x128xf32, #tpu.memory_space<vmem>> -> memref<1x64x128xf32, #tpu.memory_space<vmem>>
    %dma_start3A_36 = tpu.memref_squeeze %dma_start3A_35 : memref<1x64x128xf32, #tpu.memory_space<vmem>> -> memref<64x128xf32, #tpu.memory_space<vmem>>
    %dma_start3A_37 = arith.constant 64 : i32
    %dma_start3A_38 = tpu.memref_slice %arg8[%dma_start3A_37] : memref<10240xi32, #tpu.memory_space<vmem>> -> memref<64xi32, #tpu.memory_space<vmem>>
    %dma_start3A_39 = arith.constant 0 : i32
    %dma_start3A_40 = arith.constant 0 : i32
    %dma_start3A_41 = tpu.memref_slice %arg3[%dma_start3A_39, %dma_start3A_40] : memref<12048x128xf32, #tpu.memory_space<hbm>> -> memref<12048x128xf32, #tpu.memory_space<hbm>>
    tpu.enqueue_indirect_dma source(%dma_start3A_41 : memref<12048x128xf32, #tpu.memory_space<hbm>>) target(%dma_start3A_36 : memref<64x128xf32, #tpu.memory_space<vmem>>) offsets(%dma_start3A_38 : memref<64xi32, #tpu.memory_space<vmem>>) semaphore(%arg15 : memref<!tpu.dma_semaphore, #tpu.memory_space<semaphore_mem>>)
    %dma_start3A_42 = arith.constant 2 : i32
    %dma_start3A_43 = arith.constant 0 : i32
    %dma_start3A_44 = arith.constant 0 : i32
    %dma_start3A_45 = tpu.memref_slice %arg9[%dma_start3A_42, %dma_start3A_43, %dma_start3A_44] : memref<4x64x128xf32, #tpu.memory_space<vmem>> -> memref<1x64x128xf32, #tpu.memory_space<vmem>>
    %dma_start3A_46 = tpu.memref_squeeze %dma_start3A_45 : memref<1x64x128xf32, #tpu.memory_space<vmem>> -> memref<64x128xf32, #tpu.memory_space<vmem>>
    %dma_start3A_47 = arith.constant 128 : i32
    %dma_start3A_48 = tpu.memref_slice %arg7[%dma_start3A_47] : memref<10240xi32, #tpu.memory_space<vmem>> -> memref<64xi32, #tpu.memory_space<vmem>>
    %dma_start3A_49 = arith.constant 0 : i32
    %dma_start3A_50 = arith.constant 0 : i32
    %dma_start3A_51 = tpu.memref_slice %arg2[%dma_start3A_49, %dma_start3A_50] : memref<12048x128xf32, #tpu.memory_space<hbm>> -> memref<12048x128xf32, #tpu.memory_space<hbm>>
    tpu.enqueue_indirect_dma source(%dma_start3A_51 : memref<12048x128xf32, #tpu.memory_space<hbm>>) target(%dma_start3A_46 : memref<64x128xf32, #tpu.memory_space<vmem>>) offsets(%dma_start3A_48 : memref<64xi32, #tpu.memory_space<vmem>>) semaphore(%arg16 : memref<!tpu.dma_semaphore, #tpu.memory_space<semaphore_mem>>)
    %dma_start3A_52 = arith.constant 2 : i32
    %dma_start3A_53 = arith.constant 0 : i32
    %dma_start3A_54 = arith.constant 0 : i32
    %dma_start3A_55 = tpu.memref_slice %arg10[%dma_start3A_52, %dma_start3A_53, %dma_start3A_54] : memref<4x64x128xf32, #tpu.memory_space<vmem>> -> memref<1x64x128xf32, #tpu.memory_space<vmem>>
    %dma_start3A_56 = tpu.memref_squeeze %dma_start3A_55 : memref<1x64x128xf32, #tpu.memory_space<vmem>> -> memref<64x128xf32, #tpu.memory_space<vmem>>
    %dma_start3A_57 = arith.constant 128 : i32
    %dma_start3A_58 = tpu.memref_slice %arg8[%dma_start3A_57] : memref<10240xi32, #tpu.memory_space<vmem>> -> memref<64xi32, #tpu.memory_space<vmem>>
    %dma_start3A_59 = arith.constant 0 : i32
    %dma_start3A_60 = arith.constant 0 : i32
    %dma_start3A_61 = tpu.memref_slice %arg3[%dma_start3A_59, %dma_start3A_60] : memref<12048x128xf32, #tpu.memory_space<hbm>> -> memref<12048x128xf32, #tpu.memory_space<hbm>>
    tpu.enqueue_indirect_dma source(%dma_start3A_61 : memref<12048x128xf32, #tpu.memory_space<hbm>>) target(%dma_start3A_56 : memref<64x128xf32, #tpu.memory_space<vmem>>) offsets(%dma_start3A_58 : memref<64xi32, #tpu.memory_space<vmem>>) semaphore(%arg17 : memref<!tpu.dma_semaphore, #tpu.memory_space<semaphore_mem>>)
    %dma_start3A_62 = arith.constant 3 : i32
    %dma_start3A_63 = arith.constant 0 : i32
    %dma_start3A_64 = arith.constant 0 : i32
    %dma_start3A_65 = tpu.memref_slice %arg9[%dma_start3A_62, %dma_start3A_63, %dma_start3A_64] : memref<4x64x128xf32, #tpu.memory_space<vmem>> -> memref<1x64x128xf32, #tpu.memory_space<vmem>>
    %dma_start3A_66 = tpu.memref_squeeze %dma_start3A_65 : memref<1x64x128xf32, #tpu.memory_space<vmem>> -> memref<64x128xf32, #tpu.memory_space<vmem>>
    %dma_start3A_67 = arith.constant 192 : i32
    %dma_start3A_68 = tpu.memref_slice %arg7[%dma_start3A_67] : memref<10240xi32, #tpu.memory_space<vmem>> -> memref<64xi32, #tpu.memory_space<vmem>>
    %dma_start3A_69 = arith.constant 0 : i32
    %dma_start3A_70 = arith.constant 0 : i32
    %dma_start3A_71 = tpu.memref_slice %arg2[%dma_start3A_69, %dma_start3A_70] : memref<12048x128xf32, #tpu.memory_space<hbm>> -> memref<12048x128xf32, #tpu.memory_space<hbm>>
    tpu.enqueue_indirect_dma source(%dma_start3A_71 : memref<12048x128xf32, #tpu.memory_space<hbm>>) target(%dma_start3A_66 : memref<64x128xf32, #tpu.memory_space<vmem>>) offsets(%dma_start3A_68 : memref<64xi32, #tpu.memory_space<vmem>>) semaphore(%arg18 : memref<!tpu.dma_semaphore, #tpu.memory_space<semaphore_mem>>)
    %dma_start3A_72 = arith.constant 3 : i32
    %dma_start3A_73 = arith.constant 0 : i32
    %dma_start3A_74 = arith.constant 0 : i32
    %dma_start3A_75 = tpu.memref_slice %arg10[%dma_start3A_72, %dma_start3A_73, %dma_start3A_74] : memref<4x64x128xf32, #tpu.memory_space<vmem>> -> memref<1x64x128xf32, #tpu.memory_space<vmem>>
    %dma_start3A_76 = tpu.memref_squeeze %dma_start3A_75 : memref<1x64x128xf32, #tpu.memory_space<vmem>> -> memref<64x128xf32, #tpu.memory_space<vmem>>
    %dma_start3A_77 = arith.constant 192 : i32
    %dma_start3A_78 = tpu.memref_slice %arg8[%dma_start3A_77] : memref<10240xi32, #tpu.memory_space<vmem>> -> memref<64xi32, #tpu.memory_space<vmem>>
    %dma_start3A_79 = arith.constant 0 : i32
    %dma_start3A_80 = arith.constant 0 : i32
    %dma_start3A_81 = tpu.memref_slice %arg3[%dma_start3A_79, %dma_start3A_80] : memref<12048x128xf32, #tpu.memory_space<hbm>> -> memref<12048x128xf32, #tpu.memory_space<hbm>>
    tpu.enqueue_indirect_dma source(%dma_start3A_81 : memref<12048x128xf32, #tpu.memory_space<hbm>>) target(%dma_start3A_76 : memref<64x128xf32, #tpu.memory_space<vmem>>) offsets(%dma_start3A_78 : memref<64xi32, #tpu.memory_space<vmem>>) semaphore(%arg19 : memref<!tpu.dma_semaphore, #tpu.memory_space<semaphore_mem>>)
    %broadcast_in_dim3A = arith.constant 0.000000e+00 : f32
    %broadcast_in_dim3A_82 = vector.broadcast %broadcast_in_dim3A : f32 to vector<16xf32>
    %scan3A = arith.constant 0 : i32
    %scan3A_83 = arith.constant 39 : i32
    %scan3A_84 = arith.addi %scan3A, %scan3A_83 : i32
    %scan3A_85 = arith.constant 1 : i32
    %scan3A_86:4 = scf.for %scan3A_203 = %scan3A to %scan3A_84 step %scan3A_85 iter_args(%scan3A_204 = %broadcast_in_dim3A_82, %scan3A_205 = %broadcast_in_dim3A_82, %scan3A_206 = %broadcast_in_dim3A_82, %scan3A_207 = %broadcast_in_dim3A_82) -> (vector<16xf32>, vector<16xf32>, vector<16xf32>, vector<16xf32>)  : i32 {
      %mul3A_208 = arith.constant 4 : i32
      %mul3A_209 = arith.muli %mul3A_208, %scan3A_203 : i32
      %add3A_210 = arith.constant 0 : i32
      %add3A_211 = arith.addi %mul3A_209, %add3A_210 : i32
      %mul3A_212 = arith.constant 64 : i32
      %mul3A_213 = arith.muli %add3A_211, %mul3A_212 : i32
      %dma_wait3A_214 = arith.constant 0 : i32
      %dma_wait3A_215 = arith.constant 0 : i32
      %dma_wait3A_216 = arith.constant 0 : i32
      %dma_wait3A_217 = tpu.memref_slice %arg9[%dma_wait3A_214, %dma_wait3A_215, %dma_wait3A_216] : memref<4x64x128xf32, #tpu.memory_space<vmem>> -> memref<1x64x128xf32, #tpu.memory_space<vmem>>
      %dma_wait3A_218 = tpu.memref_squeeze %dma_wait3A_217 : memref<1x64x128xf32, #tpu.memory_space<vmem>> -> memref<64x128xf32, #tpu.memory_space<vmem>>
      %dma_wait3A_219 = tpu.memref_slice %arg7[%mul3A_213] : memref<10240xi32, #tpu.memory_space<vmem>> -> memref<64xi32, #tpu.memory_space<vmem>>
      %dma_wait3A_220 = arith.constant 0 : i32
      %dma_wait3A_221 = arith.constant 0 : i32
      %dma_wait3A_222 = tpu.memref_slice %arg2[%dma_wait3A_220, %dma_wait3A_221] : memref<12048x128xf32, #tpu.memory_space<hbm>> -> memref<12048x128xf32, #tpu.memory_space<hbm>>
      tpu.wait_indirect_dma semaphore(%arg12 : memref<!tpu.dma_semaphore, #tpu.memory_space<semaphore_mem>>) src(%dma_wait3A_222 : memref<12048x128xf32, #tpu.memory_space<hbm>>) dst(%dma_wait3A_218 : memref<64x128xf32, #tpu.memory_space<vmem>>)
      %mul3A_223 = arith.constant 64 : i32
      %mul3A_224 = arith.muli %add3A_211, %mul3A_223 : i32
      %dma_wait3A_225 = arith.constant 0 : i32
      %dma_wait3A_226 = arith.constant 0 : i32
      %dma_wait3A_227 = arith.constant 0 : i32
      %dma_wait3A_228 = tpu.memref_slice %arg10[%dma_wait3A_225, %dma_wait3A_226, %dma_wait3A_227] : memref<4x64x128xf32, #tpu.memory_space<vmem>> -> memref<1x64x128xf32, #tpu.memory_space<vmem>>
      %dma_wait3A_229 = tpu.memref_squeeze %dma_wait3A_228 : memref<1x64x128xf32, #tpu.memory_space<vmem>> -> memref<64x128xf32, #tpu.memory_space<vmem>>
      %dma_wait3A_230 = tpu.memref_slice %arg8[%mul3A_224] : memref<10240xi32, #tpu.memory_space<vmem>> -> memref<64xi32, #tpu.memory_space<vmem>>
      %dma_wait3A_231 = arith.constant 0 : i32
      %dma_wait3A_232 = arith.constant 0 : i32
      %dma_wait3A_233 = tpu.memref_slice %arg3[%dma_wait3A_231, %dma_wait3A_232] : memref<12048x128xf32, #tpu.memory_space<hbm>> -> memref<12048x128xf32, #tpu.memory_space<hbm>>
      tpu.wait_indirect_dma semaphore(%arg13 : memref<!tpu.dma_semaphore, #tpu.memory_space<semaphore_mem>>) src(%dma_wait3A_233 : memref<12048x128xf32, #tpu.memory_space<hbm>>) dst(%dma_wait3A_229 : memref<64x128xf32, #tpu.memory_space<vmem>>)
      %scan3A_234 = arith.constant 0 : i32
      %scan3A_235 = arith.constant 0 : i32
      %scan3A_236 = arith.constant 0 : i32
      %scan3A_237 = arith.constant 64 : i32
      %scan3A_238 = arith.addi %scan3A_236, %scan3A_237 : i32
      %scan3A_239 = arith.constant 1 : i32
      %scan3A_240:4 = scf.for %scan3A_442 = %scan3A_236 to %scan3A_238 step %scan3A_239 iter_args(%scan3A_443 = %scan3A_204, %scan3A_444 = %scan3A_205, %scan3A_445 = %scan3A_206, %scan3A_446 = %scan3A_207) -> (vector<16xf32>, vector<16xf32>, vector<16xf32>, vector<16xf32>)  : i32 {
        %get3A = arith.constant 0 : i32
        %get3A_447 = arith.constant 0 : i32
        %get3A_448 = tpu.memref_slice %arg9[%scan3A_234, %get3A, %get3A_447] : memref<4x64x128xf32, #tpu.memory_space<vmem>> -> memref<1x64x128xf32, #tpu.memory_space<vmem>>
        %get3A_449 = tpu.memref_squeeze %get3A_448 : memref<1x64x128xf32, #tpu.memory_space<vmem>> -> memref<64x128xf32, #tpu.memory_space<vmem>>
        %get3A_450 = arith.index_cast %scan3A_442 : i32 to index
        %get3A_451 = arith.constant 0 : index
        %get3A_452 = tpu.vector_load %get3A_449[%get3A_450, %get3A_451] {strides = array<i32>} : memref<64x128xf32, #tpu.memory_space<vmem>>, vector<16xf32>,
        %get3A_453 = arith.constant 0 : i32
        %get3A_454 = arith.constant 0 : i32
        %get3A_455 = tpu.memref_slice %arg10[%scan3A_235, %get3A_453, %get3A_454] : memref<4x64x128xf32, #tpu.memory_space<vmem>> -> memref<1x64x128xf32, #tpu.memory_space<vmem>>
        %get3A_456 = tpu.memref_squeeze %get3A_455 : memref<1x64x128xf32, #tpu.memory_space<vmem>> -> memref<64x128xf32, #tpu.memory_space<vmem>>
        %get3A_457 = arith.index_cast %scan3A_442 : i32 to index
        %get3A_458 = arith.constant 0 : index
        %get3A_459 = tpu.vector_load %get3A_456[%get3A_457, %get3A_458] {strides = array<i32>} : memref<64x128xf32, #tpu.memory_space<vmem>>, vector<16xf32>,
        %add3A_460 = arith.addf %get3A_452, %get3A_459 : vector<16xf32>
        %abs3A = math.absf %add3A_460 : vector<16xf32>
        %add3A_461 = arith.addf %scan3A_443, %abs3A : vector<16xf32>
        %get3A_462 = arith.constant 0 : i32
        %get3A_463 = arith.constant 0 : i32
        %get3A_464 = tpu.memref_slice %arg9[%scan3A_234, %get3A_462, %get3A_463] : memref<4x64x128xf32, #tpu.memory_space<vmem>> -> memref<1x64x128xf32, #tpu.memory_space<vmem>>
        %get3A_465 = tpu.memref_squeeze %get3A_464 : memref<1x64x128xf32, #tpu.memory_space<vmem>> -> memref<64x128xf32, #tpu.memory_space<vmem>>
        %get3A_466 = arith.index_cast %scan3A_442 : i32 to index
        %get3A_467 = arith.constant 16 : index
        %get3A_468 = tpu.vector_load %get3A_465[%get3A_466, %get3A_467] {strides = array<i32>} : memref<64x128xf32, #tpu.memory_space<vmem>>, vector<16xf32>,
        %get3A_469 = arith.constant 0 : i32
        %get3A_470 = arith.constant 0 : i32
        %get3A_471 = tpu.memref_slice %arg10[%scan3A_235, %get3A_469, %get3A_470] : memref<4x64x128xf32, #tpu.memory_space<vmem>> -> memref<1x64x128xf32, #tpu.memory_space<vmem>>
        %get3A_472 = tpu.memref_squeeze %get3A_471 : memref<1x64x128xf32, #tpu.memory_space<vmem>> -> memref<64x128xf32, #tpu.memory_space<vmem>>
        %get3A_473 = arith.index_cast %scan3A_442 : i32 to index
        %get3A_474 = arith.constant 16 : index
        %get3A_475 = tpu.vector_load %get3A_472[%get3A_473, %get3A_474] {strides = array<i32>} : memref<64x128xf32, #tpu.memory_space<vmem>>, vector<16xf32>,
        %add3A_476 = arith.addf %get3A_468, %get3A_475 : vector<16xf32>
        %abs3A_477 = math.absf %add3A_476 : vector<16xf32>
        %add3A_478 = arith.addf %scan3A_444, %abs3A_477 : vector<16xf32>
        %get3A_479 = arith.constant 0 : i32
        %get3A_480 = arith.constant 0 : i32
        %get3A_481 = tpu.memref_slice %arg9[%scan3A_234, %get3A_479, %get3A_480] : memref<4x64x128xf32, #tpu.memory_space<vmem>> -> memref<1x64x128xf32, #tpu.memory_space<vmem>>
        %get3A_482 = tpu.memref_squeeze %get3A_481 : memref<1x64x128xf32, #tpu.memory_space<vmem>> -> memref<64x128xf32, #tpu.memory_space<vmem>>
        %get3A_483 = arith.index_cast %scan3A_442 : i32 to index
        %get3A_484 = arith.constant 32 : index
        %get3A_485 = tpu.vector_load %get3A_482[%get3A_483, %get3A_484] {strides = array<i32>} : memref<64x128xf32, #tpu.memory_space<vmem>>, vector<16xf32>,
        %get3A_486 = arith.constant 0 : i32
        %get3A_487 = arith.constant 0 : i32
        %get3A_488 = tpu.memref_slice %arg10[%scan3A_235, %get3A_486, %get3A_487] : memref<4x64x128xf32, #tpu.memory_space<vmem>> -> memref<1x64x128xf32, #tpu.memory_space<vmem>>
        %get3A_489 = tpu.memref_squeeze %get3A_488 : memref<1x64x128xf32, #tpu.memory_space<vmem>> -> memref<64x128xf32, #tpu.memory_space<vmem>>
        %get3A_490 = arith.index_cast %scan3A_442 : i32 to index
        %get3A_491 = arith.constant 32 : index
        %get3A_492 = tpu.vector_load %get3A_489[%get3A_490, %get3A_491] {strides = array<i32>} : memref<64x128xf32, #tpu.memory_space<vmem>>, vector<16xf32>,
        %add3A_493 = arith.addf %get3A_485, %get3A_492 : vector<16xf32>
        %abs3A_494 = math.absf %add3A_493 : vector<16xf32>
        %add3A_495 = arith.addf %scan3A_445, %abs3A_494 : vector<16xf32>
        %get3A_496 = arith.constant 0 : i32
        %get3A_497 = arith.constant 0 : i32
        %get3A_498 = tpu.memref_slice %arg9[%scan3A_234, %get3A_496, %get3A_497] : memref<4x64x128xf32, #tpu.memory_space<vmem>> -> memref<1x64x128xf32, #tpu.memory_space<vmem>>
        %get3A_499 = tpu.memref_squeeze %get3A_498 : memref<1x64x128xf32, #tpu.memory_space<vmem>> -> memref<64x128xf32, #tpu.memory_space<vmem>>
        %get3A_500 = arith.index_cast %scan3A_442 : i32 to index
        %get3A_501 = arith.constant 48 : index
        %get3A_502 = tpu.vector_load %get3A_499[%get3A_500, %get3A_501] {strides = array<i32>} : memref<64x128xf32, #tpu.memory_space<vmem>>, vector<16xf32>,
        %get3A_503 = arith.constant 0 : i32
        %get3A_504 = arith.constant 0 : i32
        %get3A_505 = tpu.memref_slice %arg10[%scan3A_235, %get3A_503, %get3A_504] : memref<4x64x128xf32, #tpu.memory_space<vmem>> -> memref<1x64x128xf32, #tpu.memory_space<vmem>>
        %get3A_506 = tpu.memref_squeeze %get3A_505 : memref<1x64x128xf32, #tpu.memory_space<vmem>> -> memref<64x128xf32, #tpu.memory_space<vmem>>
        %get3A_507 = arith.index_cast %scan3A_442 : i32 to index
        %get3A_508 = arith.constant 48 : index
        %get3A_509 = tpu.vector_load %get3A_506[%get3A_507, %get3A_508] {strides = array<i32>} : memref<64x128xf32, #tpu.memory_space<vmem>>, vector<16xf32>,
        %add3A_510 = arith.addf %get3A_502, %get3A_509 : vector<16xf32>
        %abs3A_511 = math.absf %add3A_510 : vector<16xf32>
        %add3A_512 = arith.addf %scan3A_446, %abs3A_511 : vector<16xf32>
        %get3A_513 = arith.constant 0 : i32
        %get3A_514 = arith.constant 0 : i32
        %get3A_515 = tpu.memref_slice %arg9[%scan3A_234, %get3A_513, %get3A_514] : memref<4x64x128xf32, #tpu.memory_space<vmem>> -> memref<1x64x128xf32, #tpu.memory_space<vmem>>
        %get3A_516 = tpu.memref_squeeze %get3A_515 : memref<1x64x128xf32, #tpu.memory_space<vmem>> -> memref<64x128xf32, #tpu.memory_space<vmem>>
        %get3A_517 = arith.index_cast %scan3A_442 : i32 to index
        %get3A_518 = arith.constant 64 : index
        %get3A_519 = tpu.vector_load %get3A_516[%get3A_517, %get3A_518] {strides = array<i32>} : memref<64x128xf32, #tpu.memory_space<vmem>>, vector<16xf32>,
        %get3A_520 = arith.constant 0 : i32
        %get3A_521 = arith.constant 0 : i32
        %get3A_522 = tpu.memref_slice %arg10[%scan3A_235, %get3A_520, %get3A_521] : memref<4x64x128xf32, #tpu.memory_space<vmem>> -> memref<1x64x128xf32, #tpu.memory_space<vmem>>
        %get3A_523 = tpu.memref_squeeze %get3A_522 : memref<1x64x128xf32, #tpu.memory_space<vmem>> -> memref<64x128xf32, #tpu.memory_space<vmem>>
        %get3A_524 = arith.index_cast %scan3A_442 : i32 to index
        %get3A_525 = arith.constant 64 : index
        %get3A_526 = tpu.vector_load %get3A_523[%get3A_524, %get3A_525] {strides = array<i32>} : memref<64x128xf32, #tpu.memory_space<vmem>>, vector<16xf32>,
        %add3A_527 = arith.addf %get3A_519, %get3A_526 : vector<16xf32>
        %abs3A_528 = math.absf %add3A_527 : vector<16xf32>
        %add3A_529 = arith.addf %add3A_461, %abs3A_528 : vector<16xf32>
        %get3A_530 = arith.constant 0 : i32
        %get3A_531 = arith.constant 0 : i32
        %get3A_532 = tpu.memref_slice %arg9[%scan3A_234, %get3A_530, %get3A_531] : memref<4x64x128xf32, #tpu.memory_space<vmem>> -> memref<1x64x128xf32, #tpu.memory_space<vmem>>
        %get3A_533 = tpu.memref_squeeze %get3A_532 : memref<1x64x128xf32, #tpu.memory_space<vmem>> -> memref<64x128xf32, #tpu.memory_space<vmem>>
        %get3A_534 = arith.index_cast %scan3A_442 : i32 to index
        %get3A_535 = arith.constant 80 : index
        %get3A_536 = tpu.vector_load %get3A_533[%get3A_534, %get3A_535] {strides = array<i32>} : memref<64x128xf32, #tpu.memory_space<vmem>>, vector<16xf32>,
        %get3A_537 = arith.constant 0 : i32
        %get3A_538 = arith.constant 0 : i32
        %get3A_539 = tpu.memref_slice %arg10[%scan3A_235, %get3A_537, %get3A_538] : memref<4x64x128xf32, #tpu.memory_space<vmem>> -> memref<1x64x128xf32, #tpu.memory_space<vmem>>
        %get3A_540 = tpu.memref_squeeze %get3A_539 : memref<1x64x128xf32, #tpu.memory_space<vmem>> -> memref<64x128xf32, #tpu.memory_space<vmem>>
        %get3A_541 = arith.index_cast %scan3A_442 : i32 to index
        %get3A_542 = arith.constant 80 : index
        %get3A_543 = tpu.vector_load %get3A_540[%get3A_541, %get3A_542] {strides = array<i32>} : memref<64x128xf32, #tpu.memory_space<vmem>>, vector<16xf32>,
        %add3A_544 = arith.addf %get3A_536, %get3A_543 : vector<16xf32>
        %abs3A_545 = math.absf %add3A_544 : vector<16xf32>
        %add3A_546 = arith.addf %add3A_478, %abs3A_545 : vector<16xf32>
        %get3A_547 = arith.constant 0 : i32
        %get3A_548 = arith.constant 0 : i32
        %get3A_549 = tpu.memref_slice %arg9[%scan3A_234, %get3A_547, %get3A_548] : memref<4x64x128xf32, #tpu.memory_space<vmem>> -> memref<1x64x128xf32, #tpu.memory_space<vmem>>
        %get3A_550 = tpu.memref_squeeze %get3A_549 : memref<1x64x128xf32, #tpu.memory_space<vmem>> -> memref<64x128xf32, #tpu.memory_space<vmem>>
        %get3A_551 = arith.index_cast %scan3A_442 : i32 to index
        %get3A_552 = arith.constant 96 : index
        %get3A_553 = tpu.vector_load %get3A_550[%get3A_551, %get3A_552] {strides = array<i32>} : memref<64x128xf32, #tpu.memory_space<vmem>>, vector<16xf32>,
        %get3A_554 = arith.constant 0 : i32
        %get3A_555 = arith.constant 0 : i32
        %get3A_556 = tpu.memref_slice %arg10[%scan3A_235, %get3A_554, %get3A_555] : memref<4x64x128xf32, #tpu.memory_space<vmem>> -> memref<1x64x128xf32, #tpu.memory_space<vmem>>
        %get3A_557 = tpu.memref_squeeze %get3A_556 : memref<1x64x128xf32, #tpu.memory_space<vmem>> -> memref<64x128xf32, #tpu.memory_space<vmem>>
        %get3A_558 = arith.index_cast %scan3A_442 : i32 to index
        %get3A_559 = arith.constant 96 : index
        %get3A_560 = tpu.vector_load %get3A_557[%get3A_558, %get3A_559] {strides = array<i32>} : memref<64x128xf32, #tpu.memory_space<vmem>>, vector<16xf32>,
        %add3A_561 = arith.addf %get3A_553, %get3A_560 : vector<16xf32>
        %abs3A_562 = math.absf %add3A_561 : vector<16xf32>
        %add3A_563 = arith.addf %add3A_495, %abs3A_562 : vector<16xf32>
        %get3A_564 = arith.constant 0 : i32
        %get3A_565 = arith.constant 0 : i32
        %get3A_566 = tpu.memref_slice %arg9[%scan3A_234, %get3A_564, %get3A_565] : memref<4x64x128xf32, #tpu.memory_space<vmem>> -> memref<1x64x128xf32, #tpu.memory_space<vmem>>
        %get3A_567 = tpu.memref_squeeze %get3A_566 : memref<1x64x128xf32, #tpu.memory_space<vmem>> -> memref<64x128xf32, #tpu.memory_space<vmem>>
        %get3A_568 = arith.index_cast %scan3A_442 : i32 to index
        %get3A_569 = arith.constant 112 : index
        %get3A_570 = tpu.vector_load %get3A_567[%get3A_568, %get3A_569] {strides = array<i32>} : memref<64x128xf32, #tpu.memory_space<vmem>>, vector<16xf32>,
        %get3A_571 = arith.constant 0 : i32
        %get3A_572 = arith.constant 0 : i32
        %get3A_573 = tpu.memref_slice %arg10[%scan3A_235, %get3A_571, %get3A_572] : memref<4x64x128xf32, #tpu.memory_space<vmem>> -> memref<1x64x128xf32, #tpu.memory_space<vmem>>
        %get3A_574 = tpu.memref_squeeze %get3A_573 : memref<1x64x128xf32, #tpu.memory_space<vmem>> -> memref<64x128xf32, #tpu.memory_space<vmem>>
        %get3A_575 = arith.index_cast %scan3A_442 : i32 to index
        %get3A_576 = arith.constant 112 : index
        %get3A_577 = tpu.vector_load %get3A_574[%get3A_575, %get3A_576] {strides = array<i32>} : memref<64x128xf32, #tpu.memory_space<vmem>>, vector<16xf32>,
        %add3A_578 = arith.addf %get3A_570, %get3A_577 : vector<16xf32>
        %abs3A_579 = math.absf %add3A_578 : vector<16xf32>
        %add3A_580 = arith.addf %add3A_512, %abs3A_579 : vector<16xf32>
        scf.yield %add3A_529, %add3A_546, %add3A_563, %add3A_580 : vector<16xf32>, vector<16xf32>, vector<16xf32>, vector<16xf32>
      }
      %scan3A_241 = arith.constant 64 : i32
      %add3A_242 = arith.constant 0 : i32
      %add3A_243 = arith.addi %mul3A_209, %add3A_242 : i32
      %add3A_244 = arith.constant 4 : i32
      %add3A_245 = arith.addi %add3A_243, %add3A_244 : i32
      %mul3A_246 = arith.constant 64 : i32
      %mul3A_247 = arith.muli %add3A_245, %mul3A_246 : i32
      %dma_start3A_248 = arith.constant 0 : i32
      %dma_start3A_249 = arith.constant 0 : i32
      %dma_start3A_250 = arith.constant 0 : i32
      %dma_start3A_251 = tpu.memref_slice %arg9[%dma_start3A_248, %dma_start3A_249, %dma_start3A_250] : memref<4x64x128xf32, #tpu.memory_space<vmem>> -> memref<1x64x128xf32, #tpu.memory_space<vmem>>
      %dma_start3A_252 = tpu.memref_squeeze %dma_start3A_251 : memref<1x64x128xf32, #tpu.memory_space<vmem>> -> memref<64x128xf32, #tpu.memory_space<vmem>>
      %dma_start3A_253 = tpu.memref_slice %arg7[%mul3A_247] : memref<10240xi32, #tpu.memory_space<vmem>> -> memref<64xi32, #tpu.memory_space<vmem>>
      %dma_start3A_254 = arith.constant 0 : i32
      %dma_start3A_255 = arith.constant 0 : i32
      %dma_start3A_256 = tpu.memref_slice %arg2[%dma_start3A_254, %dma_start3A_255] : memref<12048x128xf32, #tpu.memory_space<hbm>> -> memref<12048x128xf32, #tpu.memory_space<hbm>>
      tpu.enqueue_indirect_dma source(%dma_start3A_256 : memref<12048x128xf32, #tpu.memory_space<hbm>>) target(%dma_start3A_252 : memref<64x128xf32, #tpu.memory_space<vmem>>) offsets(%dma_start3A_253 : memref<64xi32, #tpu.memory_space<vmem>>) semaphore(%arg12 : memref<!tpu.dma_semaphore, #tpu.memory_space<semaphore_mem>>)
      %mul3A_257 = arith.constant 64 : i32
      %mul3A_258 = arith.muli %add3A_245, %mul3A_257 : i32
      %dma_start3A_259 = arith.constant 0 : i32
      %dma_start3A_260 = arith.constant 0 : i32
      %dma_start3A_261 = arith.constant 0 : i32
      %dma_start3A_262 = tpu.memref_slice %arg10[%dma_start3A_259, %dma_start3A_260, %dma_start3A_261] : memref<4x64x128xf32, #tpu.memory_space<vmem>> -> memref<1x64x128xf32, #tpu.memory_space<vmem>>
      %dma_start3A_263 = tpu.memref_squeeze %dma_start3A_262 : memref<1x64x128xf32, #tpu.memory_space<vmem>> -> memref<64x128xf32, #tpu.memory_space<vmem>>
      %dma_start3A_264 = tpu.memref_slice %arg8[%mul3A_258] : memref<10240xi32, #tpu.memory_space<vmem>> -> memref<64xi32, #tpu.memory_space<vmem>>
      %dma_start3A_265 = arith.constant 0 : i32
      %dma_start3A_266 = arith.constant 0 : i32
      %dma_start3A_267 = tpu.memref_slice %arg3[%dma_start3A_265, %dma_start3A_266] : memref<12048x128xf32, #tpu.memory_space<hbm>> -> memref<12048x128xf32, #tpu.memory_space<hbm>>
      tpu.enqueue_indirect_dma source(%dma_start3A_267 : memref<12048x128xf32, #tpu.memory_space<hbm>>) target(%dma_start3A_263 : memref<64x128xf32, #tpu.memory_space<vmem>>) offsets(%dma_start3A_264 : memref<64xi32, #tpu.memory_space<vmem>>) semaphore(%arg13 : memref<!tpu.dma_semaphore, #tpu.memory_space<semaphore_mem>>)
      %add3A_268 = arith.constant 1 : i32
      %add3A_269 = arith.addi %mul3A_209, %add3A_268 : i32
      %mul3A_270 = arith.constant 64 : i32
      %mul3A_271 = arith.muli %add3A_269, %mul3A_270 : i32
      %dma_wait3A_272 = arith.constant 1 : i32
      %dma_wait3A_273 = arith.constant 0 : i32
      %dma_wait3A_274 = arith.constant 0 : i32
      %dma_wait3A_275 = tpu.memref_slice %arg9[%dma_wait3A_272, %dma_wait3A_273, %dma_wait3A_274] : memref<4x64x128xf32, #tpu.memory_space<vmem>> -> memref<1x64x128xf32, #tpu.memory_space<vmem>>
      %dma_wait3A_276 = tpu.memref_squeeze %dma_wait3A_275 : memref<1x64x128xf32, #tpu.memory_space<vmem>> -> memref<64x128xf32, #tpu.memory_space<vmem>>
      %dma_wait3A_277 = tpu.memref_slice %arg7[%mul3A_271] : memref<10240xi32, #tpu.memory_space<vmem>> -> memref<64xi32, #tpu.memory_space<vmem>>
      %dma_wait3A_278 = arith.constant 0 : i32
      %dma_wait3A_279 = arith.constant 0 : i32
      %dma_wait3A_280 = tpu.memref_slice %arg2[%dma_wait3A_278, %dma_wait3A_279] : memref<12048x128xf32, #tpu.memory_space<hbm>> -> memref<12048x128xf32, #tpu.memory_space<hbm>>
      tpu.wait_indirect_dma semaphore(%arg14 : memref<!tpu.dma_semaphore, #tpu.memory_space<semaphore_mem>>) src(%dma_wait3A_280 : memref<12048x128xf32, #tpu.memory_space<hbm>>) dst(%dma_wait3A_276 : memref<64x128xf32, #tpu.memory_space<vmem>>)
      %mul3A_281 = arith.constant 64 : i32
      %mul3A_282 = arith.muli %add3A_269, %mul3A_281 : i32
      %dma_wait3A_283 = arith.constant 1 : i32
      %dma_wait3A_284 = arith.constant 0 : i32
      %dma_wait3A_285 = arith.constant 0 : i32
      %dma_wait3A_286 = tpu.memref_slice %arg10[%dma_wait3A_283, %dma_wait3A_284, %dma_wait3A_285] : memref<4x64x128xf32, #tpu.memory_space<vmem>> -> memref<1x64x128xf32, #tpu.memory_space<vmem>>
      %dma_wait3A_287 = tpu.memref_squeeze %dma_wait3A_286 : memref<1x64x128xf32, #tpu.memory_space<vmem>> -> memref<64x128xf32, #tpu.memory_space<vmem>>
      %dma_wait3A_288 = tpu.memref_slice %arg8[%mul3A_282] : memref<10240xi32, #tpu.memory_space<vmem>> -> memref<64xi32, #tpu.memory_space<vmem>>
      %dma_wait3A_289 = arith.constant 0 : i32
      %dma_wait3A_290 = arith.constant 0 : i32
      %dma_wait3A_291 = tpu.memref_slice %arg3[%dma_wait3A_289, %dma_wait3A_290] : memref<12048x128xf32, #tpu.memory_space<hbm>> -> memref<12048x128xf32, #tpu.memory_space<hbm>>
      tpu.wait_indirect_dma semaphore(%arg15 : memref<!tpu.dma_semaphore, #tpu.memory_space<semaphore_mem>>) src(%dma_wait3A_291 : memref<12048x128xf32, #tpu.memory_space<hbm>>) dst(%dma_wait3A_287 : memref<64x128xf32, #tpu.memory_space<vmem>>)
      %scan3A_292 = arith.constant 1 : i32
      %scan3A_293 = arith.constant 1 : i32
      %scan3A_294 = arith.constant 0 : i32
      %scan3A_295 = arith.constant 64 : i32
      %scan3A_296 = arith.addi %scan3A_294, %scan3A_295 : i32
      %scan3A_297 = arith.constant 1 : i32
      %scan3A_298:4 = scf.for %scan3A_442 = %scan3A_294 to %scan3A_296 step %scan3A_297 iter_args(%scan3A_443 = %scan3A_240#0, %scan3A_444 = %scan3A_240#1, %scan3A_445 = %scan3A_240#2, %scan3A_446 = %scan3A_240#3) -> (vector<16xf32>, vector<16xf32>, vector<16xf32>, vector<16xf32>)  : i32 {
        %get3A = arith.constant 0 : i32
        %get3A_447 = arith.constant 0 : i32
        %get3A_448 = tpu.memref_slice %arg9[%scan3A_292, %get3A, %get3A_447] : memref<4x64x128xf32, #tpu.memory_space<vmem>> -> memref<1x64x128xf32, #tpu.memory_space<vmem>>
        %get3A_449 = tpu.memref_squeeze %get3A_448 : memref<1x64x128xf32, #tpu.memory_space<vmem>> -> memref<64x128xf32, #tpu.memory_space<vmem>>
        %get3A_450 = arith.index_cast %scan3A_442 : i32 to index
        %get3A_451 = arith.constant 0 : index
        %get3A_452 = tpu.vector_load %get3A_449[%get3A_450, %get3A_451] {strides = array<i32>} : memref<64x128xf32, #tpu.memory_space<vmem>>, vector<16xf32>,
        %get3A_453 = arith.constant 0 : i32
        %get3A_454 = arith.constant 0 : i32
        %get3A_455 = tpu.memref_slice %arg10[%scan3A_293, %get3A_453, %get3A_454] : memref<4x64x128xf32, #tpu.memory_space<vmem>> -> memref<1x64x128xf32, #tpu.memory_space<vmem>>
        %get3A_456 = tpu.memref_squeeze %get3A_455 : memref<1x64x128xf32, #tpu.memory_space<vmem>> -> memref<64x128xf32, #tpu.memory_space<vmem>>
        %get3A_457 = arith.index_cast %scan3A_442 : i32 to index
        %get3A_458 = arith.constant 0 : index
        %get3A_459 = tpu.vector_load %get3A_456[%get3A_457, %get3A_458] {strides = array<i32>} : memref<64x128xf32, #tpu.memory_space<vmem>>, vector<16xf32>,
        %add3A_460 = arith.addf %get3A_452, %get3A_459 : vector<16xf32>
        %abs3A = math.absf %add3A_460 : vector<16xf32>
        %add3A_461 = arith.addf %scan3A_443, %abs3A : vector<16xf32>
        %get3A_462 = arith.constant 0 : i32
        %get3A_463 = arith.constant 0 : i32
        %get3A_464 = tpu.memref_slice %arg9[%scan3A_292, %get3A_462, %get3A_463] : memref<4x64x128xf32, #tpu.memory_space<vmem>> -> memref<1x64x128xf32, #tpu.memory_space<vmem>>
        %get3A_465 = tpu.memref_squeeze %get3A_464 : memref<1x64x128xf32, #tpu.memory_space<vmem>> -> memref<64x128xf32, #tpu.memory_space<vmem>>
        %get3A_466 = arith.index_cast %scan3A_442 : i32 to index
        %get3A_467 = arith.constant 16 : index
        %get3A_468 = tpu.vector_load %get3A_465[%get3A_466, %get3A_467] {strides = array<i32>} : memref<64x128xf32, #tpu.memory_space<vmem>>, vector<16xf32>,
        %get3A_469 = arith.constant 0 : i32
        %get3A_470 = arith.constant 0 : i32
        %get3A_471 = tpu.memref_slice %arg10[%scan3A_293, %get3A_469, %get3A_470] : memref<4x64x128xf32, #tpu.memory_space<vmem>> -> memref<1x64x128xf32, #tpu.memory_space<vmem>>
        %get3A_472 = tpu.memref_squeeze %get3A_471 : memref<1x64x128xf32, #tpu.memory_space<vmem>> -> memref<64x128xf32, #tpu.memory_space<vmem>>
        %get3A_473 = arith.index_cast %scan3A_442 : i32 to index
        %get3A_474 = arith.constant 16 : index
        %get3A_475 = tpu.vector_load %get3A_472[%get3A_473, %get3A_474] {strides = array<i32>} : memref<64x128xf32, #tpu.memory_space<vmem>>, vector<16xf32>,
        %add3A_476 = arith.addf %get3A_468, %get3A_475 : vector<16xf32>
        %abs3A_477 = math.absf %add3A_476 : vector<16xf32>
        %add3A_478 = arith.addf %scan3A_444, %abs3A_477 : vector<16xf32>
        %get3A_479 = arith.constant 0 : i32
        %get3A_480 = arith.constant 0 : i32
        %get3A_481 = tpu.memref_slice %arg9[%scan3A_292, %get3A_479, %get3A_480] : memref<4x64x128xf32, #tpu.memory_space<vmem>> -> memref<1x64x128xf32, #tpu.memory_space<vmem>>
        %get3A_482 = tpu.memref_squeeze %get3A_481 : memref<1x64x128xf32, #tpu.memory_space<vmem>> -> memref<64x128xf32, #tpu.memory_space<vmem>>
        %get3A_483 = arith.index_cast %scan3A_442 : i32 to index
        %get3A_484 = arith.constant 32 : index
        %get3A_485 = tpu.vector_load %get3A_482[%get3A_483, %get3A_484] {strides = array<i32>} : memref<64x128xf32, #tpu.memory_space<vmem>>, vector<16xf32>,
        %get3A_486 = arith.constant 0 : i32
        %get3A_487 = arith.constant 0 : i32
        %get3A_488 = tpu.memref_slice %arg10[%scan3A_293, %get3A_486, %get3A_487] : memref<4x64x128xf32, #tpu.memory_space<vmem>> -> memref<1x64x128xf32, #tpu.memory_space<vmem>>
        %get3A_489 = tpu.memref_squeeze %get3A_488 : memref<1x64x128xf32, #tpu.memory_space<vmem>> -> memref<64x128xf32, #tpu.memory_space<vmem>>
        %get3A_490 = arith.index_cast %scan3A_442 : i32 to index
        %get3A_491 = arith.constant 32 : index
        %get3A_492 = tpu.vector_load %get3A_489[%get3A_490, %get3A_491] {strides = array<i32>} : memref<64x128xf32, #tpu.memory_space<vmem>>, vector<16xf32>,
        %add3A_493 = arith.addf %get3A_485, %get3A_492 : vector<16xf32>
        %abs3A_494 = math.absf %add3A_493 : vector<16xf32>
        %add3A_495 = arith.addf %scan3A_445, %abs3A_494 : vector<16xf32>
        %get3A_496 = arith.constant 0 : i32
        %get3A_497 = arith.constant 0 : i32
        %get3A_498 = tpu.memref_slice %arg9[%scan3A_292, %get3A_496, %get3A_497] : memref<4x64x128xf32, #tpu.memory_space<vmem>> -> memref<1x64x128xf32, #tpu.memory_space<vmem>>
        %get3A_499 = tpu.memref_squeeze %get3A_498 : memref<1x64x128xf32, #tpu.memory_space<vmem>> -> memref<64x128xf32, #tpu.memory_space<vmem>>
        %get3A_500 = arith.index_cast %scan3A_442 : i32 to index
        %get3A_501 = arith.constant 48 : index
        %get3A_502 = tpu.vector_load %get3A_499[%get3A_500, %get3A_501] {strides = array<i32>} : memref<64x128xf32, #tpu.memory_space<vmem>>, vector<16xf32>,
        %get3A_503 = arith.constant 0 : i32
        %get3A_504 = arith.constant 0 : i32
        %get3A_505 = tpu.memref_slice %arg10[%scan3A_293, %get3A_503, %get3A_504] : memref<4x64x128xf32, #tpu.memory_space<vmem>> -> memref<1x64x128xf32, #tpu.memory_space<vmem>>
        %get3A_506 = tpu.memref_squeeze %get3A_505 : memref<1x64x128xf32, #tpu.memory_space<vmem>> -> memref<64x128xf32, #tpu.memory_space<vmem>>
        %get3A_507 = arith.index_cast %scan3A_442 : i32 to index
        %get3A_508 = arith.constant 48 : index
        %get3A_509 = tpu.vector_load %get3A_506[%get3A_507, %get3A_508] {strides = array<i32>} : memref<64x128xf32, #tpu.memory_space<vmem>>, vector<16xf32>,
        %add3A_510 = arith.addf %get3A_502, %get3A_509 : vector<16xf32>
        %abs3A_511 = math.absf %add3A_510 : vector<16xf32>
        %add3A_512 = arith.addf %scan3A_446, %abs3A_511 : vector<16xf32>
        %get3A_513 = arith.constant 0 : i32
        %get3A_514 = arith.constant 0 : i32
        %get3A_515 = tpu.memref_slice %arg9[%scan3A_292, %get3A_513, %get3A_514] : memref<4x64x128xf32, #tpu.memory_space<vmem>> -> memref<1x64x128xf32, #tpu.memory_space<vmem>>
        %get3A_516 = tpu.memref_squeeze %get3A_515 : memref<1x64x128xf32, #tpu.memory_space<vmem>> -> memref<64x128xf32, #tpu.memory_space<vmem>>
        %get3A_517 = arith.index_cast %scan3A_442 : i32 to index
        %get3A_518 = arith.constant 64 : index
        %get3A_519 = tpu.vector_load %get3A_516[%get3A_517, %get3A_518] {strides = array<i32>} : memref<64x128xf32, #tpu.memory_space<vmem>>, vector<16xf32>,
        %get3A_520 = arith.constant 0 : i32
        %get3A_521 = arith.constant 0 : i32
        %get3A_522 = tpu.memref_slice %arg10[%scan3A_293, %get3A_520, %get3A_521] : memref<4x64x128xf32, #tpu.memory_space<vmem>> -> memref<1x64x128xf32, #tpu.memory_space<vmem>>
        %get3A_523 = tpu.memref_squeeze %get3A_522 : memref<1x64x128xf32, #tpu.memory_space<vmem>> -> memref<64x128xf32, #tpu.memory_space<vmem>>
        %get3A_524 = arith.index_cast %scan3A_442 : i32 to index
        %get3A_525 = arith.constant 64 : index
        %get3A_526 = tpu.vector_load %get3A_523[%get3A_524, %get3A_525] {strides = array<i32>} : memref<64x128xf32, #tpu.memory_space<vmem>>, vector<16xf32>,
        %add3A_527 = arith.addf %get3A_519, %get3A_526 : vector<16xf32>
        %abs3A_528 = math.absf %add3A_527 : vector<16xf32>
        %add3A_529 = arith.addf %add3A_461, %abs3A_528 : vector<16xf32>
        %get3A_530 = arith.constant 0 : i32
        %get3A_531 = arith.constant 0 : i32
        %get3A_532 = tpu.memref_slice %arg9[%scan3A_292, %get3A_530, %get3A_531] : memref<4x64x128xf32, #tpu.memory_space<vmem>> -> memref<1x64x128xf32, #tpu.memory_space<vmem>>
        %get3A_533 = tpu.memref_squeeze %get3A_532 : memref<1x64x128xf32, #tpu.memory_space<vmem>> -> memref<64x128xf32, #tpu.memory_space<vmem>>
        %get3A_534 = arith.index_cast %scan3A_442 : i32 to index
        %get3A_535 = arith.constant 80 : index
        %get3A_536 = tpu.vector_load %get3A_533[%get3A_534, %get3A_535] {strides = array<i32>} : memref<64x128xf32, #tpu.memory_space<vmem>>, vector<16xf32>,
        %get3A_537 = arith.constant 0 : i32
        %get3A_538 = arith.constant 0 : i32
        %get3A_539 = tpu.memref_slice %arg10[%scan3A_293, %get3A_537, %get3A_538] : memref<4x64x128xf32, #tpu.memory_space<vmem>> -> memref<1x64x128xf32, #tpu.memory_space<vmem>>
        %get3A_540 = tpu.memref_squeeze %get3A_539 : memref<1x64x128xf32, #tpu.memory_space<vmem>> -> memref<64x128xf32, #tpu.memory_space<vmem>>
        %get3A_541 = arith.index_cast %scan3A_442 : i32 to index
        %get3A_542 = arith.constant 80 : index
        %get3A_543 = tpu.vector_load %get3A_540[%get3A_541, %get3A_542] {strides = array<i32>} : memref<64x128xf32, #tpu.memory_space<vmem>>, vector<16xf32>,
        %add3A_544 = arith.addf %get3A_536, %get3A_543 : vector<16xf32>
        %abs3A_545 = math.absf %add3A_544 : vector<16xf32>
        %add3A_546 = arith.addf %add3A_478, %abs3A_545 : vector<16xf32>
        %get3A_547 = arith.constant 0 : i32
        %get3A_548 = arith.constant 0 : i32
        %get3A_549 = tpu.memref_slice %arg9[%scan3A_292, %get3A_547, %get3A_548] : memref<4x64x128xf32, #tpu.memory_space<vmem>> -> memref<1x64x128xf32, #tpu.memory_space<vmem>>
        %get3A_550 = tpu.memref_squeeze %get3A_549 : memref<1x64x128xf32, #tpu.memory_space<vmem>> -> memref<64x128xf32, #tpu.memory_space<vmem>>
        %get3A_551 = arith.index_cast %scan3A_442 : i32 to index
        %get3A_552 = arith.constant 96 : index
        %get3A_553 = tpu.vector_load %get3A_550[%get3A_551, %get3A_552] {strides = array<i32>} : memref<64x128xf32, #tpu.memory_space<vmem>>, vector<16xf32>,
        %get3A_554 = arith.constant 0 : i32
        %get3A_555 = arith.constant 0 : i32
        %get3A_556 = tpu.memref_slice %arg10[%scan3A_293, %get3A_554, %get3A_555] : memref<4x64x128xf32, #tpu.memory_space<vmem>> -> memref<1x64x128xf32, #tpu.memory_space<vmem>>
        %get3A_557 = tpu.memref_squeeze %get3A_556 : memref<1x64x128xf32, #tpu.memory_space<vmem>> -> memref<64x128xf32, #tpu.memory_space<vmem>>
        %get3A_558 = arith.index_cast %scan3A_442 : i32 to index
        %get3A_559 = arith.constant 96 : index
        %get3A_560 = tpu.vector_load %get3A_557[%get3A_558, %get3A_559] {strides = array<i32>} : memref<64x128xf32, #tpu.memory_space<vmem>>, vector<16xf32>,
        %add3A_561 = arith.addf %get3A_553, %get3A_560 : vector<16xf32>
        %abs3A_562 = math.absf %add3A_561 : vector<16xf32>
        %add3A_563 = arith.addf %add3A_495, %abs3A_562 : vector<16xf32>
        %get3A_564 = arith.constant 0 : i32
        %get3A_565 = arith.constant 0 : i32
        %get3A_566 = tpu.memref_slice %arg9[%scan3A_292, %get3A_564, %get3A_565] : memref<4x64x128xf32, #tpu.memory_space<vmem>> -> memref<1x64x128xf32, #tpu.memory_space<vmem>>
        %get3A_567 = tpu.memref_squeeze %get3A_566 : memref<1x64x128xf32, #tpu.memory_space<vmem>> -> memref<64x128xf32, #tpu.memory_space<vmem>>
        %get3A_568 = arith.index_cast %scan3A_442 : i32 to index
        %get3A_569 = arith.constant 112 : index
        %get3A_570 = tpu.vector_load %get3A_567[%get3A_568, %get3A_569] {strides = array<i32>} : memref<64x128xf32, #tpu.memory_space<vmem>>, vector<16xf32>,
        %get3A_571 = arith.constant 0 : i32
        %get3A_572 = arith.constant 0 : i32
        %get3A_573 = tpu.memref_slice %arg10[%scan3A_293, %get3A_571, %get3A_572] : memref<4x64x128xf32, #tpu.memory_space<vmem>> -> memref<1x64x128xf32, #tpu.memory_space<vmem>>
        %get3A_574 = tpu.memref_squeeze %get3A_573 : memref<1x64x128xf32, #tpu.memory_space<vmem>> -> memref<64x128xf32, #tpu.memory_space<vmem>>
        %get3A_575 = arith.index_cast %scan3A_442 : i32 to index
        %get3A_576 = arith.constant 112 : index
        %get3A_577 = tpu.vector_load %get3A_574[%get3A_575, %get3A_576] {strides = array<i32>} : memref<64x128xf32, #tpu.memory_space<vmem>>, vector<16xf32>,
        %add3A_578 = arith.addf %get3A_570, %get3A_577 : vector<16xf32>
        %abs3A_579 = math.absf %add3A_578 : vector<16xf32>
        %add3A_580 = arith.addf %add3A_512, %abs3A_579 : vector<16xf32>
        scf.yield %add3A_529, %add3A_546, %add3A_563, %add3A_580 : vector<16xf32>, vector<16xf32>, vector<16xf32>, vector<16xf32>
      }
      %scan3A_299 = arith.constant 64 : i32
      %add3A_300 = arith.constant 1 : i32
      %add3A_301 = arith.addi %mul3A_209, %add3A_300 : i32
      %add3A_302 = arith.constant 4 : i32
      %add3A_303 = arith.addi %add3A_301, %add3A_302 : i32
      %mul3A_304 = arith.constant 64 : i32
      %mul3A_305 = arith.muli %add3A_303, %mul3A_304 : i32
      %dma_start3A_306 = arith.constant 1 : i32
      %dma_start3A_307 = arith.constant 0 : i32
      %dma_start3A_308 = arith.constant 0 : i32
      %dma_start3A_309 = tpu.memref_slice %arg9[%dma_start3A_306, %dma_start3A_307, %dma_start3A_308] : memref<4x64x128xf32, #tpu.memory_space<vmem>> -> memref<1x64x128xf32, #tpu.memory_space<vmem>>
      %dma_start3A_310 = tpu.memref_squeeze %dma_start3A_309 : memref<1x64x128xf32, #tpu.memory_space<vmem>> -> memref<64x128xf32, #tpu.memory_space<vmem>>
      %dma_start3A_311 = tpu.memref_slice %arg7[%mul3A_305] : memref<10240xi32, #tpu.memory_space<vmem>> -> memref<64xi32, #tpu.memory_space<vmem>>
      %dma_start3A_312 = arith.constant 0 : i32
      %dma_start3A_313 = arith.constant 0 : i32
      %dma_start3A_314 = tpu.memref_slice %arg2[%dma_start3A_312, %dma_start3A_313] : memref<12048x128xf32, #tpu.memory_space<hbm>> -> memref<12048x128xf32, #tpu.memory_space<hbm>>
      tpu.enqueue_indirect_dma source(%dma_start3A_314 : memref<12048x128xf32, #tpu.memory_space<hbm>>) target(%dma_start3A_310 : memref<64x128xf32, #tpu.memory_space<vmem>>) offsets(%dma_start3A_311 : memref<64xi32, #tpu.memory_space<vmem>>) semaphore(%arg14 : memref<!tpu.dma_semaphore, #tpu.memory_space<semaphore_mem>>)
      %mul3A_315 = arith.constant 64 : i32
      %mul3A_316 = arith.muli %add3A_303, %mul3A_315 : i32
      %dma_start3A_317 = arith.constant 1 : i32
      %dma_start3A_318 = arith.constant 0 : i32
      %dma_start3A_319 = arith.constant 0 : i32
      %dma_start3A_320 = tpu.memref_slice %arg10[%dma_start3A_317, %dma_start3A_318, %dma_start3A_319] : memref<4x64x128xf32, #tpu.memory_space<vmem>> -> memref<1x64x128xf32, #tpu.memory_space<vmem>>
      %dma_start3A_321 = tpu.memref_squeeze %dma_start3A_320 : memref<1x64x128xf32, #tpu.memory_space<vmem>> -> memref<64x128xf32, #tpu.memory_space<vmem>>
      %dma_start3A_322 = tpu.memref_slice %arg8[%mul3A_316] : memref<10240xi32, #tpu.memory_space<vmem>> -> memref<64xi32, #tpu.memory_space<vmem>>
      %dma_start3A_323 = arith.constant 0 : i32
      %dma_start3A_324 = arith.constant 0 : i32
      %dma_start3A_325 = tpu.memref_slice %arg3[%dma_start3A_323, %dma_start3A_324] : memref<12048x128xf32, #tpu.memory_space<hbm>> -> memref<12048x128xf32, #tpu.memory_space<hbm>>
      tpu.enqueue_indirect_dma source(%dma_start3A_325 : memref<12048x128xf32, #tpu.memory_space<hbm>>) target(%dma_start3A_321 : memref<64x128xf32, #tpu.memory_space<vmem>>) offsets(%dma_start3A_322 : memref<64xi32, #tpu.memory_space<vmem>>) semaphore(%arg15 : memref<!tpu.dma_semaphore, #tpu.memory_space<semaphore_mem>>)
      %add3A_326 = arith.constant 2 : i32
      %add3A_327 = arith.addi %mul3A_209, %add3A_326 : i32
      %mul3A_328 = arith.constant 64 : i32
      %mul3A_329 = arith.muli %add3A_327, %mul3A_328 : i32
      %dma_wait3A_330 = arith.constant 2 : i32
      %dma_wait3A_331 = arith.constant 0 : i32
      %dma_wait3A_332 = arith.constant 0 : i32
      %dma_wait3A_333 = tpu.memref_slice %arg9[%dma_wait3A_330, %dma_wait3A_331, %dma_wait3A_332] : memref<4x64x128xf32, #tpu.memory_space<vmem>> -> memref<1x64x128xf32, #tpu.memory_space<vmem>>
      %dma_wait3A_334 = tpu.memref_squeeze %dma_wait3A_333 : memref<1x64x128xf32, #tpu.memory_space<vmem>> -> memref<64x128xf32, #tpu.memory_space<vmem>>
      %dma_wait3A_335 = tpu.memref_slice %arg7[%mul3A_329] : memref<10240xi32, #tpu.memory_space<vmem>> -> memref<64xi32, #tpu.memory_space<vmem>>
      %dma_wait3A_336 = arith.constant 0 : i32
      %dma_wait3A_337 = arith.constant 0 : i32
      %dma_wait3A_338 = tpu.memref_slice %arg2[%dma_wait3A_336, %dma_wait3A_337] : memref<12048x128xf32, #tpu.memory_space<hbm>> -> memref<12048x128xf32, #tpu.memory_space<hbm>>
      tpu.wait_indirect_dma semaphore(%arg16 : memref<!tpu.dma_semaphore, #tpu.memory_space<semaphore_mem>>) src(%dma_wait3A_338 : memref<12048x128xf32, #tpu.memory_space<hbm>>) dst(%dma_wait3A_334 : memref<64x128xf32, #tpu.memory_space<vmem>>)
      %mul3A_339 = arith.constant 64 : i32
      %mul3A_340 = arith.muli %add3A_327, %mul3A_339 : i32
      %dma_wait3A_341 = arith.constant 2 : i32
      %dma_wait3A_342 = arith.constant 0 : i32
      %dma_wait3A_343 = arith.constant 0 : i32
      %dma_wait3A_344 = tpu.memref_slice %arg10[%dma_wait3A_341, %dma_wait3A_342, %dma_wait3A_343] : memref<4x64x128xf32, #tpu.memory_space<vmem>> -> memref<1x64x128xf32, #tpu.memory_space<vmem>>
      %dma_wait3A_345 = tpu.memref_squeeze %dma_wait3A_344 : memref<1x64x128xf32, #tpu.memory_space<vmem>> -> memref<64x128xf32, #tpu.memory_space<vmem>>
      %dma_wait3A_346 = tpu.memref_slice %arg8[%mul3A_340] : memref<10240xi32, #tpu.memory_space<vmem>> -> memref<64xi32, #tpu.memory_space<vmem>>
      %dma_wait3A_347 = arith.constant 0 : i32
      %dma_wait3A_348 = arith.constant 0 : i32
      %dma_wait3A_349 = tpu.memref_slice %arg3[%dma_wait3A_347, %dma_wait3A_348] : memref<12048x128xf32, #tpu.memory_space<hbm>> -> memref<12048x128xf32, #tpu.memory_space<hbm>>
      tpu.wait_indirect_dma semaphore(%arg17 : memref<!tpu.dma_semaphore, #tpu.memory_space<semaphore_mem>>) src(%dma_wait3A_349 : memref<12048x128xf32, #tpu.memory_space<hbm>>) dst(%dma_wait3A_345 : memref<64x128xf32, #tpu.memory_space<vmem>>)
      %scan3A_350 = arith.constant 2 : i32
      %scan3A_351 = arith.constant 2 : i32
      %scan3A_352 = arith.constant 0 : i32
      %scan3A_353 = arith.constant 64 : i32
      %scan3A_354 = arith.addi %scan3A_352, %scan3A_353 : i32
      %scan3A_355 = arith.constant 1 : i32
      %scan3A_356:4 = scf.for %scan3A_442 = %scan3A_352 to %scan3A_354 step %scan3A_355 iter_args(%scan3A_443 = %scan3A_298#0, %scan3A_444 = %scan3A_298#1, %scan3A_445 = %scan3A_298#2, %scan3A_446 = %scan3A_298#3) -> (vector<16xf32>, vector<16xf32>, vector<16xf32>, vector<16xf32>)  : i32 {
        %get3A = arith.constant 0 : i32
        %get3A_447 = arith.constant 0 : i32
        %get3A_448 = tpu.memref_slice %arg9[%scan3A_350, %get3A, %get3A_447] : memref<4x64x128xf32, #tpu.memory_space<vmem>> -> memref<1x64x128xf32, #tpu.memory_space<vmem>>
        %get3A_449 = tpu.memref_squeeze %get3A_448 : memref<1x64x128xf32, #tpu.memory_space<vmem>> -> memref<64x128xf32, #tpu.memory_space<vmem>>
        %get3A_450 = arith.index_cast %scan3A_442 : i32 to index
        %get3A_451 = arith.constant 0 : index
        %get3A_452 = tpu.vector_load %get3A_449[%get3A_450, %get3A_451] {strides = array<i32>} : memref<64x128xf32, #tpu.memory_space<vmem>>, vector<16xf32>,
        %get3A_453 = arith.constant 0 : i32
        %get3A_454 = arith.constant 0 : i32
        %get3A_455 = tpu.memref_slice %arg10[%scan3A_351, %get3A_453, %get3A_454] : memref<4x64x128xf32, #tpu.memory_space<vmem>> -> memref<1x64x128xf32, #tpu.memory_space<vmem>>
        %get3A_456 = tpu.memref_squeeze %get3A_455 : memref<1x64x128xf32, #tpu.memory_space<vmem>> -> memref<64x128xf32, #tpu.memory_space<vmem>>
        %get3A_457 = arith.index_cast %scan3A_442 : i32 to index
        %get3A_458 = arith.constant 0 : index
        %get3A_459 = tpu.vector_load %get3A_456[%get3A_457, %get3A_458] {strides = array<i32>} : memref<64x128xf32, #tpu.memory_space<vmem>>, vector<16xf32>,
        %add3A_460 = arith.addf %get3A_452, %get3A_459 : vector<16xf32>
        %abs3A = math.absf %add3A_460 : vector<16xf32>
        %add3A_461 = arith.addf %scan3A_443, %abs3A : vector<16xf32>
        %get3A_462 = arith.constant 0 : i32
        %get3A_463 = arith.constant 0 : i32
        %get3A_464 = tpu.memref_slice %arg9[%scan3A_350, %get3A_462, %get3A_463] : memref<4x64x128xf32, #tpu.memory_space<vmem>> -> memref<1x64x128xf32, #tpu.memory_space<vmem>>
        %get3A_465 = tpu.memref_squeeze %get3A_464 : memref<1x64x128xf32, #tpu.memory_space<vmem>> -> memref<64x128xf32, #tpu.memory_space<vmem>>
        %get3A_466 = arith.index_cast %scan3A_442 : i32 to index
        %get3A_467 = arith.constant 16 : index
        %get3A_468 = tpu.vector_load %get3A_465[%get3A_466, %get3A_467] {strides = array<i32>} : memref<64x128xf32, #tpu.memory_space<vmem>>, vector<16xf32>,
        %get3A_469 = arith.constant 0 : i32
        %get3A_470 = arith.constant 0 : i32
        %get3A_471 = tpu.memref_slice %arg10[%scan3A_351, %get3A_469, %get3A_470] : memref<4x64x128xf32, #tpu.memory_space<vmem>> -> memref<1x64x128xf32, #tpu.memory_space<vmem>>
        %get3A_472 = tpu.memref_squeeze %get3A_471 : memref<1x64x128xf32, #tpu.memory_space<vmem>> -> memref<64x128xf32, #tpu.memory_space<vmem>>
        %get3A_473 = arith.index_cast %scan3A_442 : i32 to index
        %get3A_474 = arith.constant 16 : index
        %get3A_475 = tpu.vector_load %get3A_472[%get3A_473, %get3A_474] {strides = array<i32>} : memref<64x128xf32, #tpu.memory_space<vmem>>, vector<16xf32>,
        %add3A_476 = arith.addf %get3A_468, %get3A_475 : vector<16xf32>
        %abs3A_477 = math.absf %add3A_476 : vector<16xf32>
        %add3A_478 = arith.addf %scan3A_444, %abs3A_477 : vector<16xf32>
        %get3A_479 = arith.constant 0 : i32
        %get3A_480 = arith.constant 0 : i32
        %get3A_481 = tpu.memref_slice %arg9[%scan3A_350, %get3A_479, %get3A_480] : memref<4x64x128xf32, #tpu.memory_space<vmem>> -> memref<1x64x128xf32, #tpu.memory_space<vmem>>
        %get3A_482 = tpu.memref_squeeze %get3A_481 : memref<1x64x128xf32, #tpu.memory_space<vmem>> -> memref<64x128xf32, #tpu.memory_space<vmem>>
        %get3A_483 = arith.index_cast %scan3A_442 : i32 to index
        %get3A_484 = arith.constant 32 : index
        %get3A_485 = tpu.vector_load %get3A_482[%get3A_483, %get3A_484] {strides = array<i32>} : memref<64x128xf32, #tpu.memory_space<vmem>>, vector<16xf32>,
        %get3A_486 = arith.constant 0 : i32
        %get3A_487 = arith.constant 0 : i32
        %get3A_488 = tpu.memref_slice %arg10[%scan3A_351, %get3A_486, %get3A_487] : memref<4x64x128xf32, #tpu.memory_space<vmem>> -> memref<1x64x128xf32, #tpu.memory_space<vmem>>
        %get3A_489 = tpu.memref_squeeze %get3A_488 : memref<1x64x128xf32, #tpu.memory_space<vmem>> -> memref<64x128xf32, #tpu.memory_space<vmem>>
        %get3A_490 = arith.index_cast %scan3A_442 : i32 to index
        %get3A_491 = arith.constant 32 : index
        %get3A_492 = tpu.vector_load %get3A_489[%get3A_490, %get3A_491] {strides = array<i32>} : memref<64x128xf32, #tpu.memory_space<vmem>>, vector<16xf32>,
        %add3A_493 = arith.addf %get3A_485, %get3A_492 : vector<16xf32>
        %abs3A_494 = math.absf %add3A_493 : vector<16xf32>
        %add3A_495 = arith.addf %scan3A_445, %abs3A_494 : vector<16xf32>
        %get3A_496 = arith.constant 0 : i32
        %get3A_497 = arith.constant 0 : i32
        %get3A_498 = tpu.memref_slice %arg9[%scan3A_350, %get3A_496, %get3A_497] : memref<4x64x128xf32, #tpu.memory_space<vmem>> -> memref<1x64x128xf32, #tpu.memory_space<vmem>>
        %get3A_499 = tpu.memref_squeeze %get3A_498 : memref<1x64x128xf32, #tpu.memory_space<vmem>> -> memref<64x128xf32, #tpu.memory_space<vmem>>
        %get3A_500 = arith.index_cast %scan3A_442 : i32 to index
        %get3A_501 = arith.constant 48 : index
        %get3A_502 = tpu.vector_load %get3A_499[%get3A_500, %get3A_501] {strides = array<i32>} : memref<64x128xf32, #tpu.memory_space<vmem>>, vector<16xf32>,
        %get3A_503 = arith.constant 0 : i32
        %get3A_504 = arith.constant 0 : i32
        %get3A_505 = tpu.memref_slice %arg10[%scan3A_351, %get3A_503, %get3A_504] : memref<4x64x128xf32, #tpu.memory_space<vmem>> -> memref<1x64x128xf32, #tpu.memory_space<vmem>>
        %get3A_506 = tpu.memref_squeeze %get3A_505 : memref<1x64x128xf32, #tpu.memory_space<vmem>> -> memref<64x128xf32, #tpu.memory_space<vmem>>
        %get3A_507 = arith.index_cast %scan3A_442 : i32 to index
        %get3A_508 = arith.constant 48 : index
        %get3A_509 = tpu.vector_load %get3A_506[%get3A_507, %get3A_508] {strides = array<i32>} : memref<64x128xf32, #tpu.memory_space<vmem>>, vector<16xf32>,
        %add3A_510 = arith.addf %get3A_502, %get3A_509 : vector<16xf32>
        %abs3A_511 = math.absf %add3A_510 : vector<16xf32>
        %add3A_512 = arith.addf %scan3A_446, %abs3A_511 : vector<16xf32>
        %get3A_513 = arith.constant 0 : i32
        %get3A_514 = arith.constant 0 : i32
        %get3A_515 = tpu.memref_slice %arg9[%scan3A_350, %get3A_513, %get3A_514] : memref<4x64x128xf32, #tpu.memory_space<vmem>> -> memref<1x64x128xf32, #tpu.memory_space<vmem>>
        %get3A_516 = tpu.memref_squeeze %get3A_515 : memref<1x64x128xf32, #tpu.memory_space<vmem>> -> memref<64x128xf32, #tpu.memory_space<vmem>>
        %get3A_517 = arith.index_cast %scan3A_442 : i32 to index
        %get3A_518 = arith.constant 64 : index
        %get3A_519 = tpu.vector_load %get3A_516[%get3A_517, %get3A_518] {strides = array<i32>} : memref<64x128xf32, #tpu.memory_space<vmem>>, vector<16xf32>,
        %get3A_520 = arith.constant 0 : i32
        %get3A_521 = arith.constant 0 : i32
        %get3A_522 = tpu.memref_slice %arg10[%scan3A_351, %get3A_520, %get3A_521] : memref<4x64x128xf32, #tpu.memory_space<vmem>> -> memref<1x64x128xf32, #tpu.memory_space<vmem>>
        %get3A_523 = tpu.memref_squeeze %get3A_522 : memref<1x64x128xf32, #tpu.memory_space<vmem>> -> memref<64x128xf32, #tpu.memory_space<vmem>>
        %get3A_524 = arith.index_cast %scan3A_442 : i32 to index
        %get3A_525 = arith.constant 64 : index
        %get3A_526 = tpu.vector_load %get3A_523[%get3A_524, %get3A_525] {strides = array<i32>} : memref<64x128xf32, #tpu.memory_space<vmem>>, vector<16xf32>,
        %add3A_527 = arith.addf %get3A_519, %get3A_526 : vector<16xf32>
        %abs3A_528 = math.absf %add3A_527 : vector<16xf32>
        %add3A_529 = arith.addf %add3A_461, %abs3A_528 : vector<16xf32>
        %get3A_530 = arith.constant 0 : i32
        %get3A_531 = arith.constant 0 : i32
        %get3A_532 = tpu.memref_slice %arg9[%scan3A_350, %get3A_530, %get3A_531] : memref<4x64x128xf32, #tpu.memory_space<vmem>> -> memref<1x64x128xf32, #tpu.memory_space<vmem>>
        %get3A_533 = tpu.memref_squeeze %get3A_532 : memref<1x64x128xf32, #tpu.memory_space<vmem>> -> memref<64x128xf32, #tpu.memory_space<vmem>>
        %get3A_534 = arith.index_cast %scan3A_442 : i32 to index
        %get3A_535 = arith.constant 80 : index
        %get3A_536 = tpu.vector_load %get3A_533[%get3A_534, %get3A_535] {strides = array<i32>} : memref<64x128xf32, #tpu.memory_space<vmem>>, vector<16xf32>,
        %get3A_537 = arith.constant 0 : i32
        %get3A_538 = arith.constant 0 : i32
        %get3A_539 = tpu.memref_slice %arg10[%scan3A_351, %get3A_537, %get3A_538] : memref<4x64x128xf32, #tpu.memory_space<vmem>> -> memref<1x64x128xf32, #tpu.memory_space<vmem>>
        %get3A_540 = tpu.memref_squeeze %get3A_539 : memref<1x64x128xf32, #tpu.memory_space<vmem>> -> memref<64x128xf32, #tpu.memory_space<vmem>>
        %get3A_541 = arith.index_cast %scan3A_442 : i32 to index
        %get3A_542 = arith.constant 80 : index
        %get3A_543 = tpu.vector_load %get3A_540[%get3A_541, %get3A_542] {strides = array<i32>} : memref<64x128xf32, #tpu.memory_space<vmem>>, vector<16xf32>,
        %add3A_544 = arith.addf %get3A_536, %get3A_543 : vector<16xf32>
        %abs3A_545 = math.absf %add3A_544 : vector<16xf32>
        %add3A_546 = arith.addf %add3A_478, %abs3A_545 : vector<16xf32>
        %get3A_547 = arith.constant 0 : i32
        %get3A_548 = arith.constant 0 : i32
        %get3A_549 = tpu.memref_slice %arg9[%scan3A_350, %get3A_547, %get3A_548] : memref<4x64x128xf32, #tpu.memory_space<vmem>> -> memref<1x64x128xf32, #tpu.memory_space<vmem>>
        %get3A_550 = tpu.memref_squeeze %get3A_549 : memref<1x64x128xf32, #tpu.memory_space<vmem>> -> memref<64x128xf32, #tpu.memory_space<vmem>>
        %get3A_551 = arith.index_cast %scan3A_442 : i32 to index
        %get3A_552 = arith.constant 96 : index
        %get3A_553 = tpu.vector_load %get3A_550[%get3A_551, %get3A_552] {strides = array<i32>} : memref<64x128xf32, #tpu.memory_space<vmem>>, vector<16xf32>,
        %get3A_554 = arith.constant 0 : i32
        %get3A_555 = arith.constant 0 : i32
        %get3A_556 = tpu.memref_slice %arg10[%scan3A_351, %get3A_554, %get3A_555] : memref<4x64x128xf32, #tpu.memory_space<vmem>> -> memref<1x64x128xf32, #tpu.memory_space<vmem>>
        %get3A_557 = tpu.memref_squeeze %get3A_556 : memref<1x64x128xf32, #tpu.memory_space<vmem>> -> memref<64x128xf32, #tpu.memory_space<vmem>>
        %get3A_558 = arith.index_cast %scan3A_442 : i32 to index
        %get3A_559 = arith.constant 96 : index
        %get3A_560 = tpu.vector_load %get3A_557[%get3A_558, %get3A_559] {strides = array<i32>} : memref<64x128xf32, #tpu.memory_space<vmem>>, vector<16xf32>,
        %add3A_561 = arith.addf %get3A_553, %get3A_560 : vector<16xf32>
        %abs3A_562 = math.absf %add3A_561 : vector<16xf32>
        %add3A_563 = arith.addf %add3A_495, %abs3A_562 : vector<16xf32>
        %get3A_564 = arith.constant 0 : i32
        %get3A_565 = arith.constant 0 : i32
        %get3A_566 = tpu.memref_slice %arg9[%scan3A_350, %get3A_564, %get3A_565] : memref<4x64x128xf32, #tpu.memory_space<vmem>> -> memref<1x64x128xf32, #tpu.memory_space<vmem>>
        %get3A_567 = tpu.memref_squeeze %get3A_566 : memref<1x64x128xf32, #tpu.memory_space<vmem>> -> memref<64x128xf32, #tpu.memory_space<vmem>>
        %get3A_568 = arith.index_cast %scan3A_442 : i32 to index
        %get3A_569 = arith.constant 112 : index
        %get3A_570 = tpu.vector_load %get3A_567[%get3A_568, %get3A_569] {strides = array<i32>} : memref<64x128xf32, #tpu.memory_space<vmem>>, vector<16xf32>,
        %get3A_571 = arith.constant 0 : i32
        %get3A_572 = arith.constant 0 : i32
        %get3A_573 = tpu.memref_slice %arg10[%scan3A_351, %get3A_571, %get3A_572] : memref<4x64x128xf32, #tpu.memory_space<vmem>> -> memref<1x64x128xf32, #tpu.memory_space<vmem>>
        %get3A_574 = tpu.memref_squeeze %get3A_573 : memref<1x64x128xf32, #tpu.memory_space<vmem>> -> memref<64x128xf32, #tpu.memory_space<vmem>>
        %get3A_575 = arith.index_cast %scan3A_442 : i32 to index
        %get3A_576 = arith.constant 112 : index
        %get3A_577 = tpu.vector_load %get3A_574[%get3A_575, %get3A_576] {strides = array<i32>} : memref<64x128xf32, #tpu.memory_space<vmem>>, vector<16xf32>,
        %add3A_578 = arith.addf %get3A_570, %get3A_577 : vector<16xf32>
        %abs3A_579 = math.absf %add3A_578 : vector<16xf32>
        %add3A_580 = arith.addf %add3A_512, %abs3A_579 : vector<16xf32>
        scf.yield %add3A_529, %add3A_546, %add3A_563, %add3A_580 : vector<16xf32>, vector<16xf32>, vector<16xf32>, vector<16xf32>
      }
      %scan3A_357 = arith.constant 64 : i32
      %add3A_358 = arith.constant 2 : i32
      %add3A_359 = arith.addi %mul3A_209, %add3A_358 : i32
      %add3A_360 = arith.constant 4 : i32
      %add3A_361 = arith.addi %add3A_359, %add3A_360 : i32
      %mul3A_362 = arith.constant 64 : i32
      %mul3A_363 = arith.muli %add3A_361, %mul3A_362 : i32
      %dma_start3A_364 = arith.constant 2 : i32
      %dma_start3A_365 = arith.constant 0 : i32
      %dma_start3A_366 = arith.constant 0 : i32
      %dma_start3A_367 = tpu.memref_slice %arg9[%dma_start3A_364, %dma_start3A_365, %dma_start3A_366] : memref<4x64x128xf32, #tpu.memory_space<vmem>> -> memref<1x64x128xf32, #tpu.memory_space<vmem>>
      %dma_start3A_368 = tpu.memref_squeeze %dma_start3A_367 : memref<1x64x128xf32, #tpu.memory_space<vmem>> -> memref<64x128xf32, #tpu.memory_space<vmem>>
      %dma_start3A_369 = tpu.memref_slice %arg7[%mul3A_363] : memref<10240xi32, #tpu.memory_space<vmem>> -> memref<64xi32, #tpu.memory_space<vmem>>
      %dma_start3A_370 = arith.constant 0 : i32
      %dma_start3A_371 = arith.constant 0 : i32
      %dma_start3A_372 = tpu.memref_slice %arg2[%dma_start3A_370, %dma_start3A_371] : memref<12048x128xf32, #tpu.memory_space<hbm>> -> memref<12048x128xf32, #tpu.memory_space<hbm>>
      tpu.enqueue_indirect_dma source(%dma_start3A_372 : memref<12048x128xf32, #tpu.memory_space<hbm>>) target(%dma_start3A_368 : memref<64x128xf32, #tpu.memory_space<vmem>>) offsets(%dma_start3A_369 : memref<64xi32, #tpu.memory_space<vmem>>) semaphore(%arg16 : memref<!tpu.dma_semaphore, #tpu.memory_space<semaphore_mem>>)
      %mul3A_373 = arith.constant 64 : i32
      %mul3A_374 = arith.muli %add3A_361, %mul3A_373 : i32
      %dma_start3A_375 = arith.constant 2 : i32
      %dma_start3A_376 = arith.constant 0 : i32
      %dma_start3A_377 = arith.constant 0 : i32
      %dma_start3A_378 = tpu.memref_slice %arg10[%dma_start3A_375, %dma_start3A_376, %dma_start3A_377] : memref<4x64x128xf32, #tpu.memory_space<vmem>> -> memref<1x64x128xf32, #tpu.memory_space<vmem>>
      %dma_start3A_379 = tpu.memref_squeeze %dma_start3A_378 : memref<1x64x128xf32, #tpu.memory_space<vmem>> -> memref<64x128xf32, #tpu.memory_space<vmem>>
      %dma_start3A_380 = tpu.memref_slice %arg8[%mul3A_374] : memref<10240xi32, #tpu.memory_space<vmem>> -> memref<64xi32, #tpu.memory_space<vmem>>
      %dma_start3A_381 = arith.constant 0 : i32
      %dma_start3A_382 = arith.constant 0 : i32
      %dma_start3A_383 = tpu.memref_slice %arg3[%dma_start3A_381, %dma_start3A_382] : memref<12048x128xf32, #tpu.memory_space<hbm>> -> memref<12048x128xf32, #tpu.memory_space<hbm>>
      tpu.enqueue_indirect_dma source(%dma_start3A_383 : memref<12048x128xf32, #tpu.memory_space<hbm>>) target(%dma_start3A_379 : memref<64x128xf32, #tpu.memory_space<vmem>>) offsets(%dma_start3A_380 : memref<64xi32, #tpu.memory_space<vmem>>) semaphore(%arg17 : memref<!tpu.dma_semaphore, #tpu.memory_space<semaphore_mem>>)
      %add3A_384 = arith.constant 3 : i32
      %add3A_385 = arith.addi %mul3A_209, %add3A_384 : i32
      %mul3A_386 = arith.constant 64 : i32
      %mul3A_387 = arith.muli %add3A_385, %mul3A_386 : i32
      %dma_wait3A_388 = arith.constant 3 : i32
      %dma_wait3A_389 = arith.constant 0 : i32
      %dma_wait3A_390 = arith.constant 0 : i32
      %dma_wait3A_391 = tpu.memref_slice %arg9[%dma_wait3A_388, %dma_wait3A_389, %dma_wait3A_390] : memref<4x64x128xf32, #tpu.memory_space<vmem>> -> memref<1x64x128xf32, #tpu.memory_space<vmem>>
      %dma_wait3A_392 = tpu.memref_squeeze %dma_wait3A_391 : memref<1x64x128xf32, #tpu.memory_space<vmem>> -> memref<64x128xf32, #tpu.memory_space<vmem>>
      %dma_wait3A_393 = tpu.memref_slice %arg7[%mul3A_387] : memref<10240xi32, #tpu.memory_space<vmem>> -> memref<64xi32, #tpu.memory_space<vmem>>
      %dma_wait3A_394 = arith.constant 0 : i32
      %dma_wait3A_395 = arith.constant 0 : i32
      %dma_wait3A_396 = tpu.memref_slice %arg2[%dma_wait3A_394, %dma_wait3A_395] : memref<12048x128xf32, #tpu.memory_space<hbm>> -> memref<12048x128xf32, #tpu.memory_space<hbm>>
      tpu.wait_indirect_dma semaphore(%arg18 : memref<!tpu.dma_semaphore, #tpu.memory_space<semaphore_mem>>) src(%dma_wait3A_396 : memref<12048x128xf32, #tpu.memory_space<hbm>>) dst(%dma_wait3A_392 : memref<64x128xf32, #tpu.memory_space<vmem>>)
      %mul3A_397 = arith.constant 64 : i32
      %mul3A_398 = arith.muli %add3A_385, %mul3A_397 : i32
      %dma_wait3A_399 = arith.constant 3 : i32
      %dma_wait3A_400 = arith.constant 0 : i32
      %dma_wait3A_401 = arith.constant 0 : i32
      %dma_wait3A_402 = tpu.memref_slice %arg10[%dma_wait3A_399, %dma_wait3A_400, %dma_wait3A_401] : memref<4x64x128xf32, #tpu.memory_space<vmem>> -> memref<1x64x128xf32, #tpu.memory_space<vmem>>
      %dma_wait3A_403 = tpu.memref_squeeze %dma_wait3A_402 : memref<1x64x128xf32, #tpu.memory_space<vmem>> -> memref<64x128xf32, #tpu.memory_space<vmem>>
      %dma_wait3A_404 = tpu.memref_slice %arg8[%mul3A_398] : memref<10240xi32, #tpu.memory_space<vmem>> -> memref<64xi32, #tpu.memory_space<vmem>>
      %dma_wait3A_405 = arith.constant 0 : i32
      %dma_wait3A_406 = arith.constant 0 : i32
      %dma_wait3A_407 = tpu.memref_slice %arg3[%dma_wait3A_405, %dma_wait3A_406] : memref<12048x128xf32, #tpu.memory_space<hbm>> -> memref<12048x128xf32, #tpu.memory_space<hbm>>
      tpu.wait_indirect_dma semaphore(%arg19 : memref<!tpu.dma_semaphore, #tpu.memory_space<semaphore_mem>>) src(%dma_wait3A_407 : memref<12048x128xf32, #tpu.memory_space<hbm>>) dst(%dma_wait3A_403 : memref<64x128xf32, #tpu.memory_space<vmem>>)
      %scan3A_408 = arith.constant 3 : i32
      %scan3A_409 = arith.constant 3 : i32
      %scan3A_410 = arith.constant 0 : i32
      %scan3A_411 = arith.constant 64 : i32
      %scan3A_412 = arith.addi %scan3A_410, %scan3A_411 : i32
      %scan3A_413 = arith.constant 1 : i32
      %scan3A_414:4 = scf.for %scan3A_442 = %scan3A_410 to %scan3A_412 step %scan3A_413 iter_args(%scan3A_443 = %scan3A_356#0, %scan3A_444 = %scan3A_356#1, %scan3A_445 = %scan3A_356#2, %scan3A_446 = %scan3A_356#3) -> (vector<16xf32>, vector<16xf32>, vector<16xf32>, vector<16xf32>)  : i32 {
        %get3A = arith.constant 0 : i32
        %get3A_447 = arith.constant 0 : i32
        %get3A_448 = tpu.memref_slice %arg9[%scan3A_408, %get3A, %get3A_447] : memref<4x64x128xf32, #tpu.memory_space<vmem>> -> memref<1x64x128xf32, #tpu.memory_space<vmem>>
        %get3A_449 = tpu.memref_squeeze %get3A_448 : memref<1x64x128xf32, #tpu.memory_space<vmem>> -> memref<64x128xf32, #tpu.memory_space<vmem>>
        %get3A_450 = arith.index_cast %scan3A_442 : i32 to index
        %get3A_451 = arith.constant 0 : index
        %get3A_452 = tpu.vector_load %get3A_449[%get3A_450, %get3A_451] {strides = array<i32>} : memref<64x128xf32, #tpu.memory_space<vmem>>, vector<16xf32>,
        %get3A_453 = arith.constant 0 : i32
        %get3A_454 = arith.constant 0 : i32
        %get3A_455 = tpu.memref_slice %arg10[%scan3A_409, %get3A_453, %get3A_454] : memref<4x64x128xf32, #tpu.memory_space<vmem>> -> memref<1x64x128xf32, #tpu.memory_space<vmem>>
        %get3A_456 = tpu.memref_squeeze %get3A_455 : memref<1x64x128xf32, #tpu.memory_space<vmem>> -> memref<64x128xf32, #tpu.memory_space<vmem>>
        %get3A_457 = arith.index_cast %scan3A_442 : i32 to index
        %get3A_458 = arith.constant 0 : index
        %get3A_459 = tpu.vector_load %get3A_456[%get3A_457, %get3A_458] {strides = array<i32>} : memref<64x128xf32, #tpu.memory_space<vmem>>, vector<16xf32>,
        %add3A_460 = arith.addf %get3A_452, %get3A_459 : vector<16xf32>
        %abs3A = math.absf %add3A_460 : vector<16xf32>
        %add3A_461 = arith.addf %scan3A_443, %abs3A : vector<16xf32>
        %get3A_462 = arith.constant 0 : i32
        %get3A_463 = arith.constant 0 : i32
        %get3A_464 = tpu.memref_slice %arg9[%scan3A_408, %get3A_462, %get3A_463] : memref<4x64x128xf32, #tpu.memory_space<vmem>> -> memref<1x64x128xf32, #tpu.memory_space<vmem>>
        %get3A_465 = tpu.memref_squeeze %get3A_464 : memref<1x64x128xf32, #tpu.memory_space<vmem>> -> memref<64x128xf32, #tpu.memory_space<vmem>>
        %get3A_466 = arith.index_cast %scan3A_442 : i32 to index
        %get3A_467 = arith.constant 16 : index
        %get3A_468 = tpu.vector_load %get3A_465[%get3A_466, %get3A_467] {strides = array<i32>} : memref<64x128xf32, #tpu.memory_space<vmem>>, vector<16xf32>,
        %get3A_469 = arith.constant 0 : i32
        %get3A_470 = arith.constant 0 : i32
        %get3A_471 = tpu.memref_slice %arg10[%scan3A_409, %get3A_469, %get3A_470] : memref<4x64x128xf32, #tpu.memory_space<vmem>> -> memref<1x64x128xf32, #tpu.memory_space<vmem>>
        %get3A_472 = tpu.memref_squeeze %get3A_471 : memref<1x64x128xf32, #tpu.memory_space<vmem>> -> memref<64x128xf32, #tpu.memory_space<vmem>>
        %get3A_473 = arith.index_cast %scan3A_442 : i32 to index
        %get3A_474 = arith.constant 16 : index
        %get3A_475 = tpu.vector_load %get3A_472[%get3A_473, %get3A_474] {strides = array<i32>} : memref<64x128xf32, #tpu.memory_space<vmem>>, vector<16xf32>,
        %add3A_476 = arith.addf %get3A_468, %get3A_475 : vector<16xf32>
        %abs3A_477 = math.absf %add3A_476 : vector<16xf32>
        %add3A_478 = arith.addf %scan3A_444, %abs3A_477 : vector<16xf32>
        %get3A_479 = arith.constant 0 : i32
        %get3A_480 = arith.constant 0 : i32
        %get3A_481 = tpu.memref_slice %arg9[%scan3A_408, %get3A_479, %get3A_480] : memref<4x64x128xf32, #tpu.memory_space<vmem>> -> memref<1x64x128xf32, #tpu.memory_space<vmem>>
        %get3A_482 = tpu.memref_squeeze %get3A_481 : memref<1x64x128xf32, #tpu.memory_space<vmem>> -> memref<64x128xf32, #tpu.memory_space<vmem>>
        %get3A_483 = arith.index_cast %scan3A_442 : i32 to index
        %get3A_484 = arith.constant 32 : index
        %get3A_485 = tpu.vector_load %get3A_482[%get3A_483, %get3A_484] {strides = array<i32>} : memref<64x128xf32, #tpu.memory_space<vmem>>, vector<16xf32>,
        %get3A_486 = arith.constant 0 : i32
        %get3A_487 = arith.constant 0 : i32
        %get3A_488 = tpu.memref_slice %arg10[%scan3A_409, %get3A_486, %get3A_487] : memref<4x64x128xf32, #tpu.memory_space<vmem>> -> memref<1x64x128xf32, #tpu.memory_space<vmem>>
        %get3A_489 = tpu.memref_squeeze %get3A_488 : memref<1x64x128xf32, #tpu.memory_space<vmem>> -> memref<64x128xf32, #tpu.memory_space<vmem>>
        %get3A_490 = arith.index_cast %scan3A_442 : i32 to index
        %get3A_491 = arith.constant 32 : index
        %get3A_492 = tpu.vector_load %get3A_489[%get3A_490, %get3A_491] {strides = array<i32>} : memref<64x128xf32, #tpu.memory_space<vmem>>, vector<16xf32>,
        %add3A_493 = arith.addf %get3A_485, %get3A_492 : vector<16xf32>
        %abs3A_494 = math.absf %add3A_493 : vector<16xf32>
        %add3A_495 = arith.addf %scan3A_445, %abs3A_494 : vector<16xf32>
        %get3A_496 = arith.constant 0 : i32
        %get3A_497 = arith.constant 0 : i32
        %get3A_498 = tpu.memref_slice %arg9[%scan3A_408, %get3A_496, %get3A_497] : memref<4x64x128xf32, #tpu.memory_space<vmem>> -> memref<1x64x128xf32, #tpu.memory_space<vmem>>
        %get3A_499 = tpu.memref_squeeze %get3A_498 : memref<1x64x128xf32, #tpu.memory_space<vmem>> -> memref<64x128xf32, #tpu.memory_space<vmem>>
        %get3A_500 = arith.index_cast %scan3A_442 : i32 to index
        %get3A_501 = arith.constant 48 : index
        %get3A_502 = tpu.vector_load %get3A_499[%get3A_500, %get3A_501] {strides = array<i32>} : memref<64x128xf32, #tpu.memory_space<vmem>>, vector<16xf32>,
        %get3A_503 = arith.constant 0 : i32
        %get3A_504 = arith.constant 0 : i32
        %get3A_505 = tpu.memref_slice %arg10[%scan3A_409, %get3A_503, %get3A_504] : memref<4x64x128xf32, #tpu.memory_space<vmem>> -> memref<1x64x128xf32, #tpu.memory_space<vmem>>
        %get3A_506 = tpu.memref_squeeze %get3A_505 : memref<1x64x128xf32, #tpu.memory_space<vmem>> -> memref<64x128xf32, #tpu.memory_space<vmem>>
        %get3A_507 = arith.index_cast %scan3A_442 : i32 to index
        %get3A_508 = arith.constant 48 : index
        %get3A_509 = tpu.vector_load %get3A_506[%get3A_507, %get3A_508] {strides = array<i32>} : memref<64x128xf32, #tpu.memory_space<vmem>>, vector<16xf32>,
        %add3A_510 = arith.addf %get3A_502, %get3A_509 : vector<16xf32>
        %abs3A_511 = math.absf %add3A_510 : vector<16xf32>
        %add3A_512 = arith.addf %scan3A_446, %abs3A_511 : vector<16xf32>
        %get3A_513 = arith.constant 0 : i32
        %get3A_514 = arith.constant 0 : i32
        %get3A_515 = tpu.memref_slice %arg9[%scan3A_408, %get3A_513, %get3A_514] : memref<4x64x128xf32, #tpu.memory_space<vmem>> -> memref<1x64x128xf32, #tpu.memory_space<vmem>>
        %get3A_516 = tpu.memref_squeeze %get3A_515 : memref<1x64x128xf32, #tpu.memory_space<vmem>> -> memref<64x128xf32, #tpu.memory_space<vmem>>
        %get3A_517 = arith.index_cast %scan3A_442 : i32 to index
        %get3A_518 = arith.constant 64 : index
        %get3A_519 = tpu.vector_load %get3A_516[%get3A_517, %get3A_518] {strides = array<i32>} : memref<64x128xf32, #tpu.memory_space<vmem>>, vector<16xf32>,
        %get3A_520 = arith.constant 0 : i32
        %get3A_521 = arith.constant 0 : i32
        %get3A_522 = tpu.memref_slice %arg10[%scan3A_409, %get3A_520, %get3A_521] : memref<4x64x128xf32, #tpu.memory_space<vmem>> -> memref<1x64x128xf32, #tpu.memory_space<vmem>>
        %get3A_523 = tpu.memref_squeeze %get3A_522 : memref<1x64x128xf32, #tpu.memory_space<vmem>> -> memref<64x128xf32, #tpu.memory_space<vmem>>
        %get3A_524 = arith.index_cast %scan3A_442 : i32 to index
        %get3A_525 = arith.constant 64 : index
        %get3A_526 = tpu.vector_load %get3A_523[%get3A_524, %get3A_525] {strides = array<i32>} : memref<64x128xf32, #tpu.memory_space<vmem>>, vector<16xf32>,
        %add3A_527 = arith.addf %get3A_519, %get3A_526 : vector<16xf32>
        %abs3A_528 = math.absf %add3A_527 : vector<16xf32>
        %add3A_529 = arith.addf %add3A_461, %abs3A_528 : vector<16xf32>
        %get3A_530 = arith.constant 0 : i32
        %get3A_531 = arith.constant 0 : i32
        %get3A_532 = tpu.memref_slice %arg9[%scan3A_408, %get3A_530, %get3A_531] : memref<4x64x128xf32, #tpu.memory_space<vmem>> -> memref<1x64x128xf32, #tpu.memory_space<vmem>>
        %get3A_533 = tpu.memref_squeeze %get3A_532 : memref<1x64x128xf32, #tpu.memory_space<vmem>> -> memref<64x128xf32, #tpu.memory_space<vmem>>
        %get3A_534 = arith.index_cast %scan3A_442 : i32 to index
        %get3A_535 = arith.constant 80 : index
        %get3A_536 = tpu.vector_load %get3A_533[%get3A_534, %get3A_535] {strides = array<i32>} : memref<64x128xf32, #tpu.memory_space<vmem>>, vector<16xf32>,
        %get3A_537 = arith.constant 0 : i32
        %get3A_538 = arith.constant 0 : i32
        %get3A_539 = tpu.memref_slice %arg10[%scan3A_409, %get3A_537, %get3A_538] : memref<4x64x128xf32, #tpu.memory_space<vmem>> -> memref<1x64x128xf32, #tpu.memory_space<vmem>>
        %get3A_540 = tpu.memref_squeeze %get3A_539 : memref<1x64x128xf32, #tpu.memory_space<vmem>> -> memref<64x128xf32, #tpu.memory_space<vmem>>
        %get3A_541 = arith.index_cast %scan3A_442 : i32 to index
        %get3A_542 = arith.constant 80 : index
        %get3A_543 = tpu.vector_load %get3A_540[%get3A_541, %get3A_542] {strides = array<i32>} : memref<64x128xf32, #tpu.memory_space<vmem>>, vector<16xf32>,
        %add3A_544 = arith.addf %get3A_536, %get3A_543 : vector<16xf32>
        %abs3A_545 = math.absf %add3A_544 : vector<16xf32>
        %add3A_546 = arith.addf %add3A_478, %abs3A_545 : vector<16xf32>
        %get3A_547 = arith.constant 0 : i32
        %get3A_548 = arith.constant 0 : i32
        %get3A_549 = tpu.memref_slice %arg9[%scan3A_408, %get3A_547, %get3A_548] : memref<4x64x128xf32, #tpu.memory_space<vmem>> -> memref<1x64x128xf32, #tpu.memory_space<vmem>>
        %get3A_550 = tpu.memref_squeeze %get3A_549 : memref<1x64x128xf32, #tpu.memory_space<vmem>> -> memref<64x128xf32, #tpu.memory_space<vmem>>
        %get3A_551 = arith.index_cast %scan3A_442 : i32 to index
        %get3A_552 = arith.constant 96 : index
        %get3A_553 = tpu.vector_load %get3A_550[%get3A_551, %get3A_552] {strides = array<i32>} : memref<64x128xf32, #tpu.memory_space<vmem>>, vector<16xf32>,
        %get3A_554 = arith.constant 0 : i32
        %get3A_555 = arith.constant 0 : i32
        %get3A_556 = tpu.memref_slice %arg10[%scan3A_409, %get3A_554, %get3A_555] : memref<4x64x128xf32, #tpu.memory_space<vmem>> -> memref<1x64x128xf32, #tpu.memory_space<vmem>>
        %get3A_557 = tpu.memref_squeeze %get3A_556 : memref<1x64x128xf32, #tpu.memory_space<vmem>> -> memref<64x128xf32, #tpu.memory_space<vmem>>
        %get3A_558 = arith.index_cast %scan3A_442 : i32 to index
        %get3A_559 = arith.constant 96 : index
        %get3A_560 = tpu.vector_load %get3A_557[%get3A_558, %get3A_559] {strides = array<i32>} : memref<64x128xf32, #tpu.memory_space<vmem>>, vector<16xf32>,
        %add3A_561 = arith.addf %get3A_553, %get3A_560 : vector<16xf32>
        %abs3A_562 = math.absf %add3A_561 : vector<16xf32>
        %add3A_563 = arith.addf %add3A_495, %abs3A_562 : vector<16xf32>
        %get3A_564 = arith.constant 0 : i32
        %get3A_565 = arith.constant 0 : i32
        %get3A_566 = tpu.memref_slice %arg9[%scan3A_408, %get3A_564, %get3A_565] : memref<4x64x128xf32, #tpu.memory_space<vmem>> -> memref<1x64x128xf32, #tpu.memory_space<vmem>>
        %get3A_567 = tpu.memref_squeeze %get3A_566 : memref<1x64x128xf32, #tpu.memory_space<vmem>> -> memref<64x128xf32, #tpu.memory_space<vmem>>
        %get3A_568 = arith.index_cast %scan3A_442 : i32 to index
        %get3A_569 = arith.constant 112 : index
        %get3A_570 = tpu.vector_load %get3A_567[%get3A_568, %get3A_569] {strides = array<i32>} : memref<64x128xf32, #tpu.memory_space<vmem>>, vector<16xf32>,
        %get3A_571 = arith.constant 0 : i32
        %get3A_572 = arith.constant 0 : i32
        %get3A_573 = tpu.memref_slice %arg10[%scan3A_409, %get3A_571, %get3A_572] : memref<4x64x128xf32, #tpu.memory_space<vmem>> -> memref<1x64x128xf32, #tpu.memory_space<vmem>>
        %get3A_574 = tpu.memref_squeeze %get3A_573 : memref<1x64x128xf32, #tpu.memory_space<vmem>> -> memref<64x128xf32, #tpu.memory_space<vmem>>
        %get3A_575 = arith.index_cast %scan3A_442 : i32 to index
        %get3A_576 = arith.constant 112 : index
        %get3A_577 = tpu.vector_load %get3A_574[%get3A_575, %get3A_576] {strides = array<i32>} : memref<64x128xf32, #tpu.memory_space<vmem>>, vector<16xf32>,
        %add3A_578 = arith.addf %get3A_570, %get3A_577 : vector<16xf32>
        %abs3A_579 = math.absf %add3A_578 : vector<16xf32>
        %add3A_580 = arith.addf %add3A_512, %abs3A_579 : vector<16xf32>
        scf.yield %add3A_529, %add3A_546, %add3A_563, %add3A_580 : vector<16xf32>, vector<16xf32>, vector<16xf32>, vector<16xf32>
      }
      %scan3A_415 = arith.constant 64 : i32
      %add3A_416 = arith.constant 3 : i32
      %add3A_417 = arith.addi %mul3A_209, %add3A_416 : i32
      %add3A_418 = arith.constant 4 : i32
      %add3A_419 = arith.addi %add3A_417, %add3A_418 : i32
      %mul3A_420 = arith.constant 64 : i32
      %mul3A_421 = arith.muli %add3A_419, %mul3A_420 : i32
      %dma_start3A_422 = arith.constant 3 : i32
      %dma_start3A_423 = arith.constant 0 : i32
      %dma_start3A_424 = arith.constant 0 : i32
      %dma_start3A_425 = tpu.memref_slice %arg9[%dma_start3A_422, %dma_start3A_423, %dma_start3A_424] : memref<4x64x128xf32, #tpu.memory_space<vmem>> -> memref<1x64x128xf32, #tpu.memory_space<vmem>>
      %dma_start3A_426 = tpu.memref_squeeze %dma_start3A_425 : memref<1x64x128xf32, #tpu.memory_space<vmem>> -> memref<64x128xf32, #tpu.memory_space<vmem>>
      %dma_start3A_427 = tpu.memref_slice %arg7[%mul3A_421] : memref<10240xi32, #tpu.memory_space<vmem>> -> memref<64xi32, #tpu.memory_space<vmem>>
      %dma_start3A_428 = arith.constant 0 : i32
      %dma_start3A_429 = arith.constant 0 : i32
      %dma_start3A_430 = tpu.memref_slice %arg2[%dma_start3A_428, %dma_start3A_429] : memref<12048x128xf32, #tpu.memory_space<hbm>> -> memref<12048x128xf32, #tpu.memory_space<hbm>>
      tpu.enqueue_indirect_dma source(%dma_start3A_430 : memref<12048x128xf32, #tpu.memory_space<hbm>>) target(%dma_start3A_426 : memref<64x128xf32, #tpu.memory_space<vmem>>) offsets(%dma_start3A_427 : memref<64xi32, #tpu.memory_space<vmem>>) semaphore(%arg18 : memref<!tpu.dma_semaphore, #tpu.memory_space<semaphore_mem>>)
      %mul3A_431 = arith.constant 64 : i32
      %mul3A_432 = arith.muli %add3A_419, %mul3A_431 : i32
      %dma_start3A_433 = arith.constant 3 : i32
      %dma_start3A_434 = arith.constant 0 : i32
      %dma_start3A_435 = arith.constant 0 : i32
      %dma_start3A_436 = tpu.memref_slice %arg10[%dma_start3A_433, %dma_start3A_434, %dma_start3A_435] : memref<4x64x128xf32, #tpu.memory_space<vmem>> -> memref<1x64x128xf32, #tpu.memory_space<vmem>>
      %dma_start3A_437 = tpu.memref_squeeze %dma_start3A_436 : memref<1x64x128xf32, #tpu.memory_space<vmem>> -> memref<64x128xf32, #tpu.memory_space<vmem>>
      %dma_start3A_438 = tpu.memref_slice %arg8[%mul3A_432] : memref<10240xi32, #tpu.memory_space<vmem>> -> memref<64xi32, #tpu.memory_space<vmem>>
      %dma_start3A_439 = arith.constant 0 : i32
      %dma_start3A_440 = arith.constant 0 : i32
      %dma_start3A_441 = tpu.memref_slice %arg3[%dma_start3A_439, %dma_start3A_440] : memref<12048x128xf32, #tpu.memory_space<hbm>> -> memref<12048x128xf32, #tpu.memory_space<hbm>>
      tpu.enqueue_indirect_dma source(%dma_start3A_441 : memref<12048x128xf32, #tpu.memory_space<hbm>>) target(%dma_start3A_437 : memref<64x128xf32, #tpu.memory_space<vmem>>) offsets(%dma_start3A_438 : memref<64xi32, #tpu.memory_space<vmem>>) semaphore(%arg19 : memref<!tpu.dma_semaphore, #tpu.memory_space<semaphore_mem>>)
      scf.yield %scan3A_414#0, %scan3A_414#1, %scan3A_414#2, %scan3A_414#3 : vector<16xf32>, vector<16xf32>, vector<16xf32>, vector<16xf32>
    }
    %scan3A_87 = arith.constant 39 : i32
    %dma_wait3A = arith.constant 0 : i32
    %dma_wait3A_88 = arith.constant 0 : i32
    %dma_wait3A_89 = arith.constant 0 : i32
    %dma_wait3A_90 = tpu.memref_slice %arg9[%dma_wait3A, %dma_wait3A_88, %dma_wait3A_89] : memref<4x64x128xf32, #tpu.memory_space<vmem>> -> memref<1x64x128xf32, #tpu.memory_space<vmem>>
    %dma_wait3A_91 = tpu.memref_squeeze %dma_wait3A_90 : memref<1x64x128xf32, #tpu.memory_space<vmem>> -> memref<64x128xf32, #tpu.memory_space<vmem>>
    %dma_wait3A_92 = arith.constant 9984 : i32
    %dma_wait3A_93 = tpu.memref_slice %arg7[%dma_wait3A_92] : memref<10240xi32, #tpu.memory_space<vmem>> -> memref<64xi32, #tpu.memory_space<vmem>>
    %dma_wait3A_94 = arith.constant 0 : i32
    %dma_wait3A_95 = arith.constant 0 : i32
    %dma_wait3A_96 = tpu.memref_slice %arg2[%dma_wait3A_94, %dma_wait3A_95] : memref<12048x128xf32, #tpu.memory_space<hbm>> -> memref<12048x128xf32, #tpu.memory_space<hbm>>
    tpu.wait_indirect_dma semaphore(%arg12 : memref<!tpu.dma_semaphore, #tpu.memory_space<semaphore_mem>>) src(%dma_wait3A_96 : memref<12048x128xf32, #tpu.memory_space<hbm>>) dst(%dma_wait3A_91 : memref<64x128xf32, #tpu.memory_space<vmem>>)
    %dma_wait3A_97 = arith.constant 0 : i32
    %dma_wait3A_98 = arith.constant 0 : i32
    %dma_wait3A_99 = arith.constant 0 : i32
    %dma_wait3A_100 = tpu.memref_slice %arg10[%dma_wait3A_97, %dma_wait3A_98, %dma_wait3A_99] : memref<4x64x128xf32, #tpu.memory_space<vmem>> -> memref<1x64x128xf32, #tpu.memory_space<vmem>>
    %dma_wait3A_101 = tpu.memref_squeeze %dma_wait3A_100 : memref<1x64x128xf32, #tpu.memory_space<vmem>> -> memref<64x128xf32, #tpu.memory_space<vmem>>
    %dma_wait3A_102 = arith.constant 9984 : i32
    %dma_wait3A_103 = tpu.memref_slice %arg8[%dma_wait3A_102] : memref<10240xi32, #tpu.memory_space<vmem>> -> memref<64xi32, #tpu.memory_space<vmem>>
    %dma_wait3A_104 = arith.constant 0 : i32
    %dma_wait3A_105 = arith.constant 0 : i32
    %dma_wait3A_106 = tpu.memref_slice %arg3[%dma_wait3A_104, %dma_wait3A_105] : memref<12048x128xf32, #tpu.memory_space<hbm>> -> memref<12048x128xf32, #tpu.memory_space<hbm>>
    tpu.wait_indirect_dma semaphore(%arg13 : memref<!tpu.dma_semaphore, #tpu.memory_space<semaphore_mem>>) src(%dma_wait3A_106 : memref<12048x128xf32, #tpu.memory_space<hbm>>) dst(%dma_wait3A_101 : memref<64x128xf32, #tpu.memory_space<vmem>>)
    %scan3A_107 = arith.constant 0 : i32
    %scan3A_108 = arith.constant 0 : i32
    %scan3A_109 = arith.constant 0 : i32
    %scan3A_110 = arith.constant 64 : i32
    %scan3A_111 = arith.addi %scan3A_109, %scan3A_110 : i32
    %scan3A_112 = arith.constant 1 : i32
    %scan3A_113:4 = scf.for %scan3A_203 = %scan3A_109 to %scan3A_111 step %scan3A_112 iter_args(%scan3A_204 = %scan3A_86#0, %scan3A_205 = %scan3A_86#1, %scan3A_206 = %scan3A_86#2, %scan3A_207 = %scan3A_86#3) -> (vector<16xf32>, vector<16xf32>, vector<16xf32>, vector<16xf32>)  : i32 {
      %get3A = arith.constant 0 : i32
      %get3A_208 = arith.constant 0 : i32
      %get3A_209 = tpu.memref_slice %arg9[%scan3A_107, %get3A, %get3A_208] : memref<4x64x128xf32, #tpu.memory_space<vmem>> -> memref<1x64x128xf32, #tpu.memory_space<vmem>>
      %get3A_210 = tpu.memref_squeeze %get3A_209 : memref<1x64x128xf32, #tpu.memory_space<vmem>> -> memref<64x128xf32, #tpu.memory_space<vmem>>
      %get3A_211 = arith.index_cast %scan3A_203 : i32 to index
      %get3A_212 = arith.constant 0 : index
      %get3A_213 = tpu.vector_load %get3A_210[%get3A_211, %get3A_212] {strides = array<i32>} : memref<64x128xf32, #tpu.memory_space<vmem>>, vector<16xf32>,
      %get3A_214 = arith.constant 0 : i32
      %get3A_215 = arith.constant 0 : i32
      %get3A_216 = tpu.memref_slice %arg10[%scan3A_108, %get3A_214, %get3A_215] : memref<4x64x128xf32, #tpu.memory_space<vmem>> -> memref<1x64x128xf32, #tpu.memory_space<vmem>>
      %get3A_217 = tpu.memref_squeeze %get3A_216 : memref<1x64x128xf32, #tpu.memory_space<vmem>> -> memref<64x128xf32, #tpu.memory_space<vmem>>
      %get3A_218 = arith.index_cast %scan3A_203 : i32 to index
      %get3A_219 = arith.constant 0 : index
      %get3A_220 = tpu.vector_load %get3A_217[%get3A_218, %get3A_219] {strides = array<i32>} : memref<64x128xf32, #tpu.memory_space<vmem>>, vector<16xf32>,
      %add3A_221 = arith.addf %get3A_213, %get3A_220 : vector<16xf32>
      %abs3A = math.absf %add3A_221 : vector<16xf32>
      %add3A_222 = arith.addf %scan3A_204, %abs3A : vector<16xf32>
      %get3A_223 = arith.constant 0 : i32
      %get3A_224 = arith.constant 0 : i32
      %get3A_225 = tpu.memref_slice %arg9[%scan3A_107, %get3A_223, %get3A_224] : memref<4x64x128xf32, #tpu.memory_space<vmem>> -> memref<1x64x128xf32, #tpu.memory_space<vmem>>
      %get3A_226 = tpu.memref_squeeze %get3A_225 : memref<1x64x128xf32, #tpu.memory_space<vmem>> -> memref<64x128xf32, #tpu.memory_space<vmem>>
      %get3A_227 = arith.index_cast %scan3A_203 : i32 to index
      %get3A_228 = arith.constant 16 : index
      %get3A_229 = tpu.vector_load %get3A_226[%get3A_227, %get3A_228] {strides = array<i32>} : memref<64x128xf32, #tpu.memory_space<vmem>>, vector<16xf32>,
      %get3A_230 = arith.constant 0 : i32
      %get3A_231 = arith.constant 0 : i32
      %get3A_232 = tpu.memref_slice %arg10[%scan3A_108, %get3A_230, %get3A_231] : memref<4x64x128xf32, #tpu.memory_space<vmem>> -> memref<1x64x128xf32, #tpu.memory_space<vmem>>
      %get3A_233 = tpu.memref_squeeze %get3A_232 : memref<1x64x128xf32, #tpu.memory_space<vmem>> -> memref<64x128xf32, #tpu.memory_space<vmem>>
      %get3A_234 = arith.index_cast %scan3A_203 : i32 to index
      %get3A_235 = arith.constant 16 : index
      %get3A_236 = tpu.vector_load %get3A_233[%get3A_234, %get3A_235] {strides = array<i32>} : memref<64x128xf32, #tpu.memory_space<vmem>>, vector<16xf32>,
      %add3A_237 = arith.addf %get3A_229, %get3A_236 : vector<16xf32>
      %abs3A_238 = math.absf %add3A_237 : vector<16xf32>
      %add3A_239 = arith.addf %scan3A_205, %abs3A_238 : vector<16xf32>
      %get3A_240 = arith.constant 0 : i32
      %get3A_241 = arith.constant 0 : i32
      %get3A_242 = tpu.memref_slice %arg9[%scan3A_107, %get3A_240, %get3A_241] : memref<4x64x128xf32, #tpu.memory_space<vmem>> -> memref<1x64x128xf32, #tpu.memory_space<vmem>>
      %get3A_243 = tpu.memref_squeeze %get3A_242 : memref<1x64x128xf32, #tpu.memory_space<vmem>> -> memref<64x128xf32, #tpu.memory_space<vmem>>
      %get3A_244 = arith.index_cast %scan3A_203 : i32 to index
      %get3A_245 = arith.constant 32 : index
      %get3A_246 = tpu.vector_load %get3A_243[%get3A_244, %get3A_245] {strides = array<i32>} : memref<64x128xf32, #tpu.memory_space<vmem>>, vector<16xf32>,
      %get3A_247 = arith.constant 0 : i32
      %get3A_248 = arith.constant 0 : i32
      %get3A_249 = tpu.memref_slice %arg10[%scan3A_108, %get3A_247, %get3A_248] : memref<4x64x128xf32, #tpu.memory_space<vmem>> -> memref<1x64x128xf32, #tpu.memory_space<vmem>>
      %get3A_250 = tpu.memref_squeeze %get3A_249 : memref<1x64x128xf32, #tpu.memory_space<vmem>> -> memref<64x128xf32, #tpu.memory_space<vmem>>
      %get3A_251 = arith.index_cast %scan3A_203 : i32 to index
      %get3A_252 = arith.constant 32 : index
      %get3A_253 = tpu.vector_load %get3A_250[%get3A_251, %get3A_252] {strides = array<i32>} : memref<64x128xf32, #tpu.memory_space<vmem>>, vector<16xf32>,
      %add3A_254 = arith.addf %get3A_246, %get3A_253 : vector<16xf32>
      %abs3A_255 = math.absf %add3A_254 : vector<16xf32>
      %add3A_256 = arith.addf %scan3A_206, %abs3A_255 : vector<16xf32>
      %get3A_257 = arith.constant 0 : i32
      %get3A_258 = arith.constant 0 : i32
      %get3A_259 = tpu.memref_slice %arg9[%scan3A_107, %get3A_257, %get3A_258] : memref<4x64x128xf32, #tpu.memory_space<vmem>> -> memref<1x64x128xf32, #tpu.memory_space<vmem>>
      %get3A_260 = tpu.memref_squeeze %get3A_259 : memref<1x64x128xf32, #tpu.memory_space<vmem>> -> memref<64x128xf32, #tpu.memory_space<vmem>>
      %get3A_261 = arith.index_cast %scan3A_203 : i32 to index
      %get3A_262 = arith.constant 48 : index
      %get3A_263 = tpu.vector_load %get3A_260[%get3A_261, %get3A_262] {strides = array<i32>} : memref<64x128xf32, #tpu.memory_space<vmem>>, vector<16xf32>,
      %get3A_264 = arith.constant 0 : i32
      %get3A_265 = arith.constant 0 : i32
      %get3A_266 = tpu.memref_slice %arg10[%scan3A_108, %get3A_264, %get3A_265] : memref<4x64x128xf32, #tpu.memory_space<vmem>> -> memref<1x64x128xf32, #tpu.memory_space<vmem>>
      %get3A_267 = tpu.memref_squeeze %get3A_266 : memref<1x64x128xf32, #tpu.memory_space<vmem>> -> memref<64x128xf32, #tpu.memory_space<vmem>>
      %get3A_268 = arith.index_cast %scan3A_203 : i32 to index
      %get3A_269 = arith.constant 48 : index
      %get3A_270 = tpu.vector_load %get3A_267[%get3A_268, %get3A_269] {strides = array<i32>} : memref<64x128xf32, #tpu.memory_space<vmem>>, vector<16xf32>,
      %add3A_271 = arith.addf %get3A_263, %get3A_270 : vector<16xf32>
      %abs3A_272 = math.absf %add3A_271 : vector<16xf32>
      %add3A_273 = arith.addf %scan3A_207, %abs3A_272 : vector<16xf32>
      %get3A_274 = arith.constant 0 : i32
      %get3A_275 = arith.constant 0 : i32
      %get3A_276 = tpu.memref_slice %arg9[%scan3A_107, %get3A_274, %get3A_275] : memref<4x64x128xf32, #tpu.memory_space<vmem>> -> memref<1x64x128xf32, #tpu.memory_space<vmem>>
      %get3A_277 = tpu.memref_squeeze %get3A_276 : memref<1x64x128xf32, #tpu.memory_space<vmem>> -> memref<64x128xf32, #tpu.memory_space<vmem>>
      %get3A_278 = arith.index_cast %scan3A_203 : i32 to index
      %get3A_279 = arith.constant 64 : index
      %get3A_280 = tpu.vector_load %get3A_277[%get3A_278, %get3A_279] {strides = array<i32>} : memref<64x128xf32, #tpu.memory_space<vmem>>, vector<16xf32>,
      %get3A_281 = arith.constant 0 : i32
      %get3A_282 = arith.constant 0 : i32
      %get3A_283 = tpu.memref_slice %arg10[%scan3A_108, %get3A_281, %get3A_282] : memref<4x64x128xf32, #tpu.memory_space<vmem>> -> memref<1x64x128xf32, #tpu.memory_space<vmem>>
      %get3A_284 = tpu.memref_squeeze %get3A_283 : memref<1x64x128xf32, #tpu.memory_space<vmem>> -> memref<64x128xf32, #tpu.memory_space<vmem>>
      %get3A_285 = arith.index_cast %scan3A_203 : i32 to index
      %get3A_286 = arith.constant 64 : index
      %get3A_287 = tpu.vector_load %get3A_284[%get3A_285, %get3A_286] {strides = array<i32>} : memref<64x128xf32, #tpu.memory_space<vmem>>, vector<16xf32>,
      %add3A_288 = arith.addf %get3A_280, %get3A_287 : vector<16xf32>
      %abs3A_289 = math.absf %add3A_288 : vector<16xf32>
      %add3A_290 = arith.addf %add3A_222, %abs3A_289 : vector<16xf32>
      %get3A_291 = arith.constant 0 : i32
      %get3A_292 = arith.constant 0 : i32
      %get3A_293 = tpu.memref_slice %arg9[%scan3A_107, %get3A_291, %get3A_292] : memref<4x64x128xf32, #tpu.memory_space<vmem>> -> memref<1x64x128xf32, #tpu.memory_space<vmem>>
      %get3A_294 = tpu.memref_squeeze %get3A_293 : memref<1x64x128xf32, #tpu.memory_space<vmem>> -> memref<64x128xf32, #tpu.memory_space<vmem>>
      %get3A_295 = arith.index_cast %scan3A_203 : i32 to index
      %get3A_296 = arith.constant 80 : index
      %get3A_297 = tpu.vector_load %get3A_294[%get3A_295, %get3A_296] {strides = array<i32>} : memref<64x128xf32, #tpu.memory_space<vmem>>, vector<16xf32>,
      %get3A_298 = arith.constant 0 : i32
      %get3A_299 = arith.constant 0 : i32
      %get3A_300 = tpu.memref_slice %arg10[%scan3A_108, %get3A_298, %get3A_299] : memref<4x64x128xf32, #tpu.memory_space<vmem>> -> memref<1x64x128xf32, #tpu.memory_space<vmem>>
      %get3A_301 = tpu.memref_squeeze %get3A_300 : memref<1x64x128xf32, #tpu.memory_space<vmem>> -> memref<64x128xf32, #tpu.memory_space<vmem>>
      %get3A_302 = arith.index_cast %scan3A_203 : i32 to index
      %get3A_303 = arith.constant 80 : index
      %get3A_304 = tpu.vector_load %get3A_301[%get3A_302, %get3A_303] {strides = array<i32>} : memref<64x128xf32, #tpu.memory_space<vmem>>, vector<16xf32>,
      %add3A_305 = arith.addf %get3A_297, %get3A_304 : vector<16xf32>
      %abs3A_306 = math.absf %add3A_305 : vector<16xf32>
      %add3A_307 = arith.addf %add3A_239, %abs3A_306 : vector<16xf32>
      %get3A_308 = arith.constant 0 : i32
      %get3A_309 = arith.constant 0 : i32
      %get3A_310 = tpu.memref_slice %arg9[%scan3A_107, %get3A_308, %get3A_309] : memref<4x64x128xf32, #tpu.memory_space<vmem>> -> memref<1x64x128xf32, #tpu.memory_space<vmem>>
      %get3A_311 = tpu.memref_squeeze %get3A_310 : memref<1x64x128xf32, #tpu.memory_space<vmem>> -> memref<64x128xf32, #tpu.memory_space<vmem>>
      %get3A_312 = arith.index_cast %scan3A_203 : i32 to index
      %get3A_313 = arith.constant 96 : index
      %get3A_314 = tpu.vector_load %get3A_311[%get3A_312, %get3A_313] {strides = array<i32>} : memref<64x128xf32, #tpu.memory_space<vmem>>, vector<16xf32>,
      %get3A_315 = arith.constant 0 : i32
      %get3A_316 = arith.constant 0 : i32
      %get3A_317 = tpu.memref_slice %arg10[%scan3A_108, %get3A_315, %get3A_316] : memref<4x64x128xf32, #tpu.memory_space<vmem>> -> memref<1x64x128xf32, #tpu.memory_space<vmem>>
      %get3A_318 = tpu.memref_squeeze %get3A_317 : memref<1x64x128xf32, #tpu.memory_space<vmem>> -> memref<64x128xf32, #tpu.memory_space<vmem>>
      %get3A_319 = arith.index_cast %scan3A_203 : i32 to index
      %get3A_320 = arith.constant 96 : index
      %get3A_321 = tpu.vector_load %get3A_318[%get3A_319, %get3A_320] {strides = array<i32>} : memref<64x128xf32, #tpu.memory_space<vmem>>, vector<16xf32>,
      %add3A_322 = arith.addf %get3A_314, %get3A_321 : vector<16xf32>
      %abs3A_323 = math.absf %add3A_322 : vector<16xf32>
      %add3A_324 = arith.addf %add3A_256, %abs3A_323 : vector<16xf32>
      %get3A_325 = arith.constant 0 : i32
      %get3A_326 = arith.constant 0 : i32
      %get3A_327 = tpu.memref_slice %arg9[%scan3A_107, %get3A_325, %get3A_326] : memref<4x64x128xf32, #tpu.memory_space<vmem>> -> memref<1x64x128xf32, #tpu.memory_space<vmem>>
      %get3A_328 = tpu.memref_squeeze %get3A_327 : memref<1x64x128xf32, #tpu.memory_space<vmem>> -> memref<64x128xf32, #tpu.memory_space<vmem>>
      %get3A_329 = arith.index_cast %scan3A_203 : i32 to index
      %get3A_330 = arith.constant 112 : index
      %get3A_331 = tpu.vector_load %get3A_328[%get3A_329, %get3A_330] {strides = array<i32>} : memref<64x128xf32, #tpu.memory_space<vmem>>, vector<16xf32>,
      %get3A_332 = arith.constant 0 : i32
      %get3A_333 = arith.constant 0 : i32
      %get3A_334 = tpu.memref_slice %arg10[%scan3A_108, %get3A_332, %get3A_333] : memref<4x64x128xf32, #tpu.memory_space<vmem>> -> memref<1x64x128xf32, #tpu.memory_space<vmem>>
      %get3A_335 = tpu.memref_squeeze %get3A_334 : memref<1x64x128xf32, #tpu.memory_space<vmem>> -> memref<64x128xf32, #tpu.memory_space<vmem>>
      %get3A_336 = arith.index_cast %scan3A_203 : i32 to index
      %get3A_337 = arith.constant 112 : index
      %get3A_338 = tpu.vector_load %get3A_335[%get3A_336, %get3A_337] {strides = array<i32>} : memref<64x128xf32, #tpu.memory_space<vmem>>, vector<16xf32>,
      %add3A_339 = arith.addf %get3A_331, %get3A_338 : vector<16xf32>
      %abs3A_340 = math.absf %add3A_339 : vector<16xf32>
      %add3A_341 = arith.addf %add3A_273, %abs3A_340 : vector<16xf32>
      scf.yield %add3A_290, %add3A_307, %add3A_324, %add3A_341 : vector<16xf32>, vector<16xf32>, vector<16xf32>, vector<16xf32>
    }
    %scan3A_114 = arith.constant 64 : i32
    %dma_wait3A_115 = arith.constant 1 : i32
    %dma_wait3A_116 = arith.constant 0 : i32
    %dma_wait3A_117 = arith.constant 0 : i32
    %dma_wait3A_118 = tpu.memref_slice %arg9[%dma_wait3A_115, %dma_wait3A_116, %dma_wait3A_117] : memref<4x64x128xf32, #tpu.memory_space<vmem>> -> memref<1x64x128xf32, #tpu.memory_space<vmem>>
    %dma_wait3A_119 = tpu.memref_squeeze %dma_wait3A_118 : memref<1x64x128xf32, #tpu.memory_space<vmem>> -> memref<64x128xf32, #tpu.memory_space<vmem>>
    %dma_wait3A_120 = arith.constant 10048 : i32
    %dma_wait3A_121 = tpu.memref_slice %arg7[%dma_wait3A_120] : memref<10240xi32, #tpu.memory_space<vmem>> -> memref<64xi32, #tpu.memory_space<vmem>>
    %dma_wait3A_122 = arith.constant 0 : i32
    %dma_wait3A_123 = arith.constant 0 : i32
    %dma_wait3A_124 = tpu.memref_slice %arg2[%dma_wait3A_122, %dma_wait3A_123] : memref<12048x128xf32, #tpu.memory_space<hbm>> -> memref<12048x128xf32, #tpu.memory_space<hbm>>
    tpu.wait_indirect_dma semaphore(%arg14 : memref<!tpu.dma_semaphore, #tpu.memory_space<semaphore_mem>>) src(%dma_wait3A_124 : memref<12048x128xf32, #tpu.memory_space<hbm>>) dst(%dma_wait3A_119 : memref<64x128xf32, #tpu.memory_space<vmem>>)
    %dma_wait3A_125 = arith.constant 1 : i32
    %dma_wait3A_126 = arith.constant 0 : i32
    %dma_wait3A_127 = arith.constant 0 : i32
    %dma_wait3A_128 = tpu.memref_slice %arg10[%dma_wait3A_125, %dma_wait3A_126, %dma_wait3A_127] : memref<4x64x128xf32, #tpu.memory_space<vmem>> -> memref<1x64x128xf32, #tpu.memory_space<vmem>>
    %dma_wait3A_129 = tpu.memref_squeeze %dma_wait3A_128 : memref<1x64x128xf32, #tpu.memory_space<vmem>> -> memref<64x128xf32, #tpu.memory_space<vmem>>
    %dma_wait3A_130 = arith.constant 10048 : i32
    %dma_wait3A_131 = tpu.memref_slice %arg8[%dma_wait3A_130] : memref<10240xi32, #tpu.memory_space<vmem>> -> memref<64xi32, #tpu.memory_space<vmem>>
    %dma_wait3A_132 = arith.constant 0 : i32
    %dma_wait3A_133 = arith.constant 0 : i32
    %dma_wait3A_134 = tpu.memref_slice %arg3[%dma_wait3A_132, %dma_wait3A_133] : memref<12048x128xf32, #tpu.memory_space<hbm>> -> memref<12048x128xf32, #tpu.memory_space<hbm>>
    tpu.wait_indirect_dma semaphore(%arg15 : memref<!tpu.dma_semaphore, #tpu.memory_space<semaphore_mem>>) src(%dma_wait3A_134 : memref<12048x128xf32, #tpu.memory_space<hbm>>) dst(%dma_wait3A_129 : memref<64x128xf32, #tpu.memory_space<vmem>>)
    %scan3A_135 = arith.constant 1 : i32
    %scan3A_136 = arith.constant 1 : i32
    %scan3A_137 = arith.constant 0 : i32
    %scan3A_138 = arith.constant 64 : i32
    %scan3A_139 = arith.addi %scan3A_137, %scan3A_138 : i32
    %scan3A_140 = arith.constant 1 : i32
    %scan3A_141:4 = scf.for %scan3A_203 = %scan3A_137 to %scan3A_139 step %scan3A_140 iter_args(%scan3A_204 = %scan3A_113#0, %scan3A_205 = %scan3A_113#1, %scan3A_206 = %scan3A_113#2, %scan3A_207 = %scan3A_113#3) -> (vector<16xf32>, vector<16xf32>, vector<16xf32>, vector<16xf32>)  : i32 {
      %get3A = arith.constant 0 : i32
      %get3A_208 = arith.constant 0 : i32
      %get3A_209 = tpu.memref_slice %arg9[%scan3A_135, %get3A, %get3A_208] : memref<4x64x128xf32, #tpu.memory_space<vmem>> -> memref<1x64x128xf32, #tpu.memory_space<vmem>>
      %get3A_210 = tpu.memref_squeeze %get3A_209 : memref<1x64x128xf32, #tpu.memory_space<vmem>> -> memref<64x128xf32, #tpu.memory_space<vmem>>
      %get3A_211 = arith.index_cast %scan3A_203 : i32 to index
      %get3A_212 = arith.constant 0 : index
      %get3A_213 = tpu.vector_load %get3A_210[%get3A_211, %get3A_212] {strides = array<i32>} : memref<64x128xf32, #tpu.memory_space<vmem>>, vector<16xf32>,
      %get3A_214 = arith.constant 0 : i32
      %get3A_215 = arith.constant 0 : i32
      %get3A_216 = tpu.memref_slice %arg10[%scan3A_136, %get3A_214, %get3A_215] : memref<4x64x128xf32, #tpu.memory_space<vmem>> -> memref<1x64x128xf32, #tpu.memory_space<vmem>>
      %get3A_217 = tpu.memref_squeeze %get3A_216 : memref<1x64x128xf32, #tpu.memory_space<vmem>> -> memref<64x128xf32, #tpu.memory_space<vmem>>
      %get3A_218 = arith.index_cast %scan3A_203 : i32 to index
      %get3A_219 = arith.constant 0 : index
      %get3A_220 = tpu.vector_load %get3A_217[%get3A_218, %get3A_219] {strides = array<i32>} : memref<64x128xf32, #tpu.memory_space<vmem>>, vector<16xf32>,
      %add3A_221 = arith.addf %get3A_213, %get3A_220 : vector<16xf32>
      %abs3A = math.absf %add3A_221 : vector<16xf32>
      %add3A_222 = arith.addf %scan3A_204, %abs3A : vector<16xf32>
      %get3A_223 = arith.constant 0 : i32
      %get3A_224 = arith.constant 0 : i32
      %get3A_225 = tpu.memref_slice %arg9[%scan3A_135, %get3A_223, %get3A_224] : memref<4x64x128xf32, #tpu.memory_space<vmem>> -> memref<1x64x128xf32, #tpu.memory_space<vmem>>
      %get3A_226 = tpu.memref_squeeze %get3A_225 : memref<1x64x128xf32, #tpu.memory_space<vmem>> -> memref<64x128xf32, #tpu.memory_space<vmem>>
      %get3A_227 = arith.index_cast %scan3A_203 : i32 to index
      %get3A_228 = arith.constant 16 : index
      %get3A_229 = tpu.vector_load %get3A_226[%get3A_227, %get3A_228] {strides = array<i32>} : memref<64x128xf32, #tpu.memory_space<vmem>>, vector<16xf32>,
      %get3A_230 = arith.constant 0 : i32
      %get3A_231 = arith.constant 0 : i32
      %get3A_232 = tpu.memref_slice %arg10[%scan3A_136, %get3A_230, %get3A_231] : memref<4x64x128xf32, #tpu.memory_space<vmem>> -> memref<1x64x128xf32, #tpu.memory_space<vmem>>
      %get3A_233 = tpu.memref_squeeze %get3A_232 : memref<1x64x128xf32, #tpu.memory_space<vmem>> -> memref<64x128xf32, #tpu.memory_space<vmem>>
      %get3A_234 = arith.index_cast %scan3A_203 : i32 to index
      %get3A_235 = arith.constant 16 : index
      %get3A_236 = tpu.vector_load %get3A_233[%get3A_234, %get3A_235] {strides = array<i32>} : memref<64x128xf32, #tpu.memory_space<vmem>>, vector<16xf32>,
      %add3A_237 = arith.addf %get3A_229, %get3A_236 : vector<16xf32>
      %abs3A_238 = math.absf %add3A_237 : vector<16xf32>
      %add3A_239 = arith.addf %scan3A_205, %abs3A_238 : vector<16xf32>
      %get3A_240 = arith.constant 0 : i32
      %get3A_241 = arith.constant 0 : i32
      %get3A_242 = tpu.memref_slice %arg9[%scan3A_135, %get3A_240, %get3A_241] : memref<4x64x128xf32, #tpu.memory_space<vmem>> -> memref<1x64x128xf32, #tpu.memory_space<vmem>>
      %get3A_243 = tpu.memref_squeeze %get3A_242 : memref<1x64x128xf32, #tpu.memory_space<vmem>> -> memref<64x128xf32, #tpu.memory_space<vmem>>
      %get3A_244 = arith.index_cast %scan3A_203 : i32 to index
      %get3A_245 = arith.constant 32 : index
      %get3A_246 = tpu.vector_load %get3A_243[%get3A_244, %get3A_245] {strides = array<i32>} : memref<64x128xf32, #tpu.memory_space<vmem>>, vector<16xf32>,
      %get3A_247 = arith.constant 0 : i32
      %get3A_248 = arith.constant 0 : i32
      %get3A_249 = tpu.memref_slice %arg10[%scan3A_136, %get3A_247, %get3A_248] : memref<4x64x128xf32, #tpu.memory_space<vmem>> -> memref<1x64x128xf32, #tpu.memory_space<vmem>>
      %get3A_250 = tpu.memref_squeeze %get3A_249 : memref<1x64x128xf32, #tpu.memory_space<vmem>> -> memref<64x128xf32, #tpu.memory_space<vmem>>
      %get3A_251 = arith.index_cast %scan3A_203 : i32 to index
      %get3A_252 = arith.constant 32 : index
      %get3A_253 = tpu.vector_load %get3A_250[%get3A_251, %get3A_252] {strides = array<i32>} : memref<64x128xf32, #tpu.memory_space<vmem>>, vector<16xf32>,
      %add3A_254 = arith.addf %get3A_246, %get3A_253 : vector<16xf32>
      %abs3A_255 = math.absf %add3A_254 : vector<16xf32>
      %add3A_256 = arith.addf %scan3A_206, %abs3A_255 : vector<16xf32>
      %get3A_257 = arith.constant 0 : i32
      %get3A_258 = arith.constant 0 : i32
      %get3A_259 = tpu.memref_slice %arg9[%scan3A_135, %get3A_257, %get3A_258] : memref<4x64x128xf32, #tpu.memory_space<vmem>> -> memref<1x64x128xf32, #tpu.memory_space<vmem>>
      %get3A_260 = tpu.memref_squeeze %get3A_259 : memref<1x64x128xf32, #tpu.memory_space<vmem>> -> memref<64x128xf32, #tpu.memory_space<vmem>>
      %get3A_261 = arith.index_cast %scan3A_203 : i32 to index
      %get3A_262 = arith.constant 48 : index
      %get3A_263 = tpu.vector_load %get3A_260[%get3A_261, %get3A_262] {strides = array<i32>} : memref<64x128xf32, #tpu.memory_space<vmem>>, vector<16xf32>,
      %get3A_264 = arith.constant 0 : i32
      %get3A_265 = arith.constant 0 : i32
      %get3A_266 = tpu.memref_slice %arg10[%scan3A_136, %get3A_264, %get3A_265] : memref<4x64x128xf32, #tpu.memory_space<vmem>> -> memref<1x64x128xf32, #tpu.memory_space<vmem>>
      %get3A_267 = tpu.memref_squeeze %get3A_266 : memref<1x64x128xf32, #tpu.memory_space<vmem>> -> memref<64x128xf32, #tpu.memory_space<vmem>>
      %get3A_268 = arith.index_cast %scan3A_203 : i32 to index
      %get3A_269 = arith.constant 48 : index
      %get3A_270 = tpu.vector_load %get3A_267[%get3A_268, %get3A_269] {strides = array<i32>} : memref<64x128xf32, #tpu.memory_space<vmem>>, vector<16xf32>,
      %add3A_271 = arith.addf %get3A_263, %get3A_270 : vector<16xf32>
      %abs3A_272 = math.absf %add3A_271 : vector<16xf32>
      %add3A_273 = arith.addf %scan3A_207, %abs3A_272 : vector<16xf32>
      %get3A_274 = arith.constant 0 : i32
      %get3A_275 = arith.constant 0 : i32
      %get3A_276 = tpu.memref_slice %arg9[%scan3A_135, %get3A_274, %get3A_275] : memref<4x64x128xf32, #tpu.memory_space<vmem>> -> memref<1x64x128xf32, #tpu.memory_space<vmem>>
      %get3A_277 = tpu.memref_squeeze %get3A_276 : memref<1x64x128xf32, #tpu.memory_space<vmem>> -> memref<64x128xf32, #tpu.memory_space<vmem>>
      %get3A_278 = arith.index_cast %scan3A_203 : i32 to index
      %get3A_279 = arith.constant 64 : index
      %get3A_280 = tpu.vector_load %get3A_277[%get3A_278, %get3A_279] {strides = array<i32>} : memref<64x128xf32, #tpu.memory_space<vmem>>, vector<16xf32>,
      %get3A_281 = arith.constant 0 : i32
      %get3A_282 = arith.constant 0 : i32
      %get3A_283 = tpu.memref_slice %arg10[%scan3A_136, %get3A_281, %get3A_282] : memref<4x64x128xf32, #tpu.memory_space<vmem>> -> memref<1x64x128xf32, #tpu.memory_space<vmem>>
      %get3A_284 = tpu.memref_squeeze %get3A_283 : memref<1x64x128xf32, #tpu.memory_space<vmem>> -> memref<64x128xf32, #tpu.memory_space<vmem>>
      %get3A_285 = arith.index_cast %scan3A_203 : i32 to index
      %get3A_286 = arith.constant 64 : index
      %get3A_287 = tpu.vector_load %get3A_284[%get3A_285, %get3A_286] {strides = array<i32>} : memref<64x128xf32, #tpu.memory_space<vmem>>, vector<16xf32>,
      %add3A_288 = arith.addf %get3A_280, %get3A_287 : vector<16xf32>
      %abs3A_289 = math.absf %add3A_288 : vector<16xf32>
      %add3A_290 = arith.addf %add3A_222, %abs3A_289 : vector<16xf32>
      %get3A_291 = arith.constant 0 : i32
      %get3A_292 = arith.constant 0 : i32
      %get3A_293 = tpu.memref_slice %arg9[%scan3A_135, %get3A_291, %get3A_292] : memref<4x64x128xf32, #tpu.memory_space<vmem>> -> memref<1x64x128xf32, #tpu.memory_space<vmem>>
      %get3A_294 = tpu.memref_squeeze %get3A_293 : memref<1x64x128xf32, #tpu.memory_space<vmem>> -> memref<64x128xf32, #tpu.memory_space<vmem>>
      %get3A_295 = arith.index_cast %scan3A_203 : i32 to index
      %get3A_296 = arith.constant 80 : index
      %get3A_297 = tpu.vector_load %get3A_294[%get3A_295, %get3A_296] {strides = array<i32>} : memref<64x128xf32, #tpu.memory_space<vmem>>, vector<16xf32>,
      %get3A_298 = arith.constant 0 : i32
      %get3A_299 = arith.constant 0 : i32
      %get3A_300 = tpu.memref_slice %arg10[%scan3A_136, %get3A_298, %get3A_299] : memref<4x64x128xf32, #tpu.memory_space<vmem>> -> memref<1x64x128xf32, #tpu.memory_space<vmem>>
      %get3A_301 = tpu.memref_squeeze %get3A_300 : memref<1x64x128xf32, #tpu.memory_space<vmem>> -> memref<64x128xf32, #tpu.memory_space<vmem>>
      %get3A_302 = arith.index_cast %scan3A_203 : i32 to index
      %get3A_303 = arith.constant 80 : index
      %get3A_304 = tpu.vector_load %get3A_301[%get3A_302, %get3A_303] {strides = array<i32>} : memref<64x128xf32, #tpu.memory_space<vmem>>, vector<16xf32>,
      %add3A_305 = arith.addf %get3A_297, %get3A_304 : vector<16xf32>
      %abs3A_306 = math.absf %add3A_305 : vector<16xf32>
      %add3A_307 = arith.addf %add3A_239, %abs3A_306 : vector<16xf32>
      %get3A_308 = arith.constant 0 : i32
      %get3A_309 = arith.constant 0 : i32
      %get3A_310 = tpu.memref_slice %arg9[%scan3A_135, %get3A_308, %get3A_309] : memref<4x64x128xf32, #tpu.memory_space<vmem>> -> memref<1x64x128xf32, #tpu.memory_space<vmem>>
      %get3A_311 = tpu.memref_squeeze %get3A_310 : memref<1x64x128xf32, #tpu.memory_space<vmem>> -> memref<64x128xf32, #tpu.memory_space<vmem>>
      %get3A_312 = arith.index_cast %scan3A_203 : i32 to index
      %get3A_313 = arith.constant 96 : index
      %get3A_314 = tpu.vector_load %get3A_311[%get3A_312, %get3A_313] {strides = array<i32>} : memref<64x128xf32, #tpu.memory_space<vmem>>, vector<16xf32>,
      %get3A_315 = arith.constant 0 : i32
      %get3A_316 = arith.constant 0 : i32
      %get3A_317 = tpu.memref_slice %arg10[%scan3A_136, %get3A_315, %get3A_316] : memref<4x64x128xf32, #tpu.memory_space<vmem>> -> memref<1x64x128xf32, #tpu.memory_space<vmem>>
      %get3A_318 = tpu.memref_squeeze %get3A_317 : memref<1x64x128xf32, #tpu.memory_space<vmem>> -> memref<64x128xf32, #tpu.memory_space<vmem>>
      %get3A_319 = arith.index_cast %scan3A_203 : i32 to index
      %get3A_320 = arith.constant 96 : index
      %get3A_321 = tpu.vector_load %get3A_318[%get3A_319, %get3A_320] {strides = array<i32>} : memref<64x128xf32, #tpu.memory_space<vmem>>, vector<16xf32>,
      %add3A_322 = arith.addf %get3A_314, %get3A_321 : vector<16xf32>
      %abs3A_323 = math.absf %add3A_322 : vector<16xf32>
      %add3A_324 = arith.addf %add3A_256, %abs3A_323 : vector<16xf32>
      %get3A_325 = arith.constant 0 : i32
      %get3A_326 = arith.constant 0 : i32
      %get3A_327 = tpu.memref_slice %arg9[%scan3A_135, %get3A_325, %get3A_326] : memref<4x64x128xf32, #tpu.memory_space<vmem>> -> memref<1x64x128xf32, #tpu.memory_space<vmem>>
      %get3A_328 = tpu.memref_squeeze %get3A_327 : memref<1x64x128xf32, #tpu.memory_space<vmem>> -> memref<64x128xf32, #tpu.memory_space<vmem>>
      %get3A_329 = arith.index_cast %scan3A_203 : i32 to index
      %get3A_330 = arith.constant 112 : index
      %get3A_331 = tpu.vector_load %get3A_328[%get3A_329, %get3A_330] {strides = array<i32>} : memref<64x128xf32, #tpu.memory_space<vmem>>, vector<16xf32>,
      %get3A_332 = arith.constant 0 : i32
      %get3A_333 = arith.constant 0 : i32
      %get3A_334 = tpu.memref_slice %arg10[%scan3A_136, %get3A_332, %get3A_333] : memref<4x64x128xf32, #tpu.memory_space<vmem>> -> memref<1x64x128xf32, #tpu.memory_space<vmem>>
      %get3A_335 = tpu.memref_squeeze %get3A_334 : memref<1x64x128xf32, #tpu.memory_space<vmem>> -> memref<64x128xf32, #tpu.memory_space<vmem>>
      %get3A_336 = arith.index_cast %scan3A_203 : i32 to index
      %get3A_337 = arith.constant 112 : index
      %get3A_338 = tpu.vector_load %get3A_335[%get3A_336, %get3A_337] {strides = array<i32>} : memref<64x128xf32, #tpu.memory_space<vmem>>, vector<16xf32>,
      %add3A_339 = arith.addf %get3A_331, %get3A_338 : vector<16xf32>
      %abs3A_340 = math.absf %add3A_339 : vector<16xf32>
      %add3A_341 = arith.addf %add3A_273, %abs3A_340 : vector<16xf32>
      scf.yield %add3A_290, %add3A_307, %add3A_324, %add3A_341 : vector<16xf32>, vector<16xf32>, vector<16xf32>, vector<16xf32>
    }
    %scan3A_142 = arith.constant 64 : i32
    %dma_wait3A_143 = arith.constant 2 : i32
    %dma_wait3A_144 = arith.constant 0 : i32
    %dma_wait3A_145 = arith.constant 0 : i32
    %dma_wait3A_146 = tpu.memref_slice %arg9[%dma_wait3A_143, %dma_wait3A_144, %dma_wait3A_145] : memref<4x64x128xf32, #tpu.memory_space<vmem>> -> memref<1x64x128xf32, #tpu.memory_space<vmem>>
    %dma_wait3A_147 = tpu.memref_squeeze %dma_wait3A_146 : memref<1x64x128xf32, #tpu.memory_space<vmem>> -> memref<64x128xf32, #tpu.memory_space<vmem>>
    %dma_wait3A_148 = arith.constant 10112 : i32
    %dma_wait3A_149 = tpu.memref_slice %arg7[%dma_wait3A_148] : memref<10240xi32, #tpu.memory_space<vmem>> -> memref<64xi32, #tpu.memory_space<vmem>>
    %dma_wait3A_150 = arith.constant 0 : i32
    %dma_wait3A_151 = arith.constant 0 : i32
    %dma_wait3A_152 = tpu.memref_slice %arg2[%dma_wait3A_150, %dma_wait3A_151] : memref<12048x128xf32, #tpu.memory_space<hbm>> -> memref<12048x128xf32, #tpu.memory_space<hbm>>
    tpu.wait_indirect_dma semaphore(%arg16 : memref<!tpu.dma_semaphore, #tpu.memory_space<semaphore_mem>>) src(%dma_wait3A_152 : memref<12048x128xf32, #tpu.memory_space<hbm>>) dst(%dma_wait3A_147 : memref<64x128xf32, #tpu.memory_space<vmem>>)
    %dma_wait3A_153 = arith.constant 2 : i32
    %dma_wait3A_154 = arith.constant 0 : i32
    %dma_wait3A_155 = arith.constant 0 : i32
    %dma_wait3A_156 = tpu.memref_slice %arg10[%dma_wait3A_153, %dma_wait3A_154, %dma_wait3A_155] : memref<4x64x128xf32, #tpu.memory_space<vmem>> -> memref<1x64x128xf32, #tpu.memory_space<vmem>>
    %dma_wait3A_157 = tpu.memref_squeeze %dma_wait3A_156 : memref<1x64x128xf32, #tpu.memory_space<vmem>> -> memref<64x128xf32, #tpu.memory_space<vmem>>
    %dma_wait3A_158 = arith.constant 10112 : i32
    %dma_wait3A_159 = tpu.memref_slice %arg8[%dma_wait3A_158] : memref<10240xi32, #tpu.memory_space<vmem>> -> memref<64xi32, #tpu.memory_space<vmem>>
    %dma_wait3A_160 = arith.constant 0 : i32
    %dma_wait3A_161 = arith.constant 0 : i32
    %dma_wait3A_162 = tpu.memref_slice %arg3[%dma_wait3A_160, %dma_wait3A_161] : memref<12048x128xf32, #tpu.memory_space<hbm>> -> memref<12048x128xf32, #tpu.memory_space<hbm>>
    tpu.wait_indirect_dma semaphore(%arg17 : memref<!tpu.dma_semaphore, #tpu.memory_space<semaphore_mem>>) src(%dma_wait3A_162 : memref<12048x128xf32, #tpu.memory_space<hbm>>) dst(%dma_wait3A_157 : memref<64x128xf32, #tpu.memory_space<vmem>>)
    %scan3A_163 = arith.constant 2 : i32
    %scan3A_164 = arith.constant 2 : i32
    %scan3A_165 = arith.constant 0 : i32
    %scan3A_166 = arith.constant 64 : i32
    %scan3A_167 = arith.addi %scan3A_165, %scan3A_166 : i32
    %scan3A_168 = arith.constant 1 : i32
    %scan3A_169:4 = scf.for %scan3A_203 = %scan3A_165 to %scan3A_167 step %scan3A_168 iter_args(%scan3A_204 = %scan3A_141#0, %scan3A_205 = %scan3A_141#1, %scan3A_206 = %scan3A_141#2, %scan3A_207 = %scan3A_141#3) -> (vector<16xf32>, vector<16xf32>, vector<16xf32>, vector<16xf32>)  : i32 {
      %get3A = arith.constant 0 : i32
      %get3A_208 = arith.constant 0 : i32
      %get3A_209 = tpu.memref_slice %arg9[%scan3A_163, %get3A, %get3A_208] : memref<4x64x128xf32, #tpu.memory_space<vmem>> -> memref<1x64x128xf32, #tpu.memory_space<vmem>>
      %get3A_210 = tpu.memref_squeeze %get3A_209 : memref<1x64x128xf32, #tpu.memory_space<vmem>> -> memref<64x128xf32, #tpu.memory_space<vmem>>
      %get3A_211 = arith.index_cast %scan3A_203 : i32 to index
      %get3A_212 = arith.constant 0 : index
      %get3A_213 = tpu.vector_load %get3A_210[%get3A_211, %get3A_212] {strides = array<i32>} : memref<64x128xf32, #tpu.memory_space<vmem>>, vector<16xf32>,
      %get3A_214 = arith.constant 0 : i32
      %get3A_215 = arith.constant 0 : i32
      %get3A_216 = tpu.memref_slice %arg10[%scan3A_164, %get3A_214, %get3A_215] : memref<4x64x128xf32, #tpu.memory_space<vmem>> -> memref<1x64x128xf32, #tpu.memory_space<vmem>>
      %get3A_217 = tpu.memref_squeeze %get3A_216 : memref<1x64x128xf32, #tpu.memory_space<vmem>> -> memref<64x128xf32, #tpu.memory_space<vmem>>
      %get3A_218 = arith.index_cast %scan3A_203 : i32 to index
      %get3A_219 = arith.constant 0 : index
      %get3A_220 = tpu.vector_load %get3A_217[%get3A_218, %get3A_219] {strides = array<i32>} : memref<64x128xf32, #tpu.memory_space<vmem>>, vector<16xf32>,
      %add3A_221 = arith.addf %get3A_213, %get3A_220 : vector<16xf32>
      %abs3A = math.absf %add3A_221 : vector<16xf32>
      %add3A_222 = arith.addf %scan3A_204, %abs3A : vector<16xf32>
      %get3A_223 = arith.constant 0 : i32
      %get3A_224 = arith.constant 0 : i32
      %get3A_225 = tpu.memref_slice %arg9[%scan3A_163, %get3A_223, %get3A_224] : memref<4x64x128xf32, #tpu.memory_space<vmem>> -> memref<1x64x128xf32, #tpu.memory_space<vmem>>
      %get3A_226 = tpu.memref_squeeze %get3A_225 : memref<1x64x128xf32, #tpu.memory_space<vmem>> -> memref<64x128xf32, #tpu.memory_space<vmem>>
      %get3A_227 = arith.index_cast %scan3A_203 : i32 to index
      %get3A_228 = arith.constant 16 : index
      %get3A_229 = tpu.vector_load %get3A_226[%get3A_227, %get3A_228] {strides = array<i32>} : memref<64x128xf32, #tpu.memory_space<vmem>>, vector<16xf32>,
      %get3A_230 = arith.constant 0 : i32
      %get3A_231 = arith.constant 0 : i32
      %get3A_232 = tpu.memref_slice %arg10[%scan3A_164, %get3A_230, %get3A_231] : memref<4x64x128xf32, #tpu.memory_space<vmem>> -> memref<1x64x128xf32, #tpu.memory_space<vmem>>
      %get3A_233 = tpu.memref_squeeze %get3A_232 : memref<1x64x128xf32, #tpu.memory_space<vmem>> -> memref<64x128xf32, #tpu.memory_space<vmem>>
      %get3A_234 = arith.index_cast %scan3A_203 : i32 to index
      %get3A_235 = arith.constant 16 : index
      %get3A_236 = tpu.vector_load %get3A_233[%get3A_234, %get3A_235] {strides = array<i32>} : memref<64x128xf32, #tpu.memory_space<vmem>>, vector<16xf32>,
      %add3A_237 = arith.addf %get3A_229, %get3A_236 : vector<16xf32>
      %abs3A_238 = math.absf %add3A_237 : vector<16xf32>
      %add3A_239 = arith.addf %scan3A_205, %abs3A_238 : vector<16xf32>
      %get3A_240 = arith.constant 0 : i32
      %get3A_241 = arith.constant 0 : i32
      %get3A_242 = tpu.memref_slice %arg9[%scan3A_163, %get3A_240, %get3A_241] : memref<4x64x128xf32, #tpu.memory_space<vmem>> -> memref<1x64x128xf32, #tpu.memory_space<vmem>>
      %get3A_243 = tpu.memref_squeeze %get3A_242 : memref<1x64x128xf32, #tpu.memory_space<vmem>> -> memref<64x128xf32, #tpu.memory_space<vmem>>
      %get3A_244 = arith.index_cast %scan3A_203 : i32 to index
      %get3A_245 = arith.constant 32 : index
      %get3A_246 = tpu.vector_load %get3A_243[%get3A_244, %get3A_245] {strides = array<i32>} : memref<64x128xf32, #tpu.memory_space<vmem>>, vector<16xf32>,
      %get3A_247 = arith.constant 0 : i32
      %get3A_248 = arith.constant 0 : i32
      %get3A_249 = tpu.memref_slice %arg10[%scan3A_164, %get3A_247, %get3A_248] : memref<4x64x128xf32, #tpu.memory_space<vmem>> -> memref<1x64x128xf32, #tpu.memory_space<vmem>>
      %get3A_250 = tpu.memref_squeeze %get3A_249 : memref<1x64x128xf32, #tpu.memory_space<vmem>> -> memref<64x128xf32, #tpu.memory_space<vmem>>
      %get3A_251 = arith.index_cast %scan3A_203 : i32 to index
      %get3A_252 = arith.constant 32 : index
      %get3A_253 = tpu.vector_load %get3A_250[%get3A_251, %get3A_252] {strides = array<i32>} : memref<64x128xf32, #tpu.memory_space<vmem>>, vector<16xf32>,
      %add3A_254 = arith.addf %get3A_246, %get3A_253 : vector<16xf32>
      %abs3A_255 = math.absf %add3A_254 : vector<16xf32>
      %add3A_256 = arith.addf %scan3A_206, %abs3A_255 : vector<16xf32>
      %get3A_257 = arith.constant 0 : i32
      %get3A_258 = arith.constant 0 : i32
      %get3A_259 = tpu.memref_slice %arg9[%scan3A_163, %get3A_257, %get3A_258] : memref<4x64x128xf32, #tpu.memory_space<vmem>> -> memref<1x64x128xf32, #tpu.memory_space<vmem>>
      %get3A_260 = tpu.memref_squeeze %get3A_259 : memref<1x64x128xf32, #tpu.memory_space<vmem>> -> memref<64x128xf32, #tpu.memory_space<vmem>>
      %get3A_261 = arith.index_cast %scan3A_203 : i32 to index
      %get3A_262 = arith.constant 48 : index
      %get3A_263 = tpu.vector_load %get3A_260[%get3A_261, %get3A_262] {strides = array<i32>} : memref<64x128xf32, #tpu.memory_space<vmem>>, vector<16xf32>,
      %get3A_264 = arith.constant 0 : i32
      %get3A_265 = arith.constant 0 : i32
      %get3A_266 = tpu.memref_slice %arg10[%scan3A_164, %get3A_264, %get3A_265] : memref<4x64x128xf32, #tpu.memory_space<vmem>> -> memref<1x64x128xf32, #tpu.memory_space<vmem>>
      %get3A_267 = tpu.memref_squeeze %get3A_266 : memref<1x64x128xf32, #tpu.memory_space<vmem>> -> memref<64x128xf32, #tpu.memory_space<vmem>>
      %get3A_268 = arith.index_cast %scan3A_203 : i32 to index
      %get3A_269 = arith.constant 48 : index
      %get3A_270 = tpu.vector_load %get3A_267[%get3A_268, %get3A_269] {strides = array<i32>} : memref<64x128xf32, #tpu.memory_space<vmem>>, vector<16xf32>,
      %add3A_271 = arith.addf %get3A_263, %get3A_270 : vector<16xf32>
      %abs3A_272 = math.absf %add3A_271 : vector<16xf32>
      %add3A_273 = arith.addf %scan3A_207, %abs3A_272 : vector<16xf32>
      %get3A_274 = arith.constant 0 : i32
      %get3A_275 = arith.constant 0 : i32
      %get3A_276 = tpu.memref_slice %arg9[%scan3A_163, %get3A_274, %get3A_275] : memref<4x64x128xf32, #tpu.memory_space<vmem>> -> memref<1x64x128xf32, #tpu.memory_space<vmem>>
      %get3A_277 = tpu.memref_squeeze %get3A_276 : memref<1x64x128xf32, #tpu.memory_space<vmem>> -> memref<64x128xf32, #tpu.memory_space<vmem>>
      %get3A_278 = arith.index_cast %scan3A_203 : i32 to index
      %get3A_279 = arith.constant 64 : index
      %get3A_280 = tpu.vector_load %get3A_277[%get3A_278, %get3A_279] {strides = array<i32>} : memref<64x128xf32, #tpu.memory_space<vmem>>, vector<16xf32>,
      %get3A_281 = arith.constant 0 : i32
      %get3A_282 = arith.constant 0 : i32
      %get3A_283 = tpu.memref_slice %arg10[%scan3A_164, %get3A_281, %get3A_282] : memref<4x64x128xf32, #tpu.memory_space<vmem>> -> memref<1x64x128xf32, #tpu.memory_space<vmem>>
      %get3A_284 = tpu.memref_squeeze %get3A_283 : memref<1x64x128xf32, #tpu.memory_space<vmem>> -> memref<64x128xf32, #tpu.memory_space<vmem>>
      %get3A_285 = arith.index_cast %scan3A_203 : i32 to index
      %get3A_286 = arith.constant 64 : index
      %get3A_287 = tpu.vector_load %get3A_284[%get3A_285, %get3A_286] {strides = array<i32>} : memref<64x128xf32, #tpu.memory_space<vmem>>, vector<16xf32>,
      %add3A_288 = arith.addf %get3A_280, %get3A_287 : vector<16xf32>
      %abs3A_289 = math.absf %add3A_288 : vector<16xf32>
      %add3A_290 = arith.addf %add3A_222, %abs3A_289 : vector<16xf32>
      %get3A_291 = arith.constant 0 : i32
      %get3A_292 = arith.constant 0 : i32
      %get3A_293 = tpu.memref_slice %arg9[%scan3A_163, %get3A_291, %get3A_292] : memref<4x64x128xf32, #tpu.memory_space<vmem>> -> memref<1x64x128xf32, #tpu.memory_space<vmem>>
      %get3A_294 = tpu.memref_squeeze %get3A_293 : memref<1x64x128xf32, #tpu.memory_space<vmem>> -> memref<64x128xf32, #tpu.memory_space<vmem>>
      %get3A_295 = arith.index_cast %scan3A_203 : i32 to index
      %get3A_296 = arith.constant 80 : index
      %get3A_297 = tpu.vector_load %get3A_294[%get3A_295, %get3A_296] {strides = array<i32>} : memref<64x128xf32, #tpu.memory_space<vmem>>, vector<16xf32>,
      %get3A_298 = arith.constant 0 : i32
      %get3A_299 = arith.constant 0 : i32
      %get3A_300 = tpu.memref_slice %arg10[%scan3A_164, %get3A_298, %get3A_299] : memref<4x64x128xf32, #tpu.memory_space<vmem>> -> memref<1x64x128xf32, #tpu.memory_space<vmem>>
      %get3A_301 = tpu.memref_squeeze %get3A_300 : memref<1x64x128xf32, #tpu.memory_space<vmem>> -> memref<64x128xf32, #tpu.memory_space<vmem>>
      %get3A_302 = arith.index_cast %scan3A_203 : i32 to index
      %get3A_303 = arith.constant 80 : index
      %get3A_304 = tpu.vector_load %get3A_301[%get3A_302, %get3A_303] {strides = array<i32>} : memref<64x128xf32, #tpu.memory_space<vmem>>, vector<16xf32>,
      %add3A_305 = arith.addf %get3A_297, %get3A_304 : vector<16xf32>
      %abs3A_306 = math.absf %add3A_305 : vector<16xf32>
      %add3A_307 = arith.addf %add3A_239, %abs3A_306 : vector<16xf32>
      %get3A_308 = arith.constant 0 : i32
      %get3A_309 = arith.constant 0 : i32
      %get3A_310 = tpu.memref_slice %arg9[%scan3A_163, %get3A_308, %get3A_309] : memref<4x64x128xf32, #tpu.memory_space<vmem>> -> memref<1x64x128xf32, #tpu.memory_space<vmem>>
      %get3A_311 = tpu.memref_squeeze %get3A_310 : memref<1x64x128xf32, #tpu.memory_space<vmem>> -> memref<64x128xf32, #tpu.memory_space<vmem>>
      %get3A_312 = arith.index_cast %scan3A_203 : i32 to index
      %get3A_313 = arith.constant 96 : index
      %get3A_314 = tpu.vector_load %get3A_311[%get3A_312, %get3A_313] {strides = array<i32>} : memref<64x128xf32, #tpu.memory_space<vmem>>, vector<16xf32>,
      %get3A_315 = arith.constant 0 : i32
      %get3A_316 = arith.constant 0 : i32
      %get3A_317 = tpu.memref_slice %arg10[%scan3A_164, %get3A_315, %get3A_316] : memref<4x64x128xf32, #tpu.memory_space<vmem>> -> memref<1x64x128xf32, #tpu.memory_space<vmem>>
      %get3A_318 = tpu.memref_squeeze %get3A_317 : memref<1x64x128xf32, #tpu.memory_space<vmem>> -> memref<64x128xf32, #tpu.memory_space<vmem>>
      %get3A_319 = arith.index_cast %scan3A_203 : i32 to index
      %get3A_320 = arith.constant 96 : index
      %get3A_321 = tpu.vector_load %get3A_318[%get3A_319, %get3A_320] {strides = array<i32>} : memref<64x128xf32, #tpu.memory_space<vmem>>, vector<16xf32>,
      %add3A_322 = arith.addf %get3A_314, %get3A_321 : vector<16xf32>
      %abs3A_323 = math.absf %add3A_322 : vector<16xf32>
      %add3A_324 = arith.addf %add3A_256, %abs3A_323 : vector<16xf32>
      %get3A_325 = arith.constant 0 : i32
      %get3A_326 = arith.constant 0 : i32
      %get3A_327 = tpu.memref_slice %arg9[%scan3A_163, %get3A_325, %get3A_326] : memref<4x64x128xf32, #tpu.memory_space<vmem>> -> memref<1x64x128xf32, #tpu.memory_space<vmem>>
      %get3A_328 = tpu.memref_squeeze %get3A_327 : memref<1x64x128xf32, #tpu.memory_space<vmem>> -> memref<64x128xf32, #tpu.memory_space<vmem>>
      %get3A_329 = arith.index_cast %scan3A_203 : i32 to index
      %get3A_330 = arith.constant 112 : index
      %get3A_331 = tpu.vector_load %get3A_328[%get3A_329, %get3A_330] {strides = array<i32>} : memref<64x128xf32, #tpu.memory_space<vmem>>, vector<16xf32>,
      %get3A_332 = arith.constant 0 : i32
      %get3A_333 = arith.constant 0 : i32
      %get3A_334 = tpu.memref_slice %arg10[%scan3A_164, %get3A_332, %get3A_333] : memref<4x64x128xf32, #tpu.memory_space<vmem>> -> memref<1x64x128xf32, #tpu.memory_space<vmem>>
      %get3A_335 = tpu.memref_squeeze %get3A_334 : memref<1x64x128xf32, #tpu.memory_space<vmem>> -> memref<64x128xf32, #tpu.memory_space<vmem>>
      %get3A_336 = arith.index_cast %scan3A_203 : i32 to index
      %get3A_337 = arith.constant 112 : index
      %get3A_338 = tpu.vector_load %get3A_335[%get3A_336, %get3A_337] {strides = array<i32>} : memref<64x128xf32, #tpu.memory_space<vmem>>, vector<16xf32>,
      %add3A_339 = arith.addf %get3A_331, %get3A_338 : vector<16xf32>
      %abs3A_340 = math.absf %add3A_339 : vector<16xf32>
      %add3A_341 = arith.addf %add3A_273, %abs3A_340 : vector<16xf32>
      scf.yield %add3A_290, %add3A_307, %add3A_324, %add3A_341 : vector<16xf32>, vector<16xf32>, vector<16xf32>, vector<16xf32>
    }
    %scan3A_170 = arith.constant 64 : i32
    %dma_wait3A_171 = arith.constant 3 : i32
    %dma_wait3A_172 = arith.constant 0 : i32
    %dma_wait3A_173 = arith.constant 0 : i32
    %dma_wait3A_174 = tpu.memref_slice %arg9[%dma_wait3A_171, %dma_wait3A_172, %dma_wait3A_173] : memref<4x64x128xf32, #tpu.memory_space<vmem>> -> memref<1x64x128xf32, #tpu.memory_space<vmem>>
    %dma_wait3A_175 = tpu.memref_squeeze %dma_wait3A_174 : memref<1x64x128xf32, #tpu.memory_space<vmem>> -> memref<64x128xf32, #tpu.memory_space<vmem>>
    %dma_wait3A_176 = arith.constant 10176 : i32
    %dma_wait3A_177 = tpu.memref_slice %arg7[%dma_wait3A_176] : memref<10240xi32, #tpu.memory_space<vmem>> -> memref<64xi32, #tpu.memory_space<vmem>>
    %dma_wait3A_178 = arith.constant 0 : i32
    %dma_wait3A_179 = arith.constant 0 : i32
    %dma_wait3A_180 = tpu.memref_slice %arg2[%dma_wait3A_178, %dma_wait3A_179] : memref<12048x128xf32, #tpu.memory_space<hbm>> -> memref<12048x128xf32, #tpu.memory_space<hbm>>
    tpu.wait_indirect_dma semaphore(%arg18 : memref<!tpu.dma_semaphore, #tpu.memory_space<semaphore_mem>>) src(%dma_wait3A_180 : memref<12048x128xf32, #tpu.memory_space<hbm>>) dst(%dma_wait3A_175 : memref<64x128xf32, #tpu.memory_space<vmem>>)
    %dma_wait3A_181 = arith.constant 3 : i32
    %dma_wait3A_182 = arith.constant 0 : i32
    %dma_wait3A_183 = arith.constant 0 : i32
    %dma_wait3A_184 = tpu.memref_slice %arg10[%dma_wait3A_181, %dma_wait3A_182, %dma_wait3A_183] : memref<4x64x128xf32, #tpu.memory_space<vmem>> -> memref<1x64x128xf32, #tpu.memory_space<vmem>>
    %dma_wait3A_185 = tpu.memref_squeeze %dma_wait3A_184 : memref<1x64x128xf32, #tpu.memory_space<vmem>> -> memref<64x128xf32, #tpu.memory_space<vmem>>
    %dma_wait3A_186 = arith.constant 10176 : i32
    %dma_wait3A_187 = tpu.memref_slice %arg8[%dma_wait3A_186] : memref<10240xi32, #tpu.memory_space<vmem>> -> memref<64xi32, #tpu.memory_space<vmem>>
    %dma_wait3A_188 = arith.constant 0 : i32
    %dma_wait3A_189 = arith.constant 0 : i32
    %dma_wait3A_190 = tpu.memref_slice %arg3[%dma_wait3A_188, %dma_wait3A_189] : memref<12048x128xf32, #tpu.memory_space<hbm>> -> memref<12048x128xf32, #tpu.memory_space<hbm>>
    tpu.wait_indirect_dma semaphore(%arg19 : memref<!tpu.dma_semaphore, #tpu.memory_space<semaphore_mem>>) src(%dma_wait3A_190 : memref<12048x128xf32, #tpu.memory_space<hbm>>) dst(%dma_wait3A_185 : memref<64x128xf32, #tpu.memory_space<vmem>>)
    %scan3A_191 = arith.constant 3 : i32
    %scan3A_192 = arith.constant 3 : i32
    %scan3A_193 = arith.constant 0 : i32
    %scan3A_194 = arith.constant 64 : i32
    %scan3A_195 = arith.addi %scan3A_193, %scan3A_194 : i32
    %scan3A_196 = arith.constant 1 : i32
    %scan3A_197:4 = scf.for %scan3A_203 = %scan3A_193 to %scan3A_195 step %scan3A_196 iter_args(%scan3A_204 = %scan3A_169#0, %scan3A_205 = %scan3A_169#1, %scan3A_206 = %scan3A_169#2, %scan3A_207 = %scan3A_169#3) -> (vector<16xf32>, vector<16xf32>, vector<16xf32>, vector<16xf32>)  : i32 {
      %get3A = arith.constant 0 : i32
      %get3A_208 = arith.constant 0 : i32
      %get3A_209 = tpu.memref_slice %arg9[%scan3A_191, %get3A, %get3A_208] : memref<4x64x128xf32, #tpu.memory_space<vmem>> -> memref<1x64x128xf32, #tpu.memory_space<vmem>>
      %get3A_210 = tpu.memref_squeeze %get3A_209 : memref<1x64x128xf32, #tpu.memory_space<vmem>> -> memref<64x128xf32, #tpu.memory_space<vmem>>
      %get3A_211 = arith.index_cast %scan3A_203 : i32 to index
      %get3A_212 = arith.constant 0 : index
      %get3A_213 = tpu.vector_load %get3A_210[%get3A_211, %get3A_212] {strides = array<i32>} : memref<64x128xf32, #tpu.memory_space<vmem>>, vector<16xf32>,
      %get3A_214 = arith.constant 0 : i32
      %get3A_215 = arith.constant 0 : i32
      %get3A_216 = tpu.memref_slice %arg10[%scan3A_192, %get3A_214, %get3A_215] : memref<4x64x128xf32, #tpu.memory_space<vmem>> -> memref<1x64x128xf32, #tpu.memory_space<vmem>>
      %get3A_217 = tpu.memref_squeeze %get3A_216 : memref<1x64x128xf32, #tpu.memory_space<vmem>> -> memref<64x128xf32, #tpu.memory_space<vmem>>
      %get3A_218 = arith.index_cast %scan3A_203 : i32 to index
      %get3A_219 = arith.constant 0 : index
      %get3A_220 = tpu.vector_load %get3A_217[%get3A_218, %get3A_219] {strides = array<i32>} : memref<64x128xf32, #tpu.memory_space<vmem>>, vector<16xf32>,
      %add3A_221 = arith.addf %get3A_213, %get3A_220 : vector<16xf32>
      %abs3A = math.absf %add3A_221 : vector<16xf32>
      %add3A_222 = arith.addf %scan3A_204, %abs3A : vector<16xf32>
      %get3A_223 = arith.constant 0 : i32
      %get3A_224 = arith.constant 0 : i32
      %get3A_225 = tpu.memref_slice %arg9[%scan3A_191, %get3A_223, %get3A_224] : memref<4x64x128xf32, #tpu.memory_space<vmem>> -> memref<1x64x128xf32, #tpu.memory_space<vmem>>
      %get3A_226 = tpu.memref_squeeze %get3A_225 : memref<1x64x128xf32, #tpu.memory_space<vmem>> -> memref<64x128xf32, #tpu.memory_space<vmem>>
      %get3A_227 = arith.index_cast %scan3A_203 : i32 to index
      %get3A_228 = arith.constant 16 : index
      %get3A_229 = tpu.vector_load %get3A_226[%get3A_227, %get3A_228] {strides = array<i32>} : memref<64x128xf32, #tpu.memory_space<vmem>>, vector<16xf32>,
      %get3A_230 = arith.constant 0 : i32
      %get3A_231 = arith.constant 0 : i32
      %get3A_232 = tpu.memref_slice %arg10[%scan3A_192, %get3A_230, %get3A_231] : memref<4x64x128xf32, #tpu.memory_space<vmem>> -> memref<1x64x128xf32, #tpu.memory_space<vmem>>
      %get3A_233 = tpu.memref_squeeze %get3A_232 : memref<1x64x128xf32, #tpu.memory_space<vmem>> -> memref<64x128xf32, #tpu.memory_space<vmem>>
      %get3A_234 = arith.index_cast %scan3A_203 : i32 to index
      %get3A_235 = arith.constant 16 : index
      %get3A_236 = tpu.vector_load %get3A_233[%get3A_234, %get3A_235] {strides = array<i32>} : memref<64x128xf32, #tpu.memory_space<vmem>>, vector<16xf32>,
      %add3A_237 = arith.addf %get3A_229, %get3A_236 : vector<16xf32>
      %abs3A_238 = math.absf %add3A_237 : vector<16xf32>
      %add3A_239 = arith.addf %scan3A_205, %abs3A_238 : vector<16xf32>
      %get3A_240 = arith.constant 0 : i32
      %get3A_241 = arith.constant 0 : i32
      %get3A_242 = tpu.memref_slice %arg9[%scan3A_191, %get3A_240, %get3A_241] : memref<4x64x128xf32, #tpu.memory_space<vmem>> -> memref<1x64x128xf32, #tpu.memory_space<vmem>>
      %get3A_243 = tpu.memref_squeeze %get3A_242 : memref<1x64x128xf32, #tpu.memory_space<vmem>> -> memref<64x128xf32, #tpu.memory_space<vmem>>
      %get3A_244 = arith.index_cast %scan3A_203 : i32 to index
      %get3A_245 = arith.constant 32 : index
      %get3A_246 = tpu.vector_load %get3A_243[%get3A_244, %get3A_245] {strides = array<i32>} : memref<64x128xf32, #tpu.memory_space<vmem>>, vector<16xf32>,
      %get3A_247 = arith.constant 0 : i32
      %get3A_248 = arith.constant 0 : i32
      %get3A_249 = tpu.memref_slice %arg10[%scan3A_192, %get3A_247, %get3A_248] : memref<4x64x128xf32, #tpu.memory_space<vmem>> -> memref<1x64x128xf32, #tpu.memory_space<vmem>>
      %get3A_250 = tpu.memref_squeeze %get3A_249 : memref<1x64x128xf32, #tpu.memory_space<vmem>> -> memref<64x128xf32, #tpu.memory_space<vmem>>
      %get3A_251 = arith.index_cast %scan3A_203 : i32 to index
      %get3A_252 = arith.constant 32 : index
      %get3A_253 = tpu.vector_load %get3A_250[%get3A_251, %get3A_252] {strides = array<i32>} : memref<64x128xf32, #tpu.memory_space<vmem>>, vector<16xf32>,
      %add3A_254 = arith.addf %get3A_246, %get3A_253 : vector<16xf32>
      %abs3A_255 = math.absf %add3A_254 : vector<16xf32>
      %add3A_256 = arith.addf %scan3A_206, %abs3A_255 : vector<16xf32>
      %get3A_257 = arith.constant 0 : i32
      %get3A_258 = arith.constant 0 : i32
      %get3A_259 = tpu.memref_slice %arg9[%scan3A_191, %get3A_257, %get3A_258] : memref<4x64x128xf32, #tpu.memory_space<vmem>> -> memref<1x64x128xf32, #tpu.memory_space<vmem>>
      %get3A_260 = tpu.memref_squeeze %get3A_259 : memref<1x64x128xf32, #tpu.memory_space<vmem>> -> memref<64x128xf32, #tpu.memory_space<vmem>>
      %get3A_261 = arith.index_cast %scan3A_203 : i32 to index
      %get3A_262 = arith.constant 48 : index
      %get3A_263 = tpu.vector_load %get3A_260[%get3A_261, %get3A_262] {strides = array<i32>} : memref<64x128xf32, #tpu.memory_space<vmem>>, vector<16xf32>,
      %get3A_264 = arith.constant 0 : i32
      %get3A_265 = arith.constant 0 : i32
      %get3A_266 = tpu.memref_slice %arg10[%scan3A_192, %get3A_264, %get3A_265] : memref<4x64x128xf32, #tpu.memory_space<vmem>> -> memref<1x64x128xf32, #tpu.memory_space<vmem>>
      %get3A_267 = tpu.memref_squeeze %get3A_266 : memref<1x64x128xf32, #tpu.memory_space<vmem>> -> memref<64x128xf32, #tpu.memory_space<vmem>>
      %get3A_268 = arith.index_cast %scan3A_203 : i32 to index
      %get3A_269 = arith.constant 48 : index
      %get3A_270 = tpu.vector_load %get3A_267[%get3A_268, %get3A_269] {strides = array<i32>} : memref<64x128xf32, #tpu.memory_space<vmem>>, vector<16xf32>,
      %add3A_271 = arith.addf %get3A_263, %get3A_270 : vector<16xf32>
      %abs3A_272 = math.absf %add3A_271 : vector<16xf32>
      %add3A_273 = arith.addf %scan3A_207, %abs3A_272 : vector<16xf32>
      %get3A_274 = arith.constant 0 : i32
      %get3A_275 = arith.constant 0 : i32
      %get3A_276 = tpu.memref_slice %arg9[%scan3A_191, %get3A_274, %get3A_275] : memref<4x64x128xf32, #tpu.memory_space<vmem>> -> memref<1x64x128xf32, #tpu.memory_space<vmem>>
      %get3A_277 = tpu.memref_squeeze %get3A_276 : memref<1x64x128xf32, #tpu.memory_space<vmem>> -> memref<64x128xf32, #tpu.memory_space<vmem>>
      %get3A_278 = arith.index_cast %scan3A_203 : i32 to index
      %get3A_279 = arith.constant 64 : index
      %get3A_280 = tpu.vector_load %get3A_277[%get3A_278, %get3A_279] {strides = array<i32>} : memref<64x128xf32, #tpu.memory_space<vmem>>, vector<16xf32>,
      %get3A_281 = arith.constant 0 : i32
      %get3A_282 = arith.constant 0 : i32
      %get3A_283 = tpu.memref_slice %arg10[%scan3A_192, %get3A_281, %get3A_282] : memref<4x64x128xf32, #tpu.memory_space<vmem>> -> memref<1x64x128xf32, #tpu.memory_space<vmem>>
      %get3A_284 = tpu.memref_squeeze %get3A_283 : memref<1x64x128xf32, #tpu.memory_space<vmem>> -> memref<64x128xf32, #tpu.memory_space<vmem>>
      %get3A_285 = arith.index_cast %scan3A_203 : i32 to index
      %get3A_286 = arith.constant 64 : index
      %get3A_287 = tpu.vector_load %get3A_284[%get3A_285, %get3A_286] {strides = array<i32>} : memref<64x128xf32, #tpu.memory_space<vmem>>, vector<16xf32>,
      %add3A_288 = arith.addf %get3A_280, %get3A_287 : vector<16xf32>
      %abs3A_289 = math.absf %add3A_288 : vector<16xf32>
      %add3A_290 = arith.addf %add3A_222, %abs3A_289 : vector<16xf32>
      %get3A_291 = arith.constant 0 : i32
      %get3A_292 = arith.constant 0 : i32
      %get3A_293 = tpu.memref_slice %arg9[%scan3A_191, %get3A_291, %get3A_292] : memref<4x64x128xf32, #tpu.memory_space<vmem>> -> memref<1x64x128xf32, #tpu.memory_space<vmem>>
      %get3A_294 = tpu.memref_squeeze %get3A_293 : memref<1x64x128xf32, #tpu.memory_space<vmem>> -> memref<64x128xf32, #tpu.memory_space<vmem>>
      %get3A_295 = arith.index_cast %scan3A_203 : i32 to index
      %get3A_296 = arith.constant 80 : index
      %get3A_297 = tpu.vector_load %get3A_294[%get3A_295, %get3A_296] {strides = array<i32>} : memref<64x128xf32, #tpu.memory_space<vmem>>, vector<16xf32>,
      %get3A_298 = arith.constant 0 : i32
      %get3A_299 = arith.constant 0 : i32
      %get3A_300 = tpu.memref_slice %arg10[%scan3A_192, %get3A_298, %get3A_299] : memref<4x64x128xf32, #tpu.memory_space<vmem>> -> memref<1x64x128xf32, #tpu.memory_space<vmem>>
      %get3A_301 = tpu.memref_squeeze %get3A_300 : memref<1x64x128xf32, #tpu.memory_space<vmem>> -> memref<64x128xf32, #tpu.memory_space<vmem>>
      %get3A_302 = arith.index_cast %scan3A_203 : i32 to index
      %get3A_303 = arith.constant 80 : index
      %get3A_304 = tpu.vector_load %get3A_301[%get3A_302, %get3A_303] {strides = array<i32>} : memref<64x128xf32, #tpu.memory_space<vmem>>, vector<16xf32>,
      %add3A_305 = arith.addf %get3A_297, %get3A_304 : vector<16xf32>
      %abs3A_306 = math.absf %add3A_305 : vector<16xf32>
      %add3A_307 = arith.addf %add3A_239, %abs3A_306 : vector<16xf32>
      %get3A_308 = arith.constant 0 : i32
      %get3A_309 = arith.constant 0 : i32
      %get3A_310 = tpu.memref_slice %arg9[%scan3A_191, %get3A_308, %get3A_309] : memref<4x64x128xf32, #tpu.memory_space<vmem>> -> memref<1x64x128xf32, #tpu.memory_space<vmem>>
      %get3A_311 = tpu.memref_squeeze %get3A_310 : memref<1x64x128xf32, #tpu.memory_space<vmem>> -> memref<64x128xf32, #tpu.memory_space<vmem>>
      %get3A_312 = arith.index_cast %scan3A_203 : i32 to index
      %get3A_313 = arith.constant 96 : index
      %get3A_314 = tpu.vector_load %get3A_311[%get3A_312, %get3A_313] {strides = array<i32>} : memref<64x128xf32, #tpu.memory_space<vmem>>, vector<16xf32>,
      %get3A_315 = arith.constant 0 : i32
      %get3A_316 = arith.constant 0 : i32
      %get3A_317 = tpu.memref_slice %arg10[%scan3A_192, %get3A_315, %get3A_316] : memref<4x64x128xf32, #tpu.memory_space<vmem>> -> memref<1x64x128xf32, #tpu.memory_space<vmem>>
      %get3A_318 = tpu.memref_squeeze %get3A_317 : memref<1x64x128xf32, #tpu.memory_space<vmem>> -> memref<64x128xf32, #tpu.memory_space<vmem>>
      %get3A_319 = arith.index_cast %scan3A_203 : i32 to index
      %get3A_320 = arith.constant 96 : index
      %get3A_321 = tpu.vector_load %get3A_318[%get3A_319, %get3A_320] {strides = array<i32>} : memref<64x128xf32, #tpu.memory_space<vmem>>, vector<16xf32>,
      %add3A_322 = arith.addf %get3A_314, %get3A_321 : vector<16xf32>
      %abs3A_323 = math.absf %add3A_322 : vector<16xf32>
      %add3A_324 = arith.addf %add3A_256, %abs3A_323 : vector<16xf32>
      %get3A_325 = arith.constant 0 : i32
      %get3A_326 = arith.constant 0 : i32
      %get3A_327 = tpu.memref_slice %arg9[%scan3A_191, %get3A_325, %get3A_326] : memref<4x64x128xf32, #tpu.memory_space<vmem>> -> memref<1x64x128xf32, #tpu.memory_space<vmem>>
      %get3A_328 = tpu.memref_squeeze %get3A_327 : memref<1x64x128xf32, #tpu.memory_space<vmem>> -> memref<64x128xf32, #tpu.memory_space<vmem>>
      %get3A_329 = arith.index_cast %scan3A_203 : i32 to index
      %get3A_330 = arith.constant 112 : index
      %get3A_331 = tpu.vector_load %get3A_328[%get3A_329, %get3A_330] {strides = array<i32>} : memref<64x128xf32, #tpu.memory_space<vmem>>, vector<16xf32>,
      %get3A_332 = arith.constant 0 : i32
      %get3A_333 = arith.constant 0 : i32
      %get3A_334 = tpu.memref_slice %arg10[%scan3A_192, %get3A_332, %get3A_333] : memref<4x64x128xf32, #tpu.memory_space<vmem>> -> memref<1x64x128xf32, #tpu.memory_space<vmem>>
      %get3A_335 = tpu.memref_squeeze %get3A_334 : memref<1x64x128xf32, #tpu.memory_space<vmem>> -> memref<64x128xf32, #tpu.memory_space<vmem>>
      %get3A_336 = arith.index_cast %scan3A_203 : i32 to index
      %get3A_337 = arith.constant 112 : index
      %get3A_338 = tpu.vector_load %get3A_335[%get3A_336, %get3A_337] {strides = array<i32>} : memref<64x128xf32, #tpu.memory_space<vmem>>, vector<16xf32>,
      %add3A_339 = arith.addf %get3A_331, %get3A_338 : vector<16xf32>
      %abs3A_340 = math.absf %add3A_339 : vector<16xf32>
      %add3A_341 = arith.addf %add3A_273, %abs3A_340 : vector<16xf32>
      scf.yield %add3A_290, %add3A_307, %add3A_324, %add3A_341 : vector<16xf32>, vector<16xf32>, vector<16xf32>, vector<16xf32>
    }
    %scan3A_198 = arith.constant 64 : i32
    %add3A_199 = arith.addf %scan3A_197#0, %scan3A_197#1 : vector<16xf32>
    %add3A_200 = arith.addf %add3A_199, %scan3A_197#2 : vector<16xf32>
    %add3A_201 = arith.addf %add3A_200, %scan3A_197#3 : vector<16xf32>
    %swap3A = arith.constant 0 : index
    %swap3A_202 = tpu.vector_load %arg11[%swap3A] {strides = array<i32>} : memref<16xf32, #tpu.memory_space<vmem>>, vector<16xf32>,
    tpu.vector_store %arg11[%swap3A], %add3A_201 {strides = array<i32>} : memref<16xf32, #tpu.memory_space<vmem>>, vector<16xf32>,
    "tpu.region"() ({
      %run_scoped3A = tpu.sem_alloc : memref<!tpu.dma_semaphore, #tpu.memory_space<semaphore_mem>>
      %dma_start3A_203 = arith.constant 0 : i32
      %dma_start3A_204 = tpu.memref_slice %arg6[%add3A, %dma_start3A_203] : memref<32x16xf32, #tpu.memory_space<hbm>> -> memref<1x16xf32, #tpu.memory_space<hbm>>
      %dma_start3A_205 = tpu.memref_squeeze %dma_start3A_204 : memref<1x16xf32, #tpu.memory_space<hbm>> -> memref<16xf32, #tpu.memory_space<hbm>>
      %dma_start3A_206 = arith.constant 0 : i32
      %dma_start3A_207 = tpu.memref_slice %arg6[%add3A, %dma_start3A_206] : memref<32x16xf32, #tpu.memory_space<hbm>> -> memref<1x16xf32, #tpu.memory_space<hbm>>
      %dma_start3A_208 = tpu.memref_squeeze %dma_start3A_207 : memref<1x16xf32, #tpu.memory_space<hbm>> -> memref<16xf32, #tpu.memory_space<hbm>>
      tpu.enqueue_dma source(%arg11 : memref<16xf32, #tpu.memory_space<vmem>>) target(%dma_start3A_208 : memref<16xf32, #tpu.memory_space<hbm>>) target_semaphore(%run_scoped3A : memref<!tpu.dma_semaphore, #tpu.memory_space<semaphore_mem>>)
      %dma_wait3A_209 = arith.constant 0 : i32
      %dma_wait3A_210 = tpu.memref_slice %arg6[%add3A, %dma_wait3A_209] : memref<32x16xf32, #tpu.memory_space<hbm>> -> memref<1x16xf32, #tpu.memory_space<hbm>>
      %dma_wait3A_211 = tpu.memref_squeeze %dma_wait3A_210 : memref<1x16xf32, #tpu.memory_space<hbm>> -> memref<16xf32, #tpu.memory_space<hbm>>
      %dma_wait3A_212 = arith.constant 0 : i32
      %dma_wait3A_213 = tpu.memref_slice %arg6[%add3A, %dma_wait3A_212] : memref<32x16xf32, #tpu.memory_space<hbm>> -> memref<1x16xf32, #tpu.memory_space<hbm>>
      %dma_wait3A_214 = tpu.memref_squeeze %dma_wait3A_213 : memref<1x16xf32, #tpu.memory_space<hbm>> -> memref<16xf32, #tpu.memory_space<hbm>>
      tpu.wait_dma2 semaphore(%run_scoped3A : memref<!tpu.dma_semaphore, #tpu.memory_space<semaphore_mem>>) src(%arg11 : memref<16xf32, #tpu.memory_space<vmem>>) dst(%dma_wait3A_214 : memref<16xf32, #tpu.memory_space<hbm>>)
      tpu.yield
    }) : () -> ()
    return
  }
}

module attributes {stable_mosaic.version = 14 : i64} {
  func.func @_tc_body(%arg0: memref<80x125xf32, #tpu.memory_space<vmem>>, %arg1: memref<80x125xf32, #tpu.memory_space<vmem>>, %arg2: memref<10000x128xf32, #tpu.memory_space<vmem>>, %arg3: memref<128x128xf32, #tpu.memory_space<vmem>>, %arg4: memref<128x128xf32, #tpu.memory_space<vmem>>, %arg5: memref<1x128xf32, #tpu.memory_space<vmem>>, %arg6: memref<12048x128xf32, #tpu.memory_space<vmem>>, %arg7: memref<12048x128xf32, #tpu.memory_space<vmem>>, %arg8: memref<1x1xf32, #tpu.memory_space<vmem>>) attributes {dimension_semantics = [], scalar_prefetch = 0 : i64, scratch_operands = 0 : i64, tpu.core_type = #tpu.core_type<tc>} {
    %get3A = arith.constant 0 : index
    %get3A_0 = arith.constant 0 : index
    %get3A_1 = vector.load %arg2[%get3A, %get3A_0] : memref<10000x128xf32, #tpu.memory_space<vmem>>, vector<10000x128xf32>
    %get3A_2 = arith.constant 0 : index
    %get3A_3 = arith.constant 0 : index
    %get3A_4 = vector.load %arg3[%get3A_2, %get3A_3] : memref<128x128xf32, #tpu.memory_space<vmem>>, vector<128x128xf32>
    %dot_general3A = arith.constant dense<0.000000e+00> : vector<10000x128xf32>
    %dot_general3A_5 = tpu.matmul %get3A_1, %get3A_4, %dot_general3A {dimension_numbers = #tpu.dot_dimension_numbers<[1], [0], [0], [1], [0, 0, 1, 1], [], []>, transpose_lhs_hint = false} : vector<10000x128xf32>, vector<128x128xf32>, vector<10000x128xf32> -> vector<10000x128xf32>
    %get3A_6 = arith.constant 0 : index
    %get3A_7 = arith.constant 0 : index
    %get3A_8 = vector.load %arg5[%get3A_6, %get3A_7] : memref<1x128xf32, #tpu.memory_space<vmem>>, vector<1x128xf32>
    %add3A = vector.broadcast %get3A_8 : vector<1x128xf32> to vector<10000x128xf32>
    %add3A_9 = arith.addf %dot_general3A_5, %add3A : vector<10000x128xf32>
    %swap3A = arith.constant 0 : index
    %swap3A_10 = arith.constant 0 : index
    %swap3A_11 = vector.load %arg6[%swap3A, %swap3A_10] : memref<12048x128xf32, #tpu.memory_space<vmem>>, vector<10000x128xf32>
    tpu.vector_store %arg6[%swap3A, %swap3A_10], %add3A_9 {strides = array<i32>} : memref<12048x128xf32, #tpu.memory_space<vmem>>, vector<10000x128xf32>,
    %get3A_12 = arith.constant 0 : index
    %get3A_13 = arith.constant 0 : index
    %get3A_14 = vector.load %arg4[%get3A_12, %get3A_13] : memref<128x128xf32, #tpu.memory_space<vmem>>, vector<128x128xf32>
    %dot_general3A_15 = arith.constant dense<0.000000e+00> : vector<10000x128xf32>
    %dot_general3A_16 = tpu.matmul %get3A_1, %get3A_14, %dot_general3A_15 {dimension_numbers = #tpu.dot_dimension_numbers<[1], [0], [0], [1], [0, 0, 1, 1], [], []>, transpose_lhs_hint = false} : vector<10000x128xf32>, vector<128x128xf32>, vector<10000x128xf32> -> vector<10000x128xf32>
    %swap3A_17 = arith.constant 0 : index
    %swap3A_18 = arith.constant 0 : index
    %swap3A_19 = vector.load %arg7[%swap3A_17, %swap3A_18] : memref<12048x128xf32, #tpu.memory_space<vmem>>, vector<10000x128xf32>
    tpu.vector_store %arg7[%swap3A_17, %swap3A_18], %dot_general3A_16 {strides = array<i32>} : memref<12048x128xf32, #tpu.memory_space<vmem>>, vector<10000x128xf32>,
    %broadcast_in_dim3A = arith.constant 0.000000e+00 : f32
    %broadcast_in_dim3A_20 = vector.broadcast %broadcast_in_dim3A : f32 to vector<2048x128xf32>
    %swap3A_21 = arith.constant 10000 : index
    %swap3A_22 = arith.constant 0 : index
    %swap3A_23 = vector.load %arg6[%swap3A_21, %swap3A_22] : memref<12048x128xf32, #tpu.memory_space<vmem>>, vector<2048x128xf32>
    tpu.vector_store %arg6[%swap3A_21, %swap3A_22], %broadcast_in_dim3A_20 {strides = array<i32>} : memref<12048x128xf32, #tpu.memory_space<vmem>>, vector<2048x128xf32>,
    %swap3A_24 = arith.constant 10000 : index
    %swap3A_25 = arith.constant 0 : index
    %swap3A_26 = vector.load %arg7[%swap3A_24, %swap3A_25] : memref<12048x128xf32, #tpu.memory_space<vmem>>, vector<2048x128xf32>
    tpu.vector_store %arg7[%swap3A_24, %swap3A_25], %broadcast_in_dim3A_20 {strides = array<i32>} : memref<12048x128xf32, #tpu.memory_space<vmem>>, vector<2048x128xf32>,
    %get3A_27 = arith.constant 0 : index
    %get3A_28 = arith.constant 0 : index
    %get3A_29 = vector.load %arg0[%get3A_27, %get3A_28] : memref<80x125xf32, #tpu.memory_space<vmem>>, vector<80x125xf32>
    %get3A_30 = arith.constant 0 : index
    %get3A_31 = arith.constant 0 : index
    %get3A_32 = vector.load %arg1[%get3A_30, %get3A_31] : memref<80x125xf32, #tpu.memory_space<vmem>>, vector<80x125xf32>
    %sub3A = arith.subf %get3A_29, %get3A_32 : vector<80x125xf32>
    %abs3A = math.absf %sub3A : vector<80x125xf32>
    %reduce_sum3A = vector.shape_cast %abs3A : vector<80x125xf32> to vector<1x80x125xf32>
    %reduce_sum3A_33 = arith.constant dense<0.000000e+00> : vector<1xf32>
    %reduce_sum3A_34 = vector.multi_reduction <add>, %reduce_sum3A, %reduce_sum3A_33 [1, 2] : vector<1x80x125xf32> to vector<1xf32>
    %reduce_sum3A_35 = vector.shape_cast %reduce_sum3A_34 : vector<1xf32> to vector<1x1x1xf32>
    %reduce_sum3A_36 = vector.extract %reduce_sum3A_35[0, 0, 0] : f32 from vector<1x1x1xf32>
    %reshape3A = vector.broadcast %reduce_sum3A_36 : f32 to vector<1x1xf32>
    %swap3A_37 = arith.constant 0 : index
    %swap3A_38 = arith.constant 0 : index
    %swap3A_39 = vector.load %arg8[%swap3A_37, %swap3A_38] : memref<1x1xf32, #tpu.memory_space<vmem>>, vector<1x1xf32>
    tpu.vector_store %arg8[%swap3A_37, %swap3A_38], %reshape3A {strides = array<i32>} : memref<1x1xf32, #tpu.memory_space<vmem>>, vector<1x1xf32>,
    return
  }
}

</mosaic_0001>

<sc_bundles>
// kernel: kernel.4.cloned.1.call-start
scs
__scs_entry_jumppad:
0x0: {  	(pc) =	sbr.rel $0x88, $3  }
0x1: {  	(tag) =	ssettag $0x0;
	lr =	simm.s32 $0x1  }
0x2: {  	[smem:$0x3F9B] =	sst lr;
	_ =	strace $0xD0000000  }
0x3: {  	_ = 	snop  }
0x4: {  	_ = 	snop  }
0x5: {  	_ = 	snop  }
0x6: {  	_ = 	snop  }
0x7: {  	_ = 	snop  }
__scs_overlays_trampoline_lowered:
0x8: {  	[smem:$0x3FAA] =	sst s0  }
0x9: {  	[smem:$0x3FAB] =	sst s1  }
0xa: {  	[smem:$0x3FAC] =	sst s2  }
0xb: {  	[smem:$0x3FAD] =	sst s3  }
0xc: {  	[smem:$0x3FAE] =	sst s4  }
0xd: {  	[smem:$0x3FAF] =	sst s5  }
0xe: {  	[smem:$0x3FB0] =	sst s6  }
0xf: {  	[smem:$0x3FB1] =	sst s7  }
0x10: {  	[smem:$0x3FB2] =	sst s8  }
0x11: {  	[smem:$0x3FB3] =	sst s9;
	s0 =	simm.s32 @!p0 $0x0  }
0x12: {  	s1 =	sld [smem:$0x3F99];
	s0 =	simm.s32 @p0 $0x1  }
0x13: {  	[smem:$0x3FB4] =	sst s0;
	s0 =	simm.s32 @!p1 $0x0  }
0x14: {  	s2 =	sld [smem:$0x3F98];
	s0 =	simm.s32 @p1 $0x1  }
0x15: {  	[smem:$0x3FB5] =	sst s0;
	s0 =	simm.s32 @!p2 $0x0  }
0x16: {  	s3 =	sld [smem:$0x3FDB];
	s0 =	simm.s32 @p2 $0x1  }
0x17: {  	s4 =	simm.s32 $0x1BF5;
	[smem:$0x3FB7] =	sst s0  }
0x18: {  	s0 =	sld [smem:$0x3F9A];
	_ =	swait.ge [sflag:s4], $0x0  }
0x19: {  	s7 =	sld [smem:$0x3F9B]  }
0x1a: {  	s8 =	sadd.s32 $0xFFFFE003, lr  }
0x1b: {  	s9 =	sadd.s32 $0xFFFFFEF7, lr;
	s5 =	simm.s32 $0xFFFFFFFF;
	p2 =	slt.u32 s8, $0xFFFFF086  }
0x1c: {  	p1 =	slt.u32 s9, $0xF7A;
	s5 =	simm.s32 @!p2 $0x0  }
0x1d: {  	s5 =	simm.s32 @p1 $0x1;
	p0 =	seq.s32 s7, s2  }
0x1e: {  	s7 =	smul.u32 @!p0 $0xF7A, s2;
	p2 =	seq.s32 @!p0 s5, $0x0  }
0x1f: {  	s9 =	smul.u32 $0xF7A, s1;
	s8 =	simm.s32 @!p0 $0x1BF5;
	p2 =	por !p2, p0  }
0x20: {  	[sflag:s8] =	ssyncset.s32 @!p0 $0xFFFFF086;
	s6 =	sadd.s32 @!p0 s3, s7;
	s7 =	simm.s32 @!p0 $0x108  }
0x21: {  	s3 =	sadd.s32 s3, s9;
	s6 =	sadd.s32 @!p0 $0x88, s6;
	s7 =	simm.s32 @p2 $0x1082  }
0x22: {  	[simem:s7], [sflag:s8] =	dma.local @!p0 [hbm:s6], $0xF7A  }
0x23: {  	s9 =	sor.u32 $0xD0000000, s2;
	s6 =	simm.s32 $0x108;
	_ =	swait.ge @!p0 [sflag:s8], $0x0  }
0x24: {  	s3 =	sadd.s32 $0x88, s3;
	s6 =	simm.s32 @!p1 $0x1082;
	[sflag:s4] =	ssyncset.s32 $0xFFFFF086  }
0x25: {  	[simem:s6], [sflag:s4] =	dma.local [hbm:s3], $0xF7A  }
0x26: {  	[smem:$0x3F9B] =	sst s1;
	(tag) =	ssettag s2;
	_ =	strace s9  }
0x27: {  	s1 =	sld [smem:$0x3FAB]  }
0x28: {  	s2 =	sld [smem:$0x3FAC]  }
0x29: {  	s4 =	sld [smem:$0x3FAE]  }
0x2a: {  	p0 =	seq.s32 s5, $0x0;
	s5 =	sld [smem:$0x3FAF]  }
0x2b: {  	s6 =	sld [smem:$0x3FB0]  }
0x2c: {  	s7 =	sld [smem:$0x3FB1]  }
0x2d: {  	s3 =	simm.s32 $0x108;
	s8 =	sld [smem:$0x3FB2]  }
0x2e: {  	s3 =	simm.s32 @!p0 $0x1082;
	s9 =	sld [smem:$0x3FB3]  }
0x2f: {  	lr =	sadd.s32 s0, s3;
	s0 =	sld [smem:$0x3FAA]  }
0x30: {  	s3 =	sld [smem:$0x3FAD]  }
0x31: {  	[smem:$0x3FB6] =	sst s10  }
0x32: {  	s10 =	sld [smem:$0x3FB4];
	_ =	sdelay $0x3  }
0x33: {  	p0 =	seq.s32 s10, $0x1;
	s10 =	sld [smem:$0x3FB6];
	_ =	sdelay $0x3  }
0x34: {  	[smem:$0x3FB6] =	sst s10  }
0x35: {  	s10 =	sld [smem:$0x3FB5];
	_ =	sdelay $0x3  }
0x36: {  	p1 =	seq.s32 s10, $0x1;
	s10 =	sld [smem:$0x3FB6];
	_ =	sdelay $0x3  }
0x37: {  	[smem:$0x3FB6] =	sst s10  }
0x38: {  	s10 =	sld [smem:$0x3FB7]  }
0x39: {  	_ = 	snop;
	(pc) =	sbr.ind lr, $3  }
0x3a: {  	_ = 	snop  }
0x3b: {  	_ = 	snop  }
0x3c: {  	p2 =	seq.s32 s10, $0x1;
	s10 =	sld [smem:$0x3FB6]  }
0x3d: {  	_ =	shalt  }
0x3e: {  	_ =	shalt  }
0x3f: {  	_ =	shalt  }
0x40: {  	_ =	shalt  }
0x41: {  	_ =	shalt  }
0x42: {  	_ =	shalt  }
0x43: {  	_ =	shalt  }
0x44: {  	_ =	shalt  }
0x45: {  	_ =	shalt  }
0x46: {  	_ =	shalt  }
0x47: {  	_ =	shalt  }
0x48: {  	_ =	shalt  }
0x49: {  	_ =	shalt  }
0x4a: {  	_ =	shalt  }
0x4b: {  	_ =	shalt  }
0x4c: {  	_ =	shalt  }
0x4d: {  	_ =	shalt  }
0x4e: {  	_ =	shalt  }
0x4f: {  	_ =	shalt  }
0x50: {  	_ =	shalt  }
0x51: {  	_ =	shalt  }
0x52: {  	_ =	shalt  }
0x53: {  	_ =	shalt  }
0x54: {  	_ =	shalt  }
0x55: {  	_ =	shalt  }
0x56: {  	_ =	shalt  }
0x57: {  	_ =	shalt  }
0x58: {  	_ =	shalt  }
0x59: {  	_ =	shalt  }
0x5a: {  	_ =	shalt  }
0x5b: {  	_ =	shalt  }
0x5c: {  	_ =	shalt  }
0x5d: {  	_ =	shalt  }
0x5e: {  	_ =	shalt  }
0x5f: {  	_ =	shalt  }
0x60: {  	_ =	shalt  }
0x61: {  	_ =	shalt  }
0x62: {  	_ =	shalt  }
0x63: {  	_ =	shalt  }
0x64: {  	_ =	shalt  }
0x65: {  	_ =	shalt  }
0x66: {  	_ =	shalt  }
0x67: {  	_ =	shalt  }
0x68: {  	_ =	shalt  }
0x69: {  	_ =	shalt  }
0x6a: {  	_ =	shalt  }
0x6b: {  	_ =	shalt  }
0x6c: {  	_ =	shalt  }
0x6d: {  	_ =	shalt  }
0x6e: {  	_ =	shalt  }
0x6f: {  	_ =	shalt  }
0x70: {  	_ =	shalt  }
0x71: {  	_ =	shalt  }
0x72: {  	_ =	shalt  }
0x73: {  	_ =	shalt  }
0x74: {  	_ =	shalt  }
0x75: {  	_ =	shalt  }
0x76: {  	_ =	shalt  }
0x77: {  	_ =	shalt  }
0x78: {  	_ =	shalt  }
0x79: {  	_ =	shalt  }
0x7a: {  	_ =	shalt  }
0x7b: {  	_ =	shalt  }
0x7c: {  	_ =	shalt  }
0x7d: {  	_ =	shalt  }
0x7e: {  	_ =	shalt  }
0x7f: {  	_ =	shalt  }
0x80: {  	_ =	shalt  }
0x81: {  	_ =	shalt  }
0x82: {  	_ =	shalt  }
0x83: {  	_ =	shalt  }
0x84: {  	_ =	shalt  }
0x85: {  	_ =	shalt  }
0x86: {  	_ =	shalt  }
0x87: {  	_ =	shalt  }
.Lfunc_end0:
.L_simem_size_0:
called_computation_lowered:
.L_overlay_start_0:
0x88: {  	s2 =	sld [smem:$0x3FD9]  }
0x89: {  	s3 =	sld [smem:$0x3FFE];
	_ =	sdelay $0x1  }
0x8a: {  	s1 =	srdreg.scid  }
0x8b: {  	s0 =	sand.u32 $0x1, s1  }
0x8c: {  	s16 =	sshll.u32 s0, $0xA;
	s2 =	sadd.s32 s3, s2  }
0x8d: {  	s2 =	sadd.s32 s2, s16  }
0x8e: {  	[smem:$0x3FC2] =	sst s2  }
0x8f: {  	_ = 	snop  }
0x90: {  	(tm) =	ssettm $0x1  }
0x91: {  	s17 =	sld [smem:$0x3FFB];
	_ =	sdelay $0x3  }
0x92: {  	_ =	strace s17  }
0x93: {  	s2 =	sld [smem:$0x3FFC];
	_ =	sdelay $0x3  }
0x94: {  	_ =	strace s2  }
0x95: {  	s2 =	sld [smem:$0x3FFD];
	_ =	sdelay $0x3  }
0x96: {  	_ =	strace s2  }
0x97: {  	_ =	strace $0x8FFFFFFF  }
0x98: {  	s18 =	sld [smem:$0x3FDB];
	_ =	sdelay $0x1  }
0x99: {  	s19 =	simm.s32 $_scs_section_size  }
0x9a: {  	s4 =	simm.s32 $_size__tile_overlayer_lowered;
	s5 =	simm.s32 $_tile_overlayer_lowered  }
0x9b: {  	s22 =	simm.s32 $0x1BFF;
	s21 =	sshll.u32 s5, $0x1;
	s2 =	sadd.s32 s19, s18  }
0x9c: {  	s6 =	simm.s32 $0x0;
	s20 =	sshll.u32 s4, $0x1;
	s4 =	sadd.s32 s21, s2  }
0x9d: {  	[timem:s6], [sflag:s22] =	dma.local [hbm:s4], s20  }
0x9e: {  	_ =	swait.ge [sflag:s22], s20  }
0x9f: {  	s3 =	ssub.s32 $0x0, s20;
	[sflag:s22] =	ssyncset.done $0x0  }
0xa0: {  	[sflag:s22] =	ssyncadd.s32 s3;
	_ =	sdelay $0x1  }
0xa1: {  	s23 =	simm.s32 $0x1B8B  }
0xa2: {  	_ =	swait.ge [sflag:s23], $0x1  }
0xa3: {  	[sflag:s23] =	ssyncset.done $0x0  }
0xa4: {  	s25 =	simm.s32 $0x1B8E;
	s24 =	sld [smem:$0x3FFE];
	[sflag:s23] =	ssyncadd.s32 $0xFFFFFFFF  }
0xa5: {  	s26 =	simm.s32 $execute0_lowered;
	[smem:$0x3FD2] =	sst s25  }
0xa6: {  	s4 =	sshll.u32 s26, $0x1;
	_ =	strace $0x80000046;
	[dreg:$0x1] =	wrdreg $0xFFFFFFFF  }
0xa7: {  	s28 =	simm.s32 $_size_execute0_lowered;
	s2 =	sadd.s32 s2, s4;
	[dreg:$0x0] =	wrdreg $0x0  }
0xa8: {  	s4 =	sshll.u32 s28, $0x1;
	[dreg:$0x2] =	wrdreg s2  }
0xa9: {  	[dreg:$0x3] =	wrdreg s4  }
0xaa: {  	[dreg:$0x4] =	wrdreg $0xC0  }
0xab: {  	_ =	task [dreg:s6], $0x5FFFF  }
0xac: {  	[dreg:$0x1] =	wrdreg $0xFFFFFFFF  }
0xad: {  	[dreg:$0x0] =	wrdreg $0x60  }
0xae: {  	[dreg:$0x2] =	wrdreg s24  }
0xaf: {  	[dreg:$0x3] =	wrdreg $0x9  }
0xb0: {  	_ =	task.clear_ibuf [dreg:s6], $0x4FFFF;
	_ =	strace $0x90000046  }
0xb1: {  	s29 =	simm.s32 $0x9;
	_ =	strace $0x80000048  }
0xb2: {  	_ =	swait.ge [sflag:s29], $0x1  }
0xb3: {  	[sflag:s29] =	ssyncadd.s32 $0xFFFFFFFF  }
0xb4: {  	_ =	strace $0x90000048  }
0xb5: {  	_ =	sfence  }
0xb6: {  	s30 =	sld [smem:$0x0];
	_ =	sdelay $0x2  }
0xb7: {  	s31 =	sshll.u32 s1, $0xD;
	s1 =	sshrl.u32 s1, $0x2  }
0xb8: {  	s3 =	sand.u32 $0x4000, s31;
	s1 =	sadd.s32 s1, s30  }
0xb9: {  	s0 =	sor.u32 s3, s0;
	s1 =	sshll.u32 s1, $0x11  }
0xba: {  	s0 =	sor.u32 s1, s0  }
0xbb: {  	s0 =	sadd.s32 $0x8F2B, s0  }
0xbc: {  	[sflag:s0] =	ssyncadd.remote.s32 $0x1  }
0xbd: {  	_ =	sfence.sel $0xFFFF  }
0xbe: {  	[dreg:$0x0] =	wrdreg $0xFFFFFFFF;
	(pc) =	sbr.abs _section_cstart, $3  }
0xbf: {  	[dreg:$0x1] =	wrdreg $0xFFFFFFFF  }
0xc0: {  	_ =	task.clear_ibuf [dreg:s6], $0x2FFFF;
	_ =	strace $0x9FFFFFFF  }
0xc1: {  	(tm) =	ssettm $0x7FFFFFFF  }
tec
execute0_lowered:
.L_overlay_start_1:
0x0: {  	(tag) =	ssettag $0x1  }
0x1: {  	s0 =	rddreg [dreg:$0x0];
	s1 =	srdreg.scid  }
0x2: {  	s3 =	stileid.u32;
	s2 =	simm.s32 $0x0;
	s9 =	simm.s32 $0x9  }
0x3: {  	s10 =	simm.s32 $0x2800;
	s11 =	simm.s32 $0x40;
	s12 =	simm.s32 $0x5000  }
0x4: {  	s13 =	simm.s32 $0xD000;
	s14 =	simm.s32 $0x7000;
	s16 =	simm.s32 $0xF000  }
0x5: {  	s18 =	simm.s32 $0x9000;
	s20 =	simm.s32 $0x11000;
	s22 =	simm.s32 $0xB000  }
0x6: {  	s24 =	simm.s32 $0x13000;
	s25 =	simm.s32 $0x1;
	s28 =	simm.s32 $0x3  }
0x7: {  	s29 =	simm.s32 $0x4;
	s30 =	simm.s32 $0x5;
	s31 =	simm.s32 $0x6  }
0x8: {  	s17 =	simm.s32 $0x0;
	s1 =	sand.u32 $0x1, s1;
	s3 =	sshll.u32 s3, $0x1  }
0x9: {  	[smem:$0x7FF] =	sst s2;
	s4 =	sadd.s32 $0x43200, s0;
	s5 =	sor.u32 s1, s3  }
0xa: {  	_ =	strace $0x80000047;
	s3 =	sadd.s32 $0x14000, s0;
	s1 =	ssub.s32 $0x2, s1  }
0xb: {  	s6 =	smul.u32 $0x500, s5;
	s5 =	sshll.u32 s5, $0x4;
	s8 =	sshrl.u32 s1, $0x1  }
0xc: {  	s7 =	sadd.s32 s5, s0;
	s26 =	ssub.s32 s1, s8;
	s1 =	simm.s32 $0x8  }
0xd: {  	s5 =	sadd.s32 s0, s6;
	s7 =	sadd.s32 $0x72400, s7;
	s8 =	smax.u32 s26, $0x1  }
0xe: {  	s26 =	simm.s32 $0x2;
	s0 =	simm.s32 $0x7;
	s6 =	sadd.s32 $0xA000, s5  }
.LBB2_1:
0xf: {  	[tilespmem:s2], [sflag:$0x9] =	stream.linear.gather [hbm4b:s6+s2], $0x2800, $0x38;
	[tilespmem:$0x15080] =	vst v63  }
0x10: {  	_ =	swait.ge [sflag:s9], $0x2800  }
0x11: {  	[sflag:s9] =	ssyncset.done $0x0  }
0x12: {  	[sflag:s9] =	ssyncadd.s32 $0xFFFFD800  }
0x13: {  	[tilespmem:s10], [sflag:$0x9] =	stream.linear.gather [hbm4b:s5+s2], $0x2800, $0x38;
	[tilespmem:$0x15080] =	vst v63  }
0x14: {  	_ =	swait.ge [sflag:s9], $0x2800  }
0x15: {  	[sflag:s9] =	ssyncset.done $0x0  }
0x16: {  	[sflag:s9] =	ssyncadd.s32 $0xFFFFD800  }
0x17: {  	[tilespmem:s12], [sflag:$0x1] =	stream.indirect.gather [hbm4b:s3+s11], $0x80, s2, s11, $0xb8;
	[tilespmem:$0x15080] =	vst v63  }
0x18: {  	_ = 	snop  }
0x19: {  	[tilespmem:s13], [sflag:$0x2] =	stream.indirect.gather [hbm4b:s4+s11], $0x80, s10, s11, $0xb8;
	[tilespmem:$0x15080] =	vst v63  }
0x1a: {  	_ = 	snop  }
0x1b: {  	[tilespmem:s14], [sflag:$0x3] =	stream.indirect.gather [hbm4b:s3+s11], $0x80, s11, s11, $0xb8;
	[tilespmem:$0x15080] =	vst v63  }
0x1c: {  	s15 =	simm.s32 $0x2840  }
0x1d: {  	[tilespmem:s16], [sflag:$0x4] =	stream.indirect.gather [hbm4b:s4+s11], $0x80, s15, s11, $0xb8;
	[tilespmem:$0x15080] =	vst v63  }
0x1e: {  	s23 =	simm.s32 $0x80  }
0x1f: {  	[tilespmem:s18], [sflag:$0x5] =	stream.indirect.gather [hbm4b:s3+s11], $0x80, s23, s11, $0xb8;
	[tilespmem:$0x15080] =	vst v63  }
0x20: {  	s19 =	simm.s32 $0x2880  }
0x21: {  	[tilespmem:s20], [sflag:$0x6] =	stream.indirect.gather [hbm4b:s4+s11], $0x80, s19, s11, $0xb8;
	[tilespmem:$0x15080] =	vst v63  }
0x22: {  	s21 =	simm.s32 $0xC0  }
0x23: {  	[tilespmem:s22], [sflag:$0x7] =	stream.indirect.gather [hbm4b:s3+s11], $0x80, s21, s11, $0xb8;
	[tilespmem:$0x15080] =	vst v63  }
0x24: {  	v0 =	vimm.f32 $0.0e+00;
	s23 =	simm.s32 $0x28C0;
	s19 =	simm.s32 $0x0  }
0x25: {  	v1 =	vimm.f32 $0.0e+00;
	v2 =	vimm.f32 $0.0e+00;
	v3 =	vimm.f32 $0.0e+00;
	[tilespmem:s24], [sflag:$0x8] =	stream.indirect.gather [hbm4b:s4+s11], $0x80, s23, s11, $0xb8;
	[tilespmem:$0x15080] =	vst v63  }
.LBB2_2:
0x26: {  	_ =	swait.ge [sflag:s25], $0x2000  }
0x27: {  	[sflag:s25] =	ssyncset.done $0x0  }
0x28: {  	[sflag:s25] =	ssyncadd.s32 $0xFFFFE000  }
0x29: {  	_ =	swait.ge [sflag:s26], $0x2000  }
0x2a: {  	[sflag:s26] =	ssyncset.done $0x0  }
0x2b: {  	s23 =	simm.s32 $0x0;
	[sflag:s26] =	ssyncadd.s32 $0xFFFFE000  }
0x2c: {  	v9 =	vld [tilespmem:s23+$0x5040]  }
0x2d: {  	v11 =	vld [tilespmem:s23+$0xD040]  }
0x2e: {  	v10 =	vld [tilespmem:s23+$0x5050]  }
0x2f: {  	v12 =	vld [tilespmem:s23+$0xD050]  }
0x30: {  	v13 =	vld [tilespmem:s23+$0x5060]  }
0x31: {  	v15 =	vld [tilespmem:s23+$0xD060]  }
0x32: {  	v14 =	vld [tilespmem:s23+$0x5070]  }
0x33: {  	v16 =	vld [tilespmem:s23+$0xD070]  }
0x34: {  	v17 =	vld [tilespmem:s23+$0x5000]  }
0x35: {  	v18 =	vld [tilespmem:s23+$0xD000]  }
0x36: {  	v19 =	vld [tilespmem:s23+$0x5010]  }
0x37: {  	v21 =	vld [tilespmem:s23+$0xD010]  }
0x38: {  	v20 =	vld [tilespmem:s23+$0x5020]  }
0x39: {  	v23 =	vld [tilespmem:s23+$0xD020]  }
0x3a: {  	s21 =	simm.s32 $0x200;
	v22 =	vld [tilespmem:s23+$0x5030]  }
.LBB2_3:
0x3b: {  	p0 =	sne.s32 s21, $0x7E00;
	v4 =	vld [tilespmem:s23+$0xD030];
	s23 =	sshra.s32 s21, $0x2  }
0x3c: {  	v5 =	vadd.f32 v11, v9;
	v9 =	vld [tilespmem:s23+$0x5040]  }
0x3d: {  	v6 =	vadd.f32 v12, v10;
	v7 =	vadd.f32 v15, v13;
	v11 =	vld [tilespmem:s23+$0xD040]  }
0x3e: {  	v8 =	vadd.f32 v18, v17;
	v18 =	vadd.f32 v16, v14;
	v10 =	vld [tilespmem:s23+$0x5050]  }
0x3f: {  	v14 =	vadd.f32 v21, v19;
	v16 =	vadd.f32 v23, v20;
	v12 =	vld [tilespmem:s23+$0xD050]  }
0x40: {  	v5 =	vand.u32 $0x7FFFFFFF, v5;
	v6 =	vand.u32 $0x7FFFFFFF, v6;
	v13 =	vld [tilespmem:s23+$0x5060];
	v4 =	vadd.f32 v4, v22  }
0x41: {  	v8 =	vand.u32 $0x7FFFFFFF, v8;
	v17 =	vand.u32 $0x7FFFFFFF, v14;
	v19 =	vand.u32 $0x7FFFFFFF, v16;
	v15 =	vld [tilespmem:s23+$0xD060]  }
0x42: {  	v3 =	vadd.f32 v8, v3;
	v2 =	vadd.f32 v17, v2;
	v14 =	vld [tilespmem:s23+$0x5070];
	v4 =	vand.u32 $0x7FFFFFFF, v4  }
0x43: {  	v1 =	vadd.f32 v19, v1;
	v16 =	vld [tilespmem:s23+$0xD070];
	v0 =	vadd.f32 v4, v0;
	v4 =	vand.u32 $0x7FFFFFFF, v7  }
0x44: {  	v3 =	vadd.f32 v5, v3;
	v5 =	vand.u32 $0x7FFFFFFF, v18;
	v2 =	vadd.f32 v6, v2;
	v17 =	vld [tilespmem:s23+$0x5000]  }
0x45: {  	v1 =	vadd.f32 v4, v1;
	v18 =	vld [tilespmem:s23+$0xD000];
	v0 =	vadd.f32 v5, v0  }
.Ltmp0:
0x46: {  	v19 =	vld [tilespmem:s23+$0x5010];
	(pc) =	sbr.rel @p0 .LBB2_3-.Ltmp0, $4  }
0x47: {  	v21 =	vld [tilespmem:s23+$0xD010]  }
0x48: {  	v20 =	vld [tilespmem:s23+$0x5020]  }
0x49: {  	v23 =	vld [tilespmem:s23+$0xD020]  }
0x4a: {  	s21 =	sadd.s32 $0x200, s21;
	v22 =	vld [tilespmem:s23+$0x5030]  }
0x4b: {  	s21 =	sshll.u32 s19, $0x8  }
0x4c: {  	s15 =	sadd.s32 $0x100, s21  }
0x4d: {  	v24 =	vld [tilespmem:s23+$0xD030];
	[tilespmem:s12], [sflag:$0x1] =	stream.indirect.gather [hbm4b:s3+s11], $0x80, s15, s11, $0xb8  }
0x4e: {  	s23 =	sadd.s32 $0x2900, s21  }
0x4f: {  	[tilespmem:s13], [sflag:$0x2] =	stream.indirect.gather [hbm4b:s4+s11], $0x80, s23, s11, $0xb8;
	[tilespmem:$0x15080] =	vst v63  }
0x50: {  	_ =	swait.ge [sflag:s28], $0x2000  }
0x51: {  	[sflag:s28] =	ssyncset.done $0x0  }
0x52: {  	[sflag:s28] =	ssyncadd.s32 $0xFFFFE000  }
0x53: {  	_ =	swait.ge [sflag:s29], $0x2000  }
0x54: {  	[sflag:s29] =	ssyncset.done $0x0  }
0x55: {  	s23 =	simm.s32 $0x0;
	[sflag:s29] =	ssyncadd.s32 $0xFFFFE000  }
0x56: {  	v4 =	vld [tilespmem:s23+$0x7040]  }
0x57: {  	v6 =	vld [tilespmem:s23+$0xF040]  }
0x58: {  	v5 =	vld [tilespmem:s23+$0x7050]  }
0x59: {  	v7 =	vld [tilespmem:s23+$0xF050]  }
0x5a: {  	v8 =	vld [tilespmem:s23+$0x7060]  }
0x5b: {  	v9 =	vadd.f32 v11, v9;
	v11 =	vld [tilespmem:s23+$0xF060]  }
0x5c: {  	v12 =	vadd.f32 v12, v10;
	v15 =	vadd.f32 v15, v13;
	v10 =	vld [tilespmem:s23+$0x7070]  }
0x5d: {  	v18 =	vadd.f32 v18, v17;
	v19 =	vadd.f32 v21, v19;
	v13 =	vld [tilespmem:s23+$0xF070]  }
0x5e: {  	v25 =	vadd.f32 v16, v14;
	v14 =	vadd.f32 v23, v20;
	v17 =	vld [tilespmem:s23+$0x7000]  }
0x5f: {  	v20 =	vand.u32 $0x7FFFFFFF, v18;
	v19 =	vand.u32 $0x7FFFFFFF, v19;
	v16 =	vadd.f32 v24, v22;
	v18 =	vld [tilespmem:s23+$0xF000]  }
0x60: {  	v9 =	vand.u32 $0x7FFFFFFF, v9;
	v12 =	vand.u32 $0x7FFFFFFF, v12;
	v2 =	vadd.f32 v19, v2;
	v19 =	vld [tilespmem:s23+$0x7010]  }
0x61: {  	v3 =	vadd.f32 v20, v3;
	v14 =	vand.u32 $0x7FFFFFFF, v14;
	v16 =	vand.u32 $0x7FFFFFFF, v16;
	v20 =	vld [tilespmem:s23+$0xF010]  }
0x62: {  	v63 =	vand.u32 $0x7FFFFFFF, v25;
	v1 =	vadd.f32 v14, v1;
	v0 =	vadd.f32 v16, v0;
	v21 =	vld [tilespmem:s23+$0x7020]  }
0x63: {  	v14 =	vadd.f32 v9, v3;
	v3 =	vand.u32 $0x7FFFFFFF, v15;
	v16 =	vadd.f32 v12, v2;
	v22 =	vld [tilespmem:s23+$0xF020]  }
0x64: {  	s15 =	simm.s32 $0x200;
	v15 =	vadd.f32 v3, v1;
	v12 =	vadd.f32 v63, v0;
	v23 =	vld [tilespmem:s23+$0x7030]  }
.LBB2_5:
0x65: {  	p0 =	sne.s32 s15, $0x7E00;
	v0 =	vld [tilespmem:s23+$0xF030];
	s23 =	sshra.s32 s15, $0x2  }
0x66: {  	v1 =	vadd.f32 v6, v4;
	v4 =	vld [tilespmem:s23+$0x7040]  }
0x67: {  	v2 =	vadd.f32 v7, v5;
	v3 =	vadd.f32 v11, v8;
	v6 =	vld [tilespmem:s23+$0xF040]  }
0x68: {  	v9 =	vadd.f32 v18, v17;
	v18 =	vadd.f32 v13, v10;
	v5 =	vld [tilespmem:s23+$0x7050]  }
0x69: {  	v10 =	vadd.f32 v20, v19;
	v13 =	vadd.f32 v22, v21;
	v7 =	vld [tilespmem:s23+$0xF050]  }
0x6a: {  	v1 =	vand.u32 $0x7FFFFFFF, v1;
	v2 =	vand.u32 $0x7FFFFFFF, v2;
	v8 =	vld [tilespmem:s23+$0x7060];
	v0 =	vadd.f32 v0, v23  }
0x6b: {  	v9 =	vand.u32 $0x7FFFFFFF, v9;
	v17 =	vand.u32 $0x7FFFFFFF, v10;
	v19 =	vand.u32 $0x7FFFFFFF, v13;
	v11 =	vld [tilespmem:s23+$0xF060]  }
0x6c: {  	v9 =	vadd.f32 v9, v14;
	v16 =	vadd.f32 v17, v16;
	v10 =	vld [tilespmem:s23+$0x7070];
	v0 =	vand.u32 $0x7FFFFFFF, v0  }
0x6d: {  	v3 =	vand.u32 $0x7FFFFFFF, v3;
	v15 =	vadd.f32 v19, v15;
	v13 =	vld [tilespmem:s23+$0xF070];
	v0 =	vadd.f32 v0, v12  }
0x6e: {  	v14 =	vadd.f32 v1, v9;
	v1 =	vand.u32 $0x7FFFFFFF, v18;
	v16 =	vadd.f32 v2, v16;
	v17 =	vld [tilespmem:s23+$0x7000]  }
0x6f: {  	v15 =	vadd.f32 v3, v15;
	v18 =	vld [tilespmem:s23+$0xF000];
	v12 =	vadd.f32 v1, v0  }
.Ltmp1:
0x70: {  	v19 =	vld [tilespmem:s23+$0x7010];
	(pc) =	sbr.rel @p0 .LBB2_5-.Ltmp1, $4  }
0x71: {  	v20 =	vld [tilespmem:s23+$0xF010]  }
0x72: {  	v21 =	vld [tilespmem:s23+$0x7020]  }
0x73: {  	v22 =	vld [tilespmem:s23+$0xF020]  }
0x74: {  	s15 =	sadd.s32 $0x200, s15;
	v23 =	vld [tilespmem:s23+$0x7030]  }
0x75: {  	s15 =	sadd.s32 $0x140, s21  }
0x76: {  	v24 =	vld [tilespmem:s23+$0xF030];
	[tilespmem:s14], [sflag:$0x3] =	stream.indirect.gather [hbm4b:s3+s11], $0x80, s15, s11, $0xb8  }
0x77: {  	s23 =	sadd.s32 $0x2940, s21  }
0x78: {  	[tilespmem:s16], [sflag:$0x4] =	stream.indirect.gather [hbm4b:s4+s11], $0x80, s23, s11, $0xb8;
	[tilespmem:$0x15080] =	vst v63  }
0x79: {  	_ =	swait.ge [sflag:s30], $0x2000  }
0x7a: {  	[sflag:s30] =	ssyncset.done $0x0  }
0x7b: {  	[sflag:s30] =	ssyncadd.s32 $0xFFFFE000  }
0x7c: {  	_ =	swait.ge [sflag:s31], $0x2000  }
0x7d: {  	[sflag:s31] =	ssyncset.done $0x0  }
0x7e: {  	s23 =	simm.s32 $0x0;
	[sflag:s31] =	ssyncadd.s32 $0xFFFFE000  }
0x7f: {  	v0 =	vld [tilespmem:s23+$0x9040]  }
0x80: {  	v2 =	vld [tilespmem:s23+$0x11040]  }
0x81: {  	v1 =	vld [tilespmem:s23+$0x9050]  }
0x82: {  	v3 =	vld [tilespmem:s23+$0x11050]  }
0x83: {  	v9 =	vld [tilespmem:s23+$0x9060]  }
0x84: {  	v25 =	vadd.f32 v6, v4;
	v5 =	vadd.f32 v7, v5;
	v6 =	vld [tilespmem:s23+$0x11060]  }
0x85: {  	v7 =	vadd.f32 v11, v8;
	v8 =	vadd.f32 v18, v17;
	v4 =	vld [tilespmem:s23+$0x9070]  }
0x86: {  	v18 =	vadd.f32 v20, v19;
	v11 =	vld [tilespmem:s23+$0x11070]  }
0x87: {  	v10 =	vadd.f32 v13, v10;
	v8 =	vand.u32 $0x7FFFFFFF, v8;
	v17 =	vld [tilespmem:s23+$0x9000]  }
0x88: {  	v13 =	vadd.f32 v22, v21;
	v19 =	vand.u32 $0x7FFFFFFF, v18;
	v20 =	vadd.f32 v24, v23;
	v18 =	vld [tilespmem:s23+$0x11000]  }
0x89: {  	v5 =	vand.u32 $0x7FFFFFFF, v5;
	v8 =	vadd.f32 v8, v14;
	v14 =	vadd.f32 v19, v16;
	v19 =	vld [tilespmem:s23+$0x9010]  }
0x8a: {  	v7 =	vand.u32 $0x7FFFFFFF, v7;
	v13 =	vand.u32 $0x7FFFFFFF, v13;
	v21 =	vand.u32 $0x7FFFFFFF, v20;
	v20 =	vld [tilespmem:s23+$0x11010]  }
0x8b: {  	v16 =	vand.u32 $0x7FFFFFFF, v25;
	v13 =	vadd.f32 v13, v15;
	v23 =	vadd.f32 v21, v12;
	v21 =	vld [tilespmem:s23+$0x9020]  }
0x8c: {  	v15 =	vadd.f32 v5, v14;
	v5 =	vand.u32 $0x7FFFFFFF, v10;
	v12 =	vadd.f32 v16, v8;
	v22 =	vld [tilespmem:s23+$0x11020]  }
0x8d: {  	s15 =	simm.s32 $0x200;
	v13 =	vadd.f32 v7, v13;
	v10 =	vadd.f32 v5, v23;
	v23 =	vld [tilespmem:s23+$0x9030]  }
.LBB2_7:
0x8e: {  	p0 =	sne.s32 s15, $0x7E00;
	v5 =	vld [tilespmem:s23+$0x11030];
	s23 =	sshra.s32 s15, $0x2  }
0x8f: {  	v7 =	vadd.f32 v2, v0;
	v0 =	vld [tilespmem:s23+$0x9040]  }
0x90: {  	v8 =	vadd.f32 v3, v1;
	v14 =	vadd.f32 v6, v9;
	v2 =	vld [tilespmem:s23+$0x11040]  }
0x91: {  	v16 =	vadd.f32 v18, v17;
	v18 =	vadd.f32 v11, v4;
	v1 =	vld [tilespmem:s23+$0x9050]  }
0x92: {  	v4 =	vadd.f32 v20, v19;
	v11 =	vadd.f32 v22, v21;
	v3 =	vld [tilespmem:s23+$0x11050]  }
0x93: {  	v7 =	vand.u32 $0x7FFFFFFF, v7;
	v8 =	vand.u32 $0x7FFFFFFF, v8;
	v9 =	vld [tilespmem:s23+$0x9060];
	v5 =	vadd.f32 v5, v23  }
0x94: {  	v16 =	vand.u32 $0x7FFFFFFF, v16;
	v17 =	vand.u32 $0x7FFFFFFF, v4;
	v19 =	vand.u32 $0x7FFFFFFF, v11;
	v6 =	vld [tilespmem:s23+$0x11060]  }
0x95: {  	v12 =	vadd.f32 v16, v12;
	v15 =	vadd.f32 v17, v15;
	v4 =	vld [tilespmem:s23+$0x9070];
	v5 =	vand.u32 $0x7FFFFFFF, v5  }
0x96: {  	v13 =	vadd.f32 v19, v13;
	v11 =	vld [tilespmem:s23+$0x11070];
	v5 =	vadd.f32 v5, v10;
	v10 =	vand.u32 $0x7FFFFFFF, v14  }
0x97: {  	v12 =	vadd.f32 v7, v12;
	v7 =	vand.u32 $0x7FFFFFFF, v18;
	v15 =	vadd.f32 v8, v15;
	v17 =	vld [tilespmem:s23+$0x9000]  }
0x98: {  	v13 =	vadd.f32 v10, v13;
	v18 =	vld [tilespmem:s23+$0x11000];
	v10 =	vadd.f32 v7, v5  }
.Ltmp2:
0x99: {  	v19 =	vld [tilespmem:s23+$0x9010];
	(pc) =	sbr.rel @p0 .LBB2_7-.Ltmp2, $4  }
0x9a: {  	v20 =	vld [tilespmem:s23+$0x11010]  }
0x9b: {  	v21 =	vld [tilespmem:s23+$0x9020]  }
0x9c: {  	v22 =	vld [tilespmem:s23+$0x11020]  }
0x9d: {  	s15 =	sadd.s32 $0x200, s15;
	v23 =	vld [tilespmem:s23+$0x9030]  }
0x9e: {  	s15 =	sadd.s32 $0x180, s21  }
0x9f: {  	v24 =	vld [tilespmem:s23+$0x11030];
	[tilespmem:s18], [sflag:$0x5] =	stream.indirect.gather [hbm4b:s3+s11], $0x80, s15, s11, $0xb8  }
0xa0: {  	s23 =	sadd.s32 $0x2980, s21  }
0xa1: {  	[tilespmem:s20], [sflag:$0x6] =	stream.indirect.gather [hbm4b:s4+s11], $0x80, s23, s11, $0xb8;
	[tilespmem:$0x15080] =	vst v63  }
0xa2: {  	_ =	swait.ge [sflag:s0], $0x2000  }
0xa3: {  	[sflag:s0] =	ssyncset.done $0x0  }
0xa4: {  	[sflag:s0] =	ssyncadd.s32 $0xFFFFE000  }
0xa5: {  	_ =	swait.ge [sflag:s1], $0x2000  }
0xa6: {  	[sflag:s1] =	ssyncset.done $0x0  }
0xa7: {  	s23 =	simm.s32 $0x0;
	[sflag:s1] =	ssyncadd.s32 $0xFFFFE000  }
0xa8: {  	v5 =	vld [tilespmem:s23+$0xB040]  }
0xa9: {  	v7 =	vld [tilespmem:s23+$0x13040]  }
0xaa: {  	v8 =	vld [tilespmem:s23+$0xB050]  }
0xab: {  	v14 =	vld [tilespmem:s23+$0x13050]  }
0xac: {  	v16 =	vld [tilespmem:s23+$0xB060]  }
0xad: {  	v2 =	vadd.f32 v2, v0;
	v0 =	vld [tilespmem:s23+$0x13060]  }
0xae: {  	v3 =	vadd.f32 v3, v1;
	v6 =	vadd.f32 v6, v9;
	v1 =	vld [tilespmem:s23+$0xB070]  }
0xaf: {  	v17 =	vadd.f32 v18, v17;
	v4 =	vadd.f32 v11, v4;
	v9 =	vld [tilespmem:s23+$0x13070]  }
0xb0: {  	v18 =	vadd.f32 v20, v19;
	v19 =	vadd.f32 v22, v21;
	v11 =	vld [tilespmem:s23+$0xB000]  }
0xb1: {  	v63 =	vand.u32 $0x7FFFFFFF, v17;
	v2 =	vand.u32 $0x7FFFFFFF, v2;
	v20 =	vadd.f32 v24, v23;
	v17 =	vld [tilespmem:s23+$0x13000]  }
0xb2: {  	v18 =	vand.u32 $0x7FFFFFFF, v18;
	v21 =	vadd.f32 v63, v12;
	v19 =	vand.u32 $0x7FFFFFFF, v19;
	v12 =	vld [tilespmem:s23+$0xB010]  }
0xb3: {  	v15 =	vadd.f32 v18, v15;
	v19 =	vadd.f32 v19, v13;
	v18 =	vand.u32 $0x7FFFFFFF, v20;
	v13 =	vld [tilespmem:s23+$0x13010]  }
0xb4: {  	v3 =	vand.u32 $0x7FFFFFFF, v3;
	v6 =	vand.u32 $0x7FFFFFFF, v6;
	v18 =	vadd.f32 v18, v10;
	v10 =	vld [tilespmem:s23+$0xB020]  }
0xb5: {  	v2 =	vadd.f32 v2, v21;
	v3 =	vadd.f32 v3, v15;
	v20 =	vand.u32 $0x7FFFFFFF, v4;
	v15 =	vld [tilespmem:s23+$0x13020]  }
0xb6: {  	s15 =	simm.s32 $0x200;
	v4 =	vadd.f32 v6, v19;
	v6 =	vadd.f32 v20, v18;
	v18 =	vld [tilespmem:s23+$0xB030]  }
.LBB2_9:
0xb7: {  	p0 =	sne.s32 s15, $0x7E00;
	v19 =	vld [tilespmem:s23+$0x13030];
	s23 =	sshra.s32 s15, $0x2  }
0xb8: {  	v20 =	vadd.f32 v7, v5;
	v5 =	vld [tilespmem:s23+$0xB040]  }
0xb9: {  	v21 =	vadd.f32 v14, v8;
	v22 =	vadd.f32 v0, v16;
	v7 =	vld [tilespmem:s23+$0x13040]  }
0xba: {  	v11 =	vadd.f32 v17, v11;
	v17 =	vadd.f32 v9, v1;
	v8 =	vld [tilespmem:s23+$0xB050]  }
0xbb: {  	v1 =	vadd.f32 v13, v12;
	v9 =	vadd.f32 v15, v10;
	v14 =	vld [tilespmem:s23+$0x13050]  }
0xbc: {  	v12 =	vand.u32 $0x7FFFFFFF, v20;
	v13 =	vand.u32 $0x7FFFFFFF, v21;
	v16 =	vld [tilespmem:s23+$0xB060];
	v10 =	vadd.f32 v19, v18  }
0xbd: {  	v11 =	vand.u32 $0x7FFFFFFF, v11;
	v15 =	vand.u32 $0x7FFFFFFF, v1;
	v18 =	vand.u32 $0x7FFFFFFF, v9;
	v0 =	vld [tilespmem:s23+$0x13060]  }
0xbe: {  	v2 =	vadd.f32 v11, v2;
	v3 =	vadd.f32 v15, v3;
	v1 =	vld [tilespmem:s23+$0xB070];
	v10 =	vand.u32 $0x7FFFFFFF, v10  }
0xbf: {  	v4 =	vadd.f32 v18, v4;
	v9 =	vld [tilespmem:s23+$0x13070];
	v6 =	vadd.f32 v10, v6;
	v10 =	vand.u32 $0x7FFFFFFF, v22  }
0xc0: {  	v2 =	vadd.f32 v12, v2;
	v12 =	vand.u32 $0x7FFFFFFF, v17;
	v3 =	vadd.f32 v13, v3;
	v11 =	vld [tilespmem:s23+$0xB000]  }
0xc1: {  	v4 =	vadd.f32 v10, v4;
	v17 =	vld [tilespmem:s23+$0x13000];
	v6 =	vadd.f32 v12, v6  }
.Ltmp3:
0xc2: {  	v12 =	vld [tilespmem:s23+$0xB010];
	(pc) =	sbr.rel @p0 .LBB2_9-.Ltmp3, $4  }
0xc3: {  	v13 =	vld [tilespmem:s23+$0x13010]  }
0xc4: {  	v10 =	vld [tilespmem:s23+$0xB020]  }
0xc5: {  	v15 =	vld [tilespmem:s23+$0x13020]  }
0xc6: {  	s15 =	sadd.s32 $0x200, s15;
	v18 =	vld [tilespmem:s23+$0xB030]  }
0xc7: {  	v19 =	vld [tilespmem:s23+$0x13030];
	_ =	sdelay $0x1  }
0xc8: {  	v5 =	vadd.f32 v7, v5;
	v59 =	vadd.f32 v14, v8  }
0xc9: {  	v0 =	vadd.f32 v0, v16;
	v60 =	vadd.f32 v17, v11  }
0xca: {  	v1 =	vadd.f32 v9, v1;
	s19 =	sadd.s32 $0x1, s19;
	v61 =	vadd.f32 v13, v12;
	v5 =	vand.u32 $0x7FFFFFFF, v5  }
0xcb: {  	p0 =	sne.s32 s19, $0x27;
	v8 =	vand.u32 $0x7FFFFFFF, v60;
	v10 =	vadd.f32 v15, v10;
	v62 =	vadd.f32 v19, v18  }
.Ltmp4:
0xcc: {  	v7 =	vand.u32 $0x7FFFFFFF, v59;
	v9 =	vand.u32 $0x7FFFFFFF, v61;
	v2 =	vadd.f32 v8, v2;
	(pc) =	sbr.rel @p0 .LBB2_2-.Ltmp4, $4  }
0xcd: {  	s15 =	sadd.s32 $0x1C0, s21;
	v63 =	vadd.f32 v9, v3;
	v10 =	vand.u32 $0x7FFFFFFF, v10;
	v3 =	vand.u32 $0x7FFFFFFF, v62  }
0xce: {  	[tilespmem:s22], [sflag:$0x7] =	stream.indirect.gather [hbm4b:s3+s11], $0x80, s15, s11, $0xb8;
	v0 =	vand.u32 $0x7FFFFFFF, v0;
	v4 =	vadd.f32 v10, v4;
	v6 =	vadd.f32 v3, v6;
	[tilespmem:$0x15080] =	vst v63  }
0xcf: {  	s23 =	sadd.s32 $0x29C0, s21;
	v3 =	vadd.f32 v5, v2;
	v2 =	vadd.f32 v7, v63;
	v5 =	vand.u32 $0x7FFFFFFF, v1  }
0xd0: {  	[tilespmem:s24], [sflag:$0x8] =	stream.indirect.gather [hbm4b:s4+s11], $0x80, s23, s11, $0xb8;
	v1 =	vadd.f32 v0, v4;
	v0 =	vadd.f32 v5, v6;
	[tilespmem:$0x15080] =	vst v63  }
0xd1: {  	_ =	swait.ge [sflag:s25], $0x2000  }
0xd2: {  	[sflag:s25] =	ssyncset.done $0x0  }
0xd3: {  	[sflag:s25] =	ssyncadd.s32 $0xFFFFE000  }
0xd4: {  	_ =	swait.ge [sflag:s26], $0x2000  }
0xd5: {  	[sflag:s26] =	ssyncset.done $0x0  }
0xd6: {  	s19 =	simm.s32 $0x0;
	[sflag:s26] =	ssyncadd.s32 $0xFFFFE000  }
0xd7: {  	v9 =	vld [tilespmem:s19+$0x5040]  }
0xd8: {  	v11 =	vld [tilespmem:s19+$0xD040]  }
0xd9: {  	v10 =	vld [tilespmem:s19+$0x5050]  }
0xda: {  	v12 =	vld [tilespmem:s19+$0xD050]  }
0xdb: {  	v13 =	vld [tilespmem:s19+$0x5060]  }
0xdc: {  	v14 =	vld [tilespmem:s19+$0xD060]  }
0xdd: {  	v15 =	vld [tilespmem:s19+$0x5070]  }
0xde: {  	v16 =	vld [tilespmem:s19+$0xD070]  }
0xdf: {  	v17 =	vld [tilespmem:s19+$0x5000]  }
0xe0: {  	v18 =	vld [tilespmem:s19+$0xD000]  }
0xe1: {  	v19 =	vld [tilespmem:s19+$0x5010]  }
0xe2: {  	v21 =	vld [tilespmem:s19+$0xD010]  }
0xe3: {  	v20 =	vld [tilespmem:s19+$0x5020]  }
0xe4: {  	v23 =	vld [tilespmem:s19+$0xD020]  }
0xe5: {  	s15 =	simm.s32 $0x200;
	v22 =	vld [tilespmem:s19+$0x5030]  }
.LBB2_12:
0xe6: {  	p0 =	sne.s32 s15, $0x7E00;
	v4 =	vld [tilespmem:s19+$0xD030];
	s19 =	sshra.s32 s15, $0x2  }
0xe7: {  	v5 =	vadd.f32 v11, v9;
	v9 =	vld [tilespmem:s19+$0x5040]  }
0xe8: {  	v6 =	vadd.f32 v12, v10;
	v7 =	vadd.f32 v14, v13;
	v11 =	vld [tilespmem:s19+$0xD040]  }
0xe9: {  	v8 =	vadd.f32 v18, v17;
	v18 =	vadd.f32 v16, v15;
	v10 =	vld [tilespmem:s19+$0x5050]  }
0xea: {  	v15 =	vadd.f32 v21, v19;
	v16 =	vadd.f32 v23, v20;
	v12 =	vld [tilespmem:s19+$0xD050]  }
0xeb: {  	v5 =	vand.u32 $0x7FFFFFFF, v5;
	v6 =	vand.u32 $0x7FFFFFFF, v6;
	v13 =	vld [tilespmem:s19+$0x5060];
	v4 =	vadd.f32 v4, v22  }
0xec: {  	v8 =	vand.u32 $0x7FFFFFFF, v8;
	v17 =	vand.u32 $0x7FFFFFFF, v15;
	v19 =	vand.u32 $0x7FFFFFFF, v16;
	v14 =	vld [tilespmem:s19+$0xD060]  }
0xed: {  	v3 =	vadd.f32 v8, v3;
	v2 =	vadd.f32 v17, v2;
	v15 =	vld [tilespmem:s19+$0x5070];
	v4 =	vand.u32 $0x7FFFFFFF, v4  }
0xee: {  	v1 =	vadd.f32 v19, v1;
	v16 =	vld [tilespmem:s19+$0xD070];
	v0 =	vadd.f32 v4, v0;
	v4 =	vand.u32 $0x7FFFFFFF, v7  }
0xef: {  	v3 =	vadd.f32 v5, v3;
	v5 =	vand.u32 $0x7FFFFFFF, v18;
	v2 =	vadd.f32 v6, v2;
	v17 =	vld [tilespmem:s19+$0x5000]  }
0xf0: {  	v1 =	vadd.f32 v4, v1;
	v18 =	vld [tilespmem:s19+$0xD000];
	v0 =	vadd.f32 v5, v0  }
.Ltmp5:
0xf1: {  	v19 =	vld [tilespmem:s19+$0x5010];
	(pc) =	sbr.rel @p0 .LBB2_12-.Ltmp5, $4  }
0xf2: {  	v21 =	vld [tilespmem:s19+$0xD010]  }
0xf3: {  	v20 =	vld [tilespmem:s19+$0x5020]  }
0xf4: {  	v23 =	vld [tilespmem:s19+$0xD020]  }
0xf5: {  	s15 =	sadd.s32 $0x200, s15;
	v22 =	vld [tilespmem:s19+$0x5030]  }
0xf6: {  	v24 =	vld [tilespmem:s19+$0xD030];
	_ =	swait.ge [sflag:s28], $0x2000  }
0xf7: {  	[sflag:s28] =	ssyncset.done $0x0  }
0xf8: {  	[sflag:s28] =	ssyncadd.s32 $0xFFFFE000  }
0xf9: {  	_ =	swait.ge [sflag:s29], $0x2000  }
0xfa: {  	[sflag:s29] =	ssyncset.done $0x0  }
0xfb: {  	s19 =	simm.s32 $0x0;
	[sflag:s29] =	ssyncadd.s32 $0xFFFFE000  }
0xfc: {  	v4 =	vld [tilespmem:s19+$0x7040]  }
0xfd: {  	v6 =	vld [tilespmem:s19+$0xF040]  }
0xfe: {  	v5 =	vld [tilespmem:s19+$0x7050]  }
0xff: {  	v7 =	vld [tilespmem:s19+$0xF050]  }
0x100: {  	v8 =	vld [tilespmem:s19+$0x7060]  }
0x101: {  	v9 =	vadd.f32 v11, v9;
	v11 =	vld [tilespmem:s19+$0xF060]  }
0x102: {  	v12 =	vadd.f32 v12, v10;
	v18 =	vadd.f32 v18, v17;
	v10 =	vld [tilespmem:s19+$0x7070]  }
0x103: {  	v13 =	vadd.f32 v14, v13;
	v19 =	vadd.f32 v21, v19;
	v14 =	vld [tilespmem:s19+$0xF070]  }
0x104: {  	v16 =	vadd.f32 v16, v15;
	v18 =	vand.u32 $0x7FFFFFFF, v18;
	v17 =	vld [tilespmem:s19+$0x7000]  }
0x105: {  	v15 =	vadd.f32 v23, v20;
	v20 =	vand.u32 $0x7FFFFFFF, v19;
	v21 =	vadd.f32 v24, v22;
	v19 =	vld [tilespmem:s19+$0xF000]  }
0x106: {  	v9 =	vand.u32 $0x7FFFFFFF, v9;
	v12 =	vand.u32 $0x7FFFFFFF, v12;
	v2 =	vadd.f32 v20, v2;
	v20 =	vld [tilespmem:s19+$0x7010]  }
0x107: {  	v3 =	vadd.f32 v18, v3;
	v15 =	vand.u32 $0x7FFFFFFF, v15;
	v22 =	vld [tilespmem:s19+$0x7020];
	v18 =	vand.u32 $0x7FFFFFFF, v21  }
0x108: {  	v63 =	vand.u32 $0x7FFFFFFF, v16;
	v1 =	vadd.f32 v15, v1;
	v23 =	vld [tilespmem:s19+$0xF020];
	v0 =	vadd.f32 v18, v0  }
0x109: {  	v15 =	vadd.f32 v9, v3;
	v3 =	vand.u32 $0x7FFFFFFF, v13;
	v24 =	vld [tilespmem:s19+$0x7030];
	v18 =	vadd.f32 v12, v2  }
0x10a: {  	s15 =	simm.s32 $0x200;
	v21 =	vld [tilespmem:s19+$0xF010];
	v16 =	vadd.f32 v3, v1;
	v13 =	vadd.f32 v63, v0  }
.LBB2_14:
0x10b: {  	p0 =	sne.s32 s15, $0x7E00;
	v0 =	vld [tilespmem:s19+$0xF030];
	s19 =	sshra.s32 s15, $0x2  }
0x10c: {  	v1 =	vadd.f32 v6, v4;
	v4 =	vld [tilespmem:s19+$0x7040]  }
0x10d: {  	v2 =	vadd.f32 v7, v5;
	v3 =	vadd.f32 v11, v8;
	v6 =	vld [tilespmem:s19+$0xF040]  }
0x10e: {  	v9 =	vadd.f32 v19, v17;
	v12 =	vadd.f32 v14, v10;
	v5 =	vld [tilespmem:s19+$0x7050]  }
0x10f: {  	v10 =	vadd.f32 v21, v20;
	v14 =	vadd.f32 v23, v22;
	v7 =	vld [tilespmem:s19+$0xF050]  }
0x110: {  	v1 =	vand.u32 $0x7FFFFFFF, v1;
	v2 =	vand.u32 $0x7FFFFFFF, v2;
	v8 =	vld [tilespmem:s19+$0x7060];
	v0 =	vadd.f32 v0, v24  }
0x111: {  	v9 =	vand.u32 $0x7FFFFFFF, v9;
	v17 =	vand.u32 $0x7FFFFFFF, v10;
	v19 =	vand.u32 $0x7FFFFFFF, v14;
	v11 =	vld [tilespmem:s19+$0xF060]  }
0x112: {  	v9 =	vadd.f32 v9, v15;
	v18 =	vadd.f32 v17, v18;
	v10 =	vld [tilespmem:s19+$0x7070];
	v0 =	vand.u32 $0x7FFFFFFF, v0  }
0x113: {  	v3 =	vand.u32 $0x7FFFFFFF, v3;
	v16 =	vadd.f32 v19, v16;
	v14 =	vld [tilespmem:s19+$0xF070];
	v0 =	vadd.f32 v0, v13  }
0x114: {  	v15 =	vadd.f32 v1, v9;
	v1 =	vand.u32 $0x7FFFFFFF, v12;
	v18 =	vadd.f32 v2, v18;
	v17 =	vld [tilespmem:s19+$0x7000]  }
0x115: {  	v16 =	vadd.f32 v3, v16;
	v19 =	vld [tilespmem:s19+$0xF000];
	v13 =	vadd.f32 v1, v0  }
.Ltmp6:
0x116: {  	v20 =	vld [tilespmem:s19+$0x7010];
	(pc) =	sbr.rel @p0 .LBB2_14-.Ltmp6, $4  }
0x117: {  	v21 =	vld [tilespmem:s19+$0xF010]  }
0x118: {  	v22 =	vld [tilespmem:s19+$0x7020]  }
0x119: {  	v23 =	vld [tilespmem:s19+$0xF020]  }
0x11a: {  	s15 =	sadd.s32 $0x200, s15;
	v24 =	vld [tilespmem:s19+$0x7030]  }
0x11b: {  	v25 =	vld [tilespmem:s19+$0xF030];
	_ =	swait.ge [sflag:s30], $0x2000  }
0x11c: {  	[sflag:s30] =	ssyncset.done $0x0  }
0x11d: {  	[sflag:s30] =	ssyncadd.s32 $0xFFFFE000  }
0x11e: {  	_ =	swait.ge [sflag:s31], $0x2000  }
0x11f: {  	[sflag:s31] =	ssyncset.done $0x0  }
0x120: {  	s19 =	simm.s32 $0x0;
	[sflag:s31] =	ssyncadd.s32 $0xFFFFE000  }
0x121: {  	v0 =	vld [tilespmem:s19+$0x9040]  }
0x122: {  	v2 =	vld [tilespmem:s19+$0x11040]  }
0x123: {  	v1 =	vld [tilespmem:s19+$0x9050]  }
0x124: {  	v3 =	vld [tilespmem:s19+$0x11050]  }
0x125: {  	v9 =	vld [tilespmem:s19+$0x9060]  }
0x126: {  	v4 =	vadd.f32 v6, v4;
	v12 =	vld [tilespmem:s19+$0x11060]  }
0x127: {  	v5 =	vadd.f32 v7, v5;
	v6 =	vadd.f32 v11, v8;
	v7 =	vld [tilespmem:s19+$0x9070]  }
0x128: {  	v8 =	vadd.f32 v19, v17;
	v11 =	vadd.f32 v21, v20;
	v17 =	vld [tilespmem:s19+$0x11070]  }
0x129: {  	v10 =	vadd.f32 v14, v10;
	v14 =	vadd.f32 v23, v22;
	v19 =	vld [tilespmem:s19+$0x9000]  }
0x12a: {  	v8 =	vand.u32 $0x7FFFFFFF, v8;
	v11 =	vand.u32 $0x7FFFFFFF, v11;
	v21 =	vadd.f32 v25, v24;
	v20 =	vld [tilespmem:s19+$0x11000]  }
0x12b: {  	v8 =	vadd.f32 v8, v15;
	v11 =	vadd.f32 v11, v18;
	v14 =	vand.u32 $0x7FFFFFFF, v14;
	v18 =	vld [tilespmem:s19+$0x9010]  }
0x12c: {  	v4 =	vand.u32 $0x7FFFFFFF, v4;
	v14 =	vadd.f32 v14, v16;
	v16 =	vld [tilespmem:s19+$0x11010];
	v15 =	vand.u32 $0x7FFFFFFF, v21  }
0x12d: {  	v5 =	vand.u32 $0x7FFFFFFF, v5;
	v22 =	vld [tilespmem:s19+$0x11020];
	v23 =	vadd.f32 v15, v13;
	v13 =	vadd.f32 v4, v8  }
0x12e: {  	v21 =	vld [tilespmem:s19+$0x9020];
	v4 =	vand.u32 $0x7FFFFFFF, v6;
	v15 =	vadd.f32 v5, v11;
	v5 =	vand.u32 $0x7FFFFFFF, v10  }
0x12f: {  	s15 =	simm.s32 $0x200;
	v14 =	vadd.f32 v4, v14;
	v11 =	vadd.f32 v5, v23;
	v23 =	vld [tilespmem:s19+$0x9030]  }
.LBB2_16:
0x130: {  	p0 =	sne.s32 s15, $0x7E00;
	v4 =	vld [tilespmem:s19+$0x11030];
	s19 =	sshra.s32 s15, $0x2  }
0x131: {  	v5 =	vadd.f32 v2, v0;
	v0 =	vld [tilespmem:s19+$0x9040]  }
0x132: {  	v6 =	vadd.f32 v3, v1;
	v8 =	vadd.f32 v12, v9;
	v2 =	vld [tilespmem:s19+$0x11040]  }
0x133: {  	v10 =	vadd.f32 v20, v19;
	v20 =	vadd.f32 v17, v7;
	v1 =	vld [tilespmem:s19+$0x9050]  }
0x134: {  	v7 =	vadd.f32 v16, v18;
	v16 =	vadd.f32 v22, v21;
	v3 =	vld [tilespmem:s19+$0x11050]  }
0x135: {  	v5 =	vand.u32 $0x7FFFFFFF, v5;
	v6 =	vand.u32 $0x7FFFFFFF, v6;
	v9 =	vld [tilespmem:s19+$0x9060];
	v4 =	vadd.f32 v4, v23  }
0x136: {  	v10 =	vand.u32 $0x7FFFFFFF, v10;
	v17 =	vand.u32 $0x7FFFFFFF, v7;
	v16 =	vand.u32 $0x7FFFFFFF, v16;
	v12 =	vld [tilespmem:s19+$0x11060]  }
0x137: {  	v10 =	vadd.f32 v10, v13;
	v15 =	vadd.f32 v17, v15;
	v7 =	vld [tilespmem:s19+$0x9070];
	v4 =	vand.u32 $0x7FFFFFFF, v4  }
0x138: {  	v8 =	vand.u32 $0x7FFFFFFF, v8;
	v14 =	vadd.f32 v16, v14;
	v17 =	vld [tilespmem:s19+$0x11070];
	v4 =	vadd.f32 v4, v11  }
0x139: {  	v13 =	vadd.f32 v5, v10;
	v5 =	vand.u32 $0x7FFFFFFF, v20;
	v15 =	vadd.f32 v6, v15;
	v19 =	vld [tilespmem:s19+$0x9000]  }
0x13a: {  	v14 =	vadd.f32 v8, v14;
	v20 =	vld [tilespmem:s19+$0x11000];
	v11 =	vadd.f32 v5, v4  }
.Ltmp7:
0x13b: {  	v18 =	vld [tilespmem:s19+$0x9010];
	(pc) =	sbr.rel @p0 .LBB2_16-.Ltmp7, $4  }
0x13c: {  	v16 =	vld [tilespmem:s19+$0x11010]  }
0x13d: {  	v21 =	vld [tilespmem:s19+$0x9020]  }
0x13e: {  	v22 =	vld [tilespmem:s19+$0x11020]  }
0x13f: {  	s15 =	sadd.s32 $0x200, s15;
	v23 =	vld [tilespmem:s19+$0x9030]  }
0x140: {  	v24 =	vld [tilespmem:s19+$0x11030];
	_ =	swait.ge [sflag:s0], $0x2000  }
0x141: {  	[sflag:s0] =	ssyncset.done $0x0  }
0x142: {  	[sflag:s0] =	ssyncadd.s32 $0xFFFFE000  }
0x143: {  	_ =	swait.ge [sflag:s1], $0x2000  }
0x144: {  	[sflag:s1] =	ssyncset.done $0x0  }
0x145: {  	s19 =	simm.s32 $0x0;
	[sflag:s1] =	ssyncadd.s32 $0xFFFFE000  }
0x146: {  	v4 =	vld [tilespmem:s19+$0xB040]  }
0x147: {  	v5 =	vld [tilespmem:s19+$0x13040]  }
0x148: {  	v6 =	vld [tilespmem:s19+$0xB050]  }
0x149: {  	v8 =	vld [tilespmem:s19+$0x13050]  }
0x14a: {  	v10 =	vld [tilespmem:s19+$0xB060]  }
0x14b: {  	v25 =	vadd.f32 v2, v0;
	v2 =	vld [tilespmem:s19+$0x13060]  }
0x14c: {  	v3 =	vadd.f32 v3, v1;
	v9 =	vadd.f32 v12, v9;
	v0 =	vld [tilespmem:s19+$0xB070]  }
0x14d: {  	v19 =	vadd.f32 v20, v19;
	v16 =	vadd.f32 v16, v18;
	v1 =	vld [tilespmem:s19+$0x13070]  }
0x14e: {  	v17 =	vadd.f32 v17, v7;
	v7 =	vadd.f32 v22, v21;
	v12 =	vld [tilespmem:s19+$0xB000]  }
0x14f: {  	v19 =	vand.u32 $0x7FFFFFFF, v19;
	v20 =	vand.u32 $0x7FFFFFFF, v16;
	v18 =	vadd.f32 v24, v23;
	v16 =	vld [tilespmem:s19+$0x13000]  }
0x150: {  	v19 =	vadd.f32 v19, v13;
	v20 =	vadd.f32 v20, v15;
	v7 =	vand.u32 $0x7FFFFFFF, v7;
	v13 =	vld [tilespmem:s19+$0xB010]  }
0x151: {  	v15 =	vand.u32 $0x7FFFFFFF, v25;
	v63 =	vadd.f32 v7, v14;
	v14 =	vld [tilespmem:s19+$0x13010];
	v18 =	vand.u32 $0x7FFFFFFF, v18  }
0x152: {  	v3 =	vand.u32 $0x7FFFFFFF, v3;
	v7 =	vadd.f32 v15, v19;
	v15 =	vld [tilespmem:s19+$0xB020];
	v18 =	vadd.f32 v18, v11  }
0x153: {  	v11 =	vand.u32 $0x7FFFFFFF, v9;
	v9 =	vadd.f32 v3, v20;
	v3 =	vand.u32 $0x7FFFFFFF, v17;
	v17 =	vld [tilespmem:s19+$0x13020]  }
0x154: {  	s15 =	simm.s32 $0x200;
	v11 =	vadd.f32 v11, v63;
	v3 =	vadd.f32 v3, v18;
	v18 =	vld [tilespmem:s19+$0xB030]  }
.LBB2_18:
0x155: {  	p0 =	sne.s32 s15, $0x7E00;
	v19 =	vld [tilespmem:s19+$0x13030];
	s19 =	sshra.s32 s15, $0x2  }
0x156: {  	v20 =	vadd.f32 v5, v4;
	v4 =	vld [tilespmem:s19+$0xB040]  }
0x157: {  	v21 =	vadd.f32 v8, v6;
	v22 =	vadd.f32 v2, v10;
	v5 =	vld [tilespmem:s19+$0x13040]  }
0x158: {  	v12 =	vadd.f32 v16, v12;
	v16 =	vadd.f32 v1, v0;
	v6 =	vld [tilespmem:s19+$0xB050]  }
0x159: {  	v0 =	vadd.f32 v14, v13;
	v1 =	vadd.f32 v17, v15;
	v8 =	vld [tilespmem:s19+$0x13050]  }
0x15a: {  	v14 =	vand.u32 $0x7FFFFFFF, v20;
	v15 =	vand.u32 $0x7FFFFFFF, v21;
	v10 =	vld [tilespmem:s19+$0xB060];
	v13 =	vadd.f32 v19, v18  }
0x15b: {  	v12 =	vand.u32 $0x7FFFFFFF, v12;
	v17 =	vand.u32 $0x7FFFFFFF, v0;
	v18 =	vand.u32 $0x7FFFFFFF, v1;
	v2 =	vld [tilespmem:s19+$0x13060]  }
0x15c: {  	v7 =	vadd.f32 v12, v7;
	v9 =	vadd.f32 v17, v9;
	v0 =	vld [tilespmem:s19+$0xB070];
	v12 =	vand.u32 $0x7FFFFFFF, v13  }
0x15d: {  	v11 =	vadd.f32 v18, v11;
	v13 =	vand.u32 $0x7FFFFFFF, v22;
	v1 =	vld [tilespmem:s19+$0x13070];
	v3 =	vadd.f32 v12, v3  }
0x15e: {  	v7 =	vadd.f32 v14, v7;
	v14 =	vand.u32 $0x7FFFFFFF, v16;
	v9 =	vadd.f32 v15, v9;
	v12 =	vld [tilespmem:s19+$0xB000]  }
0x15f: {  	v11 =	vadd.f32 v13, v11;
	v16 =	vld [tilespmem:s19+$0x13000];
	v3 =	vadd.f32 v14, v3  }
.Ltmp8:
0x160: {  	v13 =	vld [tilespmem:s19+$0xB010];
	(pc) =	sbr.rel @p0 .LBB2_18-.Ltmp8, $4  }
0x161: {  	v14 =	vld [tilespmem:s19+$0x13010]  }
0x162: {  	v15 =	vld [tilespmem:s19+$0xB020]  }
0x163: {  	v17 =	vld [tilespmem:s19+$0x13020]  }
0x164: {  	s15 =	sadd.s32 $0x200, s15;
	v18 =	vld [tilespmem:s19+$0xB030]  }
0x165: {  	v19 =	vld [tilespmem:s19+$0x13030]  }
0x166: {  	v54 =	vadd.f32 v16, v12  }
0x167: {  	v4 =	vadd.f32 v5, v4;
	v55 =	vadd.f32 v14, v13  }
0x168: {  	v53 =	vadd.f32 v8, v6;
	v2 =	vadd.f32 v2, v10;
	v6 =	vand.u32 $0x7FFFFFFF, v54  }
0x169: {  	v56 =	vadd.f32 v17, v15;
	v8 =	vand.u32 $0x7FFFFFFF, v55;
	v6 =	vadd.f32 v6, v7  }
0x16a: {  	v4 =	vand.u32 $0x7FFFFFFF, v4;
	v58 =	vadd.f32 v8, v9;
	v57 =	vadd.f32 v19, v18  }
0x16b: {  	v5 =	vand.u32 $0x7FFFFFFF, v53;
	v10 =	vand.u32 $0x7FFFFFFF, v56;
	v4 =	vadd.f32 v4, v6  }
0x16c: {  	v59 =	vadd.f32 v10, v11;
	v5 =	vadd.f32 v5, v58;
	v60 =	vand.u32 $0x7FFFFFFF, v57  }
0x16d: {  	v0 =	vadd.f32 v1, v0;
	v2 =	vand.u32 $0x7FFFFFFF, v2;
	v61 =	vadd.f32 v60, v3  }
0x16e: {  	v2 =	vadd.f32 v2, v59;
	v62 =	vadd.f32 v5, v4  }
0x16f: {  	v0 =	vand.u32 $0x7FFFFFFF, v0  }
0x170: {  	v0 =	vadd.f32 v0, v61;
	v63 =	vadd.f32 v2, v62;
	_ =	sdelay $0x1  }
0x171: {  	s17 =	sadd.s32 $0x1, s17;
	v0 =	vadd.f32 v0, v63  }
0x172: {  	p0 =	sne.s32 s17, s8  }
.Ltmp9:
0x173: {  	s15 =	simm.s32 $0x15000;
	[tilespmem:$0x15000] =	vst v0;
	(pc) =	sbr.rel @p0 .LBB2_1-.Ltmp9, $4  }
0x174: {  	[hbm4b:s7+s2] =	stream.linear.scatter [tilespmem:s15], [sflag:$0x9], $0x80, $0x38;
	[tilespmem:$0x15080] =	vst v63  }
0x175: {  	_ =	swait.ge [sflag:s9], $0x80  }
0x176: {  	[sflag:s9] =	ssyncset.done $0x0  }
0x177: {  	[sflag:s9] =	ssyncadd.s32 $0xFFFFFF80  }
0x178: {  	_ =	sfence.sel $0x180000  }
0x179: {  	[bflag:$0x0] =	sbarrier.arrive $0xFFFF  }
0x17a: {  	_ =	strace $0x90000047  }
0x17b: {  	s0 =	stileid.u32;
	[bflag:$0x2] =	sbarrier.arrive $0xFFFF  }
0x17c: {  	p0 =	sne.s32 s0, $0x0;
	s0 =	rddreg [dreg:$0x1]  }
0x17d: {  	s0 =	sadd.s32 @!p0 $0x100000, s0  }
0x17e: {  	[sflag:s0] =	ssyncadd.tile.s32 @!p0 $0x1;
	_ =	shalt  }
.Lfunc_end2:
_tile_overlayer_lowered:
.L_overlay_start_2:
0x17f: {  	(tag) =	ssettag $0x2  }
0x180: {  	s0 =	rddreg [dreg:$0x0];
	s2 =	stileid.u32  }
0x181: {  	s1 =	rddreg [dreg:$0x1];
	p0 =	sne.s32 s2, $0x0  }
0x182: {  	s3 =	rddreg [dreg:$0x2];
	[bflag:$0x3] =	sbarrier.arrive $0xFFFF;
	s2 =	simm.s32 @!p0 $0x1C09  }
0x183: {  	[timem:s3], [sflag:s2] =	dma.local @!p0 [hbm:s0], s1  }
0x184: {  	s0 =	simm.s32 @!p0 $0x9  }
0x185: {  	_ =	swait.ge @!p0 [sflag:s0], s1  }
0x186: {  	s1 =	ssub.s32 @!p0 $0x0, s1;
	[sflag:s0] =	ssyncset.done @!p0 $0x0  }
0x187: {  	[sflag:s0] =	ssyncadd.s32 @!p0 s1  }
0x188: {  	[bflag:$0x3] =	sbarrier.arrive $0xFFFF  }
0x189: {  	_ =	shalt  }

</sc_bundles>
